<compile_context>
chip_gen: v7x
topology: tpu7x:2x2x1
jax: 0.10.2.dev20260603
libtpu: 0.0.44.dev20260713+nightly
codegen_flags: <defaults>
</compile_context>

<pallas_src>
import functools

import jax
import jax.numpy as jnp
from jax import lax
from jax.experimental import pallas as pl
from jax.experimental.pallas import tpu as pltpu
from jax.experimental.pallas import tpu_sc as plsc

N_NODES = 10000
N_EDGES = 160000
NFEAT = 256
HID = 16
NCLASS = 40
D = 2 * HID

NC, NS, L = 2, 16, 16
EW = 128
NR = 1280
ROWS_PER_T = NR // NS
CHUNK_ROWS = 8
N_CHUNKS = ROWS_PER_T // CHUNK_ROWS
NE_PAD = NR * EW
NP = 10240
TR = NP // NS


def _spmm_body(with_deg, S_hbm, src_hbm, dst_hbm, w_hbm, z2_hbm, z1_hbm,
               *rest):
    if with_deg:
        (agg_out, deg_out, src_v, dst_v, w_v, idxg, idxs, rows1,
         S_sh, agg_sh, deg_sh, sem) = rest
    else:
        (agg_out, src_v, dst_v, w_v, idxg, idxs, rows1,
         S_sh, agg_sh, sem) = rest

    c = lax.axis_index("c")
    s = lax.axis_index("s")

    pltpu.sync_copy(S_hbm.at[c, pl.ds(s * TR * HID, TR * HID)],
                    S_sh.at[pl.ds(s * TR * HID, TR * HID)])
    pltpu.sync_copy(z2_hbm.at[pl.ds(s * TR * HID, TR * HID)],
                    agg_sh.at[pl.ds(s * TR * HID, TR * HID)])
    if with_deg:
        @pl.when(c == 0)
        def _():
            pltpu.sync_copy(z1_hbm.at[pl.ds(s * TR, TR)],
                            deg_sh.at[pl.ds(s * TR, TR)])

    plsc.subcore_barrier()

    def chunk(i, carry):
        r0 = s * ROWS_PER_T + i * CHUNK_ROWS
        pltpu.sync_copy(src_hbm.at[pl.ds(r0, CHUNK_ROWS)], src_v)
        pltpu.sync_copy(dst_hbm.at[pl.ds(r0, CHUNK_ROWS)], dst_v)
        pltpu.sync_copy(w_hbm.at[pl.ds(r0, CHUNK_ROWS)], w_v)

        def row(j, carry2):
            def bld(g, carry3):
                s16 = src_v[j, pl.ds(g * L, L)] * HID
                d16 = dst_v[j, pl.ds(g * L, L)] * HID
                for f in range(HID):
                    idxg[pl.ds(g * L * HID + f * L, L)] = s16 + f
                    idxs[pl.ds(g * L * HID + f * L, L)] = d16 + f
                return carry3

            lax.fori_loop(0, EW // L, bld, 0)
            pltpu.async_copy(S_sh.at[idxg], rows1, sem).wait()

            def scale(g, carry3):
                w16 = w_v[j, pl.ds(g * L, L)]
                for f in range(HID):
                    o = g * L * HID + f * L
                    rows1[pl.ds(o, L)] = rows1[pl.ds(o, L)] * w16
                return carry3

            lax.fori_loop(0, EW // L, scale, 0)
            pltpu.sync_copy(rows1, agg_sh.at[idxs], add=True)
            if with_deg:
                @pl.when(c == 0)
                def _():
                    pltpu.sync_copy(w_v.at[j], deg_sh.at[dst_v.at[j]],
                                    add=True)
            return carry2

        lax.fori_loop(0, CHUNK_ROWS, row, 0)
        return carry

    lax.fori_loop(0, N_CHUNKS, chunk, 0)

    plsc.subcore_barrier()

    pltpu.sync_copy(agg_sh.at[pl.ds(s * TR * HID, TR * HID)],
                    agg_out.at[c, pl.ds(s * TR * HID, TR * HID)])
    if with_deg:
        @pl.when(c == 0)
        def _():
            pltpu.sync_copy(deg_sh.at[pl.ds(s * TR, TR)],
                            deg_out.at[pl.ds(s * TR, TR)])


def _make_spmm(with_deg):
    mesh = plsc.VectorSubcoreMesh(core_axis_name="c", subcore_axis_name="s",
                                  num_cores=NC, num_subcores=NS)
    out_type = [jax.ShapeDtypeStruct((NC, NP * HID), jnp.float32)]
    scratch = [
        pltpu.VMEM((CHUNK_ROWS, EW), jnp.int32),
        pltpu.VMEM((CHUNK_ROWS, EW), jnp.int32),
        pltpu.VMEM((CHUNK_ROWS, EW), jnp.float32),
        pltpu.VMEM((EW * HID,), jnp.int32),
        pltpu.VMEM((EW * HID,), jnp.int32),
        pltpu.VMEM((EW * HID,), jnp.float32),
    ]
    if with_deg:
        out_type.append(jax.ShapeDtypeStruct((NP,), jnp.float32))
    scratch.append(pltpu.VMEM_SHARED((NP * HID,), jnp.float32))
    scratch.append(pltpu.VMEM_SHARED((NP * HID,), jnp.float32))
    if with_deg:
        scratch.append(pltpu.VMEM_SHARED((NP,), jnp.float32))
    scratch.append(pltpu.SemaphoreType.DMA)

    return pl.kernel(functools.partial(_spmm_body, with_deg),
                     out_type=tuple(out_type), mesh=mesh,
                     scratch_types=tuple(scratch))


_spmm_deg = _make_spmm(True)
_spmm_plain = _make_spmm(False)



def _mm_body(x_ref, w_ref, o_ref):
    r = jnp.dot(x_ref[...], w_ref[...], preferred_element_type=jnp.float32)
    o_ref[0] = r[:, :HID]
    o_ref[1] = r[:, HID:]


def _tc_matmul(x, Wcat):
    return pl.pallas_call(
        _mm_body,
        grid=(10,),
        in_specs=[pl.BlockSpec((1000, NFEAT), lambda i: (i, 0)),
                  pl.BlockSpec((NFEAT, D), lambda i: (0, 0))],
        out_specs=pl.BlockSpec((NC, 1000, HID), lambda i: (0, i, 0)),
        out_shape=jax.ShapeDtypeStruct((NC, N_NODES, HID), jnp.float32),
    )(x, Wcat)


def _post_body(agg_ref, deg_ref, b1_ref, bns_ref, o_ref):
    d = deg_ref[...]
    o_ref[0] = jnp.maximum(agg_ref[0] + b1_ref[...], 0.0)
    o_ref[1] = jnp.maximum(agg_ref[1] / (d + 1e-6) + bns_ref[...], 0.0)


def _tc_post(agg, deg, b1, bns):
    return pl.pallas_call(
        _post_body,
        grid=(5,),
        in_specs=[pl.BlockSpec((NC, 2048, HID), lambda i: (0, i, 0)),
                  pl.BlockSpec((2048, 1), lambda i: (i, 0)),
                  pl.BlockSpec((1, HID), lambda i: (0, 0)),
                  pl.BlockSpec((1, HID), lambda i: (0, 0))],
        out_specs=pl.BlockSpec((NC, 2048, HID), lambda i: (0, i, 0)),
        out_shape=jax.ShapeDtypeStruct((NC, NP, HID), jnp.float32),
    )(agg, deg.reshape(NP, 1), b1.reshape(1, HID), bns.reshape(1, HID))


def _final_body(agg_ref, w_ref, b_ref, o_ref):
    a = jnp.concatenate([agg_ref[0], agg_ref[1]], axis=1)
    o = jnp.dot(a, w_ref[...], preferred_element_type=jnp.float32) + b_ref[...]
    m = jnp.max(o, axis=1, keepdims=True)
    lse = jnp.log(jnp.sum(jnp.exp(o - m), axis=1, keepdims=True)) + m
    o_ref[...] = o - lse


def _tc_final(agg2, W3, b3):
    return pl.pallas_call(
        _final_body,
        grid=(5,),
        in_specs=[pl.BlockSpec((NC, 2048, HID), lambda i: (0, i, 0)),
                  pl.BlockSpec((D, NCLASS), lambda i: (0, 0)),
                  pl.BlockSpec((1, NCLASS), lambda i: (0, 0))],
        out_specs=pl.BlockSpec((2048, NCLASS), lambda i: (i, 0)),
        out_shape=jax.ShapeDtypeStruct((NP, NCLASS), jnp.float32),
    )(agg2, W3, b3.reshape(1, NCLASS))


def kernel(x, adj, adj_weight, W1, b1, Wns, bns, W3, b3):
    src = adj[0]
    dst = adj[1]
    npad = NE_PAD - N_EDGES
    pidx = (jnp.arange(npad, dtype=jnp.int32) * 13) % N_NODES
    src_p = jnp.concatenate([src, pidx]).reshape(NR, EW)
    dst_p = jnp.concatenate([dst, pidx]).reshape(NR, EW)
    w_p = jnp.concatenate(
        [adj_weight, jnp.zeros((npad,), jnp.float32)]).reshape(NR, EW)
    z2 = jnp.zeros((NP * HID,), jnp.float32)
    z1 = jnp.zeros((NP,), jnp.float32)

    Wcat = jnp.concatenate([W1, Wns], axis=1)
    S2 = _tc_matmul(x, Wcat)
    S2 = jnp.concatenate(
        [S2, jnp.zeros((NC, NP - N_NODES, HID), jnp.float32)], axis=1)
    S2f = S2.reshape(NC, NP * HID)

    agg, deg = _spmm_deg(S2f, src_p, dst_p, w_p, z2, z1)
    h2 = _tc_post(agg.reshape(NC, NP, HID), deg, b1, bns)
    (agg2,) = _spmm_plain(h2.reshape(NC, NP * HID), src_p, dst_p, w_p, z2, z1)
    agg2 = agg2.reshape(NC, NP, HID)
    out = _tc_final(agg2, W3, b3)
    return out[:N_NODES]

# --- scband reference (transcript-rebuilt; emitter-appended) ---
"""Pipeline reference for scband-nsgcn-29892972380839 (READ-ONLY COPY).

The authoritative reference and input builder live on the scoring server;
editing this copy changes nothing except your own understanding.
"""

import jax, jax.numpy as jnp
import numpy as np

N_NODES = 10000
N_EDGES = 160000
NFEAT = 256
HID = 16
NCLASS = 40


def _gcn_layer(x, W, b, src, dst, w, n_nodes):
    # GraphConvolution: support = x @ W ; out = spmm(adj, support) + b
    support = x @ W
    msg = support[src] * w[:, None]
    agg = jax.ops.segment_sum(msg, dst, num_segments=n_nodes)
    return agg + b


def _ns_layer(x, W, b, src, dst, w, n_nodes):
    # NSModule: linear transform + weight-normalized neighbor smoothing
    h = x @ W
    msg = h[src] * w[:, None]
    agg = jax.ops.segment_sum(msg, dst, num_segments=n_nodes)
    deg = jax.ops.segment_sum(w, dst, num_segments=n_nodes)
    return agg / (deg[:, None] + 1e-6) + b


def setup_inputs(seed: int = 0) -> dict:
    key = jax.random.key(seed)
    ks = jax.random.split(key, 10)
    x = jax.random.normal(ks[0], (N_NODES, NFEAT), dtype=jnp.float32)
    adj = jax.random.randint(ks[1], (2, N_EDGES), 0, N_NODES, dtype=jnp.int32)
    adj_weight = jax.random.uniform(ks[2], (N_EDGES,), dtype=jnp.float32)
    W1 = jax.random.normal(ks[3], (NFEAT, HID), dtype=jnp.float32) * (1.0 / np.sqrt(NFEAT))
    b1 = jnp.zeros((HID,), dtype=jnp.float32)
    Wns = jax.random.normal(ks[4], (NFEAT, HID), dtype=jnp.float32) * (1.0 / np.sqrt(NFEAT))
    bns = jnp.zeros((HID,), dtype=jnp.float32)
    W3 = jax.random.normal(ks[5], (2 * HID, NCLASS), dtype=jnp.float32) * (1.0 / np.sqrt(2 * HID))
    b3 = jnp.zeros((NCLASS,), dtype=jnp.float32)
    return {"x": x, "adj": adj, "adj_weight": adj_weight, "W1": W1, "b1": b1, "Wns": Wns, "bns": bns, "W3": W3, "b3": b3}


def reference(x, adj, adj_weight, W1, b1, Wns, bns, W3, b3):
    src = adj[0]
    dst = adj[1]
    x1 = jax.nn.relu(_gcn_layer(x, W1, b1, src, dst, adj_weight, N_NODES))
    # dropout is identity in eval / deterministic reference
    x2 = jax.nn.relu(_ns_layer(x, Wns, bns, src, dst, adj_weight, N_NODES))
    h = jnp.concatenate((x1, x2), axis=1)
    out = _gcn_layer(h, W3, b3, src, dst, adj_weight, N_NODES)
    return jax.nn.log_softmax(out, axis=1)

if __name__ == "__main__":
    import jax
    _d = setup_inputs()
    print(jax.jit(kernel)(*tuple(_d.values())))

</pallas_src>

<mosaic_0001>
#map = affine_map<(d0, d1) -> (0, 0)>
#map1 = affine_map<(d0, d1) -> (0)>
module attributes {stable_mosaic.version = 14 : i64} {
  func.func @_spmm_body(%arg0: i32, %arg1: i32, %arg2: memref<2x163840xf32, #tpu.memory_space<hbm>>, %arg3: memref<1280x128xi32, #tpu.memory_space<hbm>>, %arg4: memref<1280x128xi32, #tpu.memory_space<hbm>>, %arg5: memref<1280x128xf32, #tpu.memory_space<hbm>>, %arg6: memref<163840xf32, #tpu.memory_space<hbm>>, %arg7: memref<10240xf32, #tpu.memory_space<hbm>>, %arg8: memref<2x163840xf32, #tpu.memory_space<hbm>>, %arg9: memref<10240xf32, #tpu.memory_space<hbm>>, %arg10: memref<8x128xi32, #tpu.memory_space<vmem>>, %arg11: memref<8x128xi32, #tpu.memory_space<vmem>>, %arg12: memref<8x128xf32, #tpu.memory_space<vmem>>, %arg13: memref<2048xi32, #tpu.memory_space<vmem>>, %arg14: memref<2048xi32, #tpu.memory_space<vmem>>, %arg15: memref<2048xf32, #tpu.memory_space<vmem>>, %arg16: memref<163840xf32, #tpu.memory_space<vmem_shared>>, %arg17: memref<163840xf32, #tpu.memory_space<vmem_shared>>, %arg18: memref<10240xf32, #tpu.memory_space<vmem_shared>>, %arg19: memref<!tpu.dma_semaphore, #tpu.memory_space<semaphore_mem>>) attributes {dimension_semantics = [#tpu.dimension_semantics<core_parallel>, #tpu.dimension_semantics<subcore_parallel>], iteration_bounds = array<i64: 2, 16>, scalar_prefetch = 0 : i64, scratch_operands = 10 : i64, tpu.core_type = #tpu.core_type<sc_vector_subcore>, window_params = [{transform_indices = #map}, {transform_indices = #map}, {transform_indices = #map}, {transform_indices = #map}, {transform_indices = #map1}, {transform_indices = #map1}, {transform_indices = #map}, {transform_indices = #map1}]} {
    %mul3A = arith.constant 640 : i32
    %mul3A_0 = arith.muli %arg1, %mul3A : i32
    %mul3A_1 = arith.constant 16 : i32
    %mul3A_2 = arith.muli %mul3A_0, %mul3A_1 : i32
    %mul3A_3 = arith.constant 640 : i32
    %mul3A_4 = arith.muli %arg1, %mul3A_3 : i32
    %mul3A_5 = arith.constant 16 : i32
    %mul3A_6 = arith.muli %mul3A_4, %mul3A_5 : i32
    "tpu.region"() ({
      %run_scoped3A = tpu.sem_alloc : memref<!tpu.dma_semaphore, #tpu.memory_space<semaphore_mem>>
      %dma_start3A = tpu.memref_slice %arg16[%mul3A_6] : memref<163840xf32, #tpu.memory_space<vmem_shared>> -> memref<10240xf32, #tpu.memory_space<vmem_shared>>
      %dma_start3A_36 = tpu.memref_slice %arg2[%arg0, %mul3A_2] : memref<2x163840xf32, #tpu.memory_space<hbm>> -> memref<1x10240xf32, #tpu.memory_space<hbm>>
      %dma_start3A_37 = tpu.memref_squeeze %dma_start3A_36 : memref<1x10240xf32, #tpu.memory_space<hbm>> -> memref<10240xf32, #tpu.memory_space<hbm>>
      tpu.enqueue_dma source(%dma_start3A_37 : memref<10240xf32, #tpu.memory_space<hbm>>) target(%dma_start3A : memref<10240xf32, #tpu.memory_space<vmem_shared>>) target_semaphore(%run_scoped3A : memref<!tpu.dma_semaphore, #tpu.memory_space<semaphore_mem>>)
      %dma_wait3A = tpu.memref_slice %arg16[%mul3A_6] : memref<163840xf32, #tpu.memory_space<vmem_shared>> -> memref<10240xf32, #tpu.memory_space<vmem_shared>>
      %dma_wait3A_38 = tpu.memref_slice %arg2[%arg0, %mul3A_2] : memref<2x163840xf32, #tpu.memory_space<hbm>> -> memref<1x10240xf32, #tpu.memory_space<hbm>>
      %dma_wait3A_39 = tpu.memref_squeeze %dma_wait3A_38 : memref<1x10240xf32, #tpu.memory_space<hbm>> -> memref<10240xf32, #tpu.memory_space<hbm>>
      tpu.wait_dma2 semaphore(%run_scoped3A : memref<!tpu.dma_semaphore, #tpu.memory_space<semaphore_mem>>) src(%dma_wait3A_39 : memref<10240xf32, #tpu.memory_space<hbm>>) dst(%dma_wait3A : memref<10240xf32, #tpu.memory_space<vmem_shared>>)
      tpu.yield
    }) : () -> ()
    %mul3A_7 = arith.constant 640 : i32
    %mul3A_8 = arith.muli %arg1, %mul3A_7 : i32
    %mul3A_9 = arith.constant 16 : i32
    %mul3A_10 = arith.muli %mul3A_8, %mul3A_9 : i32
    %mul3A_11 = arith.constant 640 : i32
    %mul3A_12 = arith.muli %arg1, %mul3A_11 : i32
    %mul3A_13 = arith.constant 16 : i32
    %mul3A_14 = arith.muli %mul3A_12, %mul3A_13 : i32
    "tpu.region"() ({
      %run_scoped3A = tpu.sem_alloc : memref<!tpu.dma_semaphore, #tpu.memory_space<semaphore_mem>>
      %dma_start3A = tpu.memref_slice %arg17[%mul3A_14] : memref<163840xf32, #tpu.memory_space<vmem_shared>> -> memref<10240xf32, #tpu.memory_space<vmem_shared>>
      %dma_start3A_36 = tpu.memref_slice %arg6[%mul3A_10] : memref<163840xf32, #tpu.memory_space<hbm>> -> memref<10240xf32, #tpu.memory_space<hbm>>
      tpu.enqueue_dma source(%dma_start3A_36 : memref<10240xf32, #tpu.memory_space<hbm>>) target(%dma_start3A : memref<10240xf32, #tpu.memory_space<vmem_shared>>) target_semaphore(%run_scoped3A : memref<!tpu.dma_semaphore, #tpu.memory_space<semaphore_mem>>)
      %dma_wait3A = tpu.memref_slice %arg17[%mul3A_14] : memref<163840xf32, #tpu.memory_space<vmem_shared>> -> memref<10240xf32, #tpu.memory_space<vmem_shared>>
      %dma_wait3A_37 = tpu.memref_slice %arg6[%mul3A_10] : memref<163840xf32, #tpu.memory_space<hbm>> -> memref<10240xf32, #tpu.memory_space<hbm>>
      tpu.wait_dma2 semaphore(%run_scoped3A : memref<!tpu.dma_semaphore, #tpu.memory_space<semaphore_mem>>) src(%dma_wait3A_37 : memref<10240xf32, #tpu.memory_space<hbm>>) dst(%dma_wait3A : memref<10240xf32, #tpu.memory_space<vmem_shared>>)
      tpu.yield
    }) : () -> ()
    %eq3A = arith.constant 0 : i32
    %eq3A_15 = arith.cmpi eq, %arg0, %eq3A : i32
    %convert_element_type3A = arith.extui %eq3A_15 : i1 to i32
    %cond3A = arith.constant 0 : i32
    %cond3A_16 = arith.cmpi ne, %convert_element_type3A, %cond3A : i32
    scf.if %cond3A_16 {
      %mul3A_36 = arith.constant 640 : i32
      %mul3A_37 = arith.muli %arg1, %mul3A_36 : i32
      %mul3A_38 = arith.constant 640 : i32
      %mul3A_39 = arith.muli %arg1, %mul3A_38 : i32
      "tpu.region"() ({
        %run_scoped3A = tpu.sem_alloc : memref<!tpu.dma_semaphore, #tpu.memory_space<semaphore_mem>>
        %dma_start3A = tpu.memref_slice %arg18[%mul3A_39] : memref<10240xf32, #tpu.memory_space<vmem_shared>> -> memref<640xf32, #tpu.memory_space<vmem_shared>>
        %dma_start3A_40 = tpu.memref_slice %arg7[%mul3A_37] : memref<10240xf32, #tpu.memory_space<hbm>> -> memref<640xf32, #tpu.memory_space<hbm>>
        tpu.enqueue_dma source(%dma_start3A_40 : memref<640xf32, #tpu.memory_space<hbm>>) target(%dma_start3A : memref<640xf32, #tpu.memory_space<vmem_shared>>) target_semaphore(%run_scoped3A : memref<!tpu.dma_semaphore, #tpu.memory_space<semaphore_mem>>)
        %dma_wait3A = tpu.memref_slice %arg18[%mul3A_39] : memref<10240xf32, #tpu.memory_space<vmem_shared>> -> memref<640xf32, #tpu.memory_space<vmem_shared>>
        %dma_wait3A_41 = tpu.memref_slice %arg7[%mul3A_37] : memref<10240xf32, #tpu.memory_space<hbm>> -> memref<640xf32, #tpu.memory_space<hbm>>
        tpu.wait_dma2 semaphore(%run_scoped3A : memref<!tpu.dma_semaphore, #tpu.memory_space<semaphore_mem>>) src(%dma_wait3A_41 : memref<640xf32, #tpu.memory_space<hbm>>) dst(%dma_wait3A : memref<640xf32, #tpu.memory_space<vmem_shared>>)
        tpu.yield
      }) : () -> ()
    } else {
    }
    %barrier3A = arith.constant 0 : index
    tpu.barrier barrier_id(%barrier3A)
    %scan3A = arith.constant 0 : i32
    %scan3A_17 = arith.constant 0 : i32
    %scan3A_18 = arith.constant 10 : i32
    %scan3A_19 = arith.addi %scan3A_17, %scan3A_18 : i32
    %scan3A_20 = arith.constant 1 : i32
    scf.for %scan3A_36 = %scan3A_17 to %scan3A_19 step %scan3A_20  : i32 {
      %mul3A_37 = arith.constant 80 : i32
      %mul3A_38 = arith.muli %arg1, %mul3A_37 : i32
      %mul3A_39 = arith.constant 8 : i32
      %mul3A_40 = arith.muli %scan3A_36, %mul3A_39 : i32
      %add3A = arith.addi %mul3A_38, %mul3A_40 : i32
      "tpu.region"() ({
        %run_scoped3A = tpu.sem_alloc : memref<!tpu.dma_semaphore, #tpu.memory_space<semaphore_mem>>
        %dma_start3A = arith.constant 0 : i32
        %dma_start3A_47 = tpu.memref_slice %arg3[%add3A, %dma_start3A] : memref<1280x128xi32, #tpu.memory_space<hbm>> -> memref<8x128xi32, #tpu.memory_space<hbm>>
        %dma_start3A_48 = arith.constant 0 : i32
        %dma_start3A_49 = tpu.memref_slice %arg3[%add3A, %dma_start3A_48] : memref<1280x128xi32, #tpu.memory_space<hbm>> -> memref<8x128xi32, #tpu.memory_space<hbm>>
        tpu.enqueue_dma source(%dma_start3A_49 : memref<8x128xi32, #tpu.memory_space<hbm>>) target(%arg10 : memref<8x128xi32, #tpu.memory_space<vmem>>) target_semaphore(%run_scoped3A : memref<!tpu.dma_semaphore, #tpu.memory_space<semaphore_mem>>)
        %dma_wait3A = arith.constant 0 : i32
        %dma_wait3A_50 = tpu.memref_slice %arg3[%add3A, %dma_wait3A] : memref<1280x128xi32, #tpu.memory_space<hbm>> -> memref<8x128xi32, #tpu.memory_space<hbm>>
        %dma_wait3A_51 = arith.constant 0 : i32
        %dma_wait3A_52 = tpu.memref_slice %arg3[%add3A, %dma_wait3A_51] : memref<1280x128xi32, #tpu.memory_space<hbm>> -> memref<8x128xi32, #tpu.memory_space<hbm>>
        tpu.wait_dma2 semaphore(%run_scoped3A : memref<!tpu.dma_semaphore, #tpu.memory_space<semaphore_mem>>) src(%dma_wait3A_52 : memref<8x128xi32, #tpu.memory_space<hbm>>) dst(%arg10 : memref<8x128xi32, #tpu.memory_space<vmem>>)
        tpu.yield
      }) : () -> ()
      "tpu.region"() ({
        %run_scoped3A = tpu.sem_alloc : memref<!tpu.dma_semaphore, #tpu.memory_space<semaphore_mem>>
        %dma_start3A = arith.constant 0 : i32
        %dma_start3A_47 = tpu.memref_slice %arg4[%add3A, %dma_start3A] : memref<1280x128xi32, #tpu.memory_space<hbm>> -> memref<8x128xi32, #tpu.memory_space<hbm>>
        %dma_start3A_48 = arith.constant 0 : i32
        %dma_start3A_49 = tpu.memref_slice %arg4[%add3A, %dma_start3A_48] : memref<1280x128xi32, #tpu.memory_space<hbm>> -> memref<8x128xi32, #tpu.memory_space<hbm>>
        tpu.enqueue_dma source(%dma_start3A_49 : memref<8x128xi32, #tpu.memory_space<hbm>>) target(%arg11 : memref<8x128xi32, #tpu.memory_space<vmem>>) target_semaphore(%run_scoped3A : memref<!tpu.dma_semaphore, #tpu.memory_space<semaphore_mem>>)
        %dma_wait3A = arith.constant 0 : i32
        %dma_wait3A_50 = tpu.memref_slice %arg4[%add3A, %dma_wait3A] : memref<1280x128xi32, #tpu.memory_space<hbm>> -> memref<8x128xi32, #tpu.memory_space<hbm>>
        %dma_wait3A_51 = arith.constant 0 : i32
        %dma_wait3A_52 = tpu.memref_slice %arg4[%add3A, %dma_wait3A_51] : memref<1280x128xi32, #tpu.memory_space<hbm>> -> memref<8x128xi32, #tpu.memory_space<hbm>>
        tpu.wait_dma2 semaphore(%run_scoped3A : memref<!tpu.dma_semaphore, #tpu.memory_space<semaphore_mem>>) src(%dma_wait3A_52 : memref<8x128xi32, #tpu.memory_space<hbm>>) dst(%arg11 : memref<8x128xi32, #tpu.memory_space<vmem>>)
        tpu.yield
      }) : () -> ()
      "tpu.region"() ({
        %run_scoped3A = tpu.sem_alloc : memref<!tpu.dma_semaphore, #tpu.memory_space<semaphore_mem>>
        %dma_start3A = arith.constant 0 : i32
        %dma_start3A_47 = tpu.memref_slice %arg5[%add3A, %dma_start3A] : memref<1280x128xf32, #tpu.memory_space<hbm>> -> memref<8x128xf32, #tpu.memory_space<hbm>>
        %dma_start3A_48 = arith.constant 0 : i32
        %dma_start3A_49 = tpu.memref_slice %arg5[%add3A, %dma_start3A_48] : memref<1280x128xf32, #tpu.memory_space<hbm>> -> memref<8x128xf32, #tpu.memory_space<hbm>>
        tpu.enqueue_dma source(%dma_start3A_49 : memref<8x128xf32, #tpu.memory_space<hbm>>) target(%arg12 : memref<8x128xf32, #tpu.memory_space<vmem>>) target_semaphore(%run_scoped3A : memref<!tpu.dma_semaphore, #tpu.memory_space<semaphore_mem>>)
        %dma_wait3A = arith.constant 0 : i32
        %dma_wait3A_50 = tpu.memref_slice %arg5[%add3A, %dma_wait3A] : memref<1280x128xf32, #tpu.memory_space<hbm>> -> memref<8x128xf32, #tpu.memory_space<hbm>>
        %dma_wait3A_51 = arith.constant 0 : i32
        %dma_wait3A_52 = tpu.memref_slice %arg5[%add3A, %dma_wait3A_51] : memref<1280x128xf32, #tpu.memory_space<hbm>> -> memref<8x128xf32, #tpu.memory_space<hbm>>
        tpu.wait_dma2 semaphore(%run_scoped3A : memref<!tpu.dma_semaphore, #tpu.memory_space<semaphore_mem>>) src(%dma_wait3A_52 : memref<8x128xf32, #tpu.memory_space<hbm>>) dst(%arg12 : memref<8x128xf32, #tpu.memory_space<vmem>>)
        tpu.yield
      }) : () -> ()
      %scan3A_41 = arith.constant 0 : i32
      %scan3A_42 = arith.constant 0 : i32
      %scan3A_43 = arith.constant 8 : i32
      %scan3A_44 = arith.addi %scan3A_42, %scan3A_43 : i32
      %scan3A_45 = arith.constant 1 : i32
      scf.for %scan3A_47 = %scan3A_42 to %scan3A_44 step %scan3A_45  : i32 {
        %scan3A_48 = arith.constant 0 : i32
        %scan3A_49 = arith.constant 0 : i32
        %scan3A_50 = arith.constant 8 : i32
        %scan3A_51 = arith.addi %scan3A_49, %scan3A_50 : i32
        %scan3A_52 = arith.constant 1 : i32
        scf.for %scan3A_67 = %scan3A_49 to %scan3A_51 step %scan3A_52  : i32 {
          %mul3A_68 = arith.constant 16 : i32
          %mul3A_69 = arith.muli %scan3A_67, %mul3A_68 : i32
          %get3A = arith.index_cast %scan3A_47 : i32 to index
          %get3A_70 = arith.index_cast %mul3A_69 : i32 to index
          %get3A_71 = tpu.vector_load %arg10[%get3A, %get3A_70] {strides = array<i32>} : memref<8x128xi32, #tpu.memory_space<vmem>>, vector<1x16xi32>,
          %get3A_72 = vector.shape_cast %get3A_71 : vector<1x16xi32> to vector<16xi32>
          %mul3A_73 = arith.constant 16 : i32
          %mul3A_74 = vector.broadcast %mul3A_73 : i32 to vector<16xi32>
          %mul3A_75 = arith.muli %get3A_72, %mul3A_74 : vector<16xi32>
          %mul3A_76 = arith.constant 16 : i32
          %mul3A_77 = arith.muli %scan3A_67, %mul3A_76 : i32
          %get3A_78 = arith.index_cast %scan3A_47 : i32 to index
          %get3A_79 = arith.index_cast %mul3A_77 : i32 to index
          %get3A_80 = tpu.vector_load %arg11[%get3A_78, %get3A_79] {strides = array<i32>} : memref<8x128xi32, #tpu.memory_space<vmem>>, vector<1x16xi32>,
          %get3A_81 = vector.shape_cast %get3A_80 : vector<1x16xi32> to vector<16xi32>
          %mul3A_82 = arith.constant 16 : i32
          %mul3A_83 = vector.broadcast %mul3A_82 : i32 to vector<16xi32>
          %mul3A_84 = arith.muli %get3A_81, %mul3A_83 : vector<16xi32>
          %add3A_85 = arith.constant 0 : i32
          %add3A_86 = vector.broadcast %add3A_85 : i32 to vector<16xi32>
          %add3A_87 = arith.addi %mul3A_75, %add3A_86 : vector<16xi32>
          %mul3A_88 = arith.constant 16 : i32
          %mul3A_89 = arith.muli %scan3A_67, %mul3A_88 : i32
          %mul3A_90 = arith.constant 16 : i32
          %mul3A_91 = arith.muli %mul3A_89, %mul3A_90 : i32
          %add3A_92 = arith.constant 0 : i32
          %add3A_93 = arith.addi %mul3A_91, %add3A_92 : i32
          %swap3A = arith.index_cast %add3A_93 : i32 to index
          %swap3A_94 = tpu.vector_load %arg13[%swap3A] {strides = array<i32>} : memref<2048xi32, #tpu.memory_space<vmem>>, vector<16xi32>,
          %swap3A_95 = vector.shape_cast %swap3A_94 : vector<16xi32> to vector<16xi32>
          %swap3A_96 = vector.shape_cast %add3A_87 : vector<16xi32> to vector<16xi32>
          tpu.vector_store %arg13[%swap3A], %swap3A_96 {strides = array<i32>} : memref<2048xi32, #tpu.memory_space<vmem>>, vector<16xi32>,
          %add3A_97 = arith.constant 0 : i32
          %add3A_98 = vector.broadcast %add3A_97 : i32 to vector<16xi32>
          %add3A_99 = arith.addi %mul3A_84, %add3A_98 : vector<16xi32>
          %mul3A_100 = arith.constant 16 : i32
          %mul3A_101 = arith.muli %scan3A_67, %mul3A_100 : i32
          %mul3A_102 = arith.constant 16 : i32
          %mul3A_103 = arith.muli %mul3A_101, %mul3A_102 : i32
          %add3A_104 = arith.constant 0 : i32
          %add3A_105 = arith.addi %mul3A_103, %add3A_104 : i32
          %swap3A_106 = arith.index_cast %add3A_105 : i32 to index
          %swap3A_107 = tpu.vector_load %arg14[%swap3A_106] {strides = array<i32>} : memref<2048xi32, #tpu.memory_space<vmem>>, vector<16xi32>,
          %swap3A_108 = vector.shape_cast %swap3A_107 : vector<16xi32> to vector<16xi32>
          %swap3A_109 = vector.shape_cast %add3A_99 : vector<16xi32> to vector<16xi32>
          tpu.vector_store %arg14[%swap3A_106], %swap3A_109 {strides = array<i32>} : memref<2048xi32, #tpu.memory_space<vmem>>, vector<16xi32>,
          %add3A_110 = arith.constant 1 : i32
          %add3A_111 = vector.broadcast %add3A_110 : i32 to vector<16xi32>
          %add3A_112 = arith.addi %mul3A_75, %add3A_111 : vector<16xi32>
          %mul3A_113 = arith.constant 16 : i32
          %mul3A_114 = arith.muli %scan3A_67, %mul3A_113 : i32
          %mul3A_115 = arith.constant 16 : i32
          %mul3A_116 = arith.muli %mul3A_114, %mul3A_115 : i32
          %add3A_117 = arith.constant 16 : i32
          %add3A_118 = arith.addi %mul3A_116, %add3A_117 : i32
          %swap3A_119 = arith.index_cast %add3A_118 : i32 to index
          %swap3A_120 = tpu.vector_load %arg13[%swap3A_119] {strides = array<i32>} : memref<2048xi32, #tpu.memory_space<vmem>>, vector<16xi32>,
          %swap3A_121 = vector.shape_cast %swap3A_120 : vector<16xi32> to vector<16xi32>
          %swap3A_122 = vector.shape_cast %add3A_112 : vector<16xi32> to vector<16xi32>
          tpu.vector_store %arg13[%swap3A_119], %swap3A_122 {strides = array<i32>} : memref<2048xi32, #tpu.memory_space<vmem>>, vector<16xi32>,
          %add3A_123 = arith.constant 1 : i32
          %add3A_124 = vector.broadcast %add3A_123 : i32 to vector<16xi32>
          %add3A_125 = arith.addi %mul3A_84, %add3A_124 : vector<16xi32>
          %mul3A_126 = arith.constant 16 : i32
          %mul3A_127 = arith.muli %scan3A_67, %mul3A_126 : i32
          %mul3A_128 = arith.constant 16 : i32
          %mul3A_129 = arith.muli %mul3A_127, %mul3A_128 : i32
          %add3A_130 = arith.constant 16 : i32
          %add3A_131 = arith.addi %mul3A_129, %add3A_130 : i32
          %swap3A_132 = arith.index_cast %add3A_131 : i32 to index
          %swap3A_133 = tpu.vector_load %arg14[%swap3A_132] {strides = array<i32>} : memref<2048xi32, #tpu.memory_space<vmem>>, vector<16xi32>,
          %swap3A_134 = vector.shape_cast %swap3A_133 : vector<16xi32> to vector<16xi32>
          %swap3A_135 = vector.shape_cast %add3A_125 : vector<16xi32> to vector<16xi32>
          tpu.vector_store %arg14[%swap3A_132], %swap3A_135 {strides = array<i32>} : memref<2048xi32, #tpu.memory_space<vmem>>, vector<16xi32>,
          %add3A_136 = arith.constant 2 : i32
          %add3A_137 = vector.broadcast %add3A_136 : i32 to vector<16xi32>
          %add3A_138 = arith.addi %mul3A_75, %add3A_137 : vector<16xi32>
          %mul3A_139 = arith.constant 16 : i32
          %mul3A_140 = arith.muli %scan3A_67, %mul3A_139 : i32
          %mul3A_141 = arith.constant 16 : i32
          %mul3A_142 = arith.muli %mul3A_140, %mul3A_141 : i32
          %add3A_143 = arith.constant 32 : i32
          %add3A_144 = arith.addi %mul3A_142, %add3A_143 : i32
          %swap3A_145 = arith.index_cast %add3A_144 : i32 to index
          %swap3A_146 = tpu.vector_load %arg13[%swap3A_145] {strides = array<i32>} : memref<2048xi32, #tpu.memory_space<vmem>>, vector<16xi32>,
          %swap3A_147 = vector.shape_cast %swap3A_146 : vector<16xi32> to vector<16xi32>
          %swap3A_148 = vector.shape_cast %add3A_138 : vector<16xi32> to vector<16xi32>
          tpu.vector_store %arg13[%swap3A_145], %swap3A_148 {strides = array<i32>} : memref<2048xi32, #tpu.memory_space<vmem>>, vector<16xi32>,
          %add3A_149 = arith.constant 2 : i32
          %add3A_150 = vector.broadcast %add3A_149 : i32 to vector<16xi32>
          %add3A_151 = arith.addi %mul3A_84, %add3A_150 : vector<16xi32>
          %mul3A_152 = arith.constant 16 : i32
          %mul3A_153 = arith.muli %scan3A_67, %mul3A_152 : i32
          %mul3A_154 = arith.constant 16 : i32
          %mul3A_155 = arith.muli %mul3A_153, %mul3A_154 : i32
          %add3A_156 = arith.constant 32 : i32
          %add3A_157 = arith.addi %mul3A_155, %add3A_156 : i32
          %swap3A_158 = arith.index_cast %add3A_157 : i32 to index
          %swap3A_159 = tpu.vector_load %arg14[%swap3A_158] {strides = array<i32>} : memref<2048xi32, #tpu.memory_space<vmem>>, vector<16xi32>,
          %swap3A_160 = vector.shape_cast %swap3A_159 : vector<16xi32> to vector<16xi32>
          %swap3A_161 = vector.shape_cast %add3A_151 : vector<16xi32> to vector<16xi32>
          tpu.vector_store %arg14[%swap3A_158], %swap3A_161 {strides = array<i32>} : memref<2048xi32, #tpu.memory_space<vmem>>, vector<16xi32>,
          %add3A_162 = arith.constant 3 : i32
          %add3A_163 = vector.broadcast %add3A_162 : i32 to vector<16xi32>
          %add3A_164 = arith.addi %mul3A_75, %add3A_163 : vector<16xi32>
          %mul3A_165 = arith.constant 16 : i32
          %mul3A_166 = arith.muli %scan3A_67, %mul3A_165 : i32
          %mul3A_167 = arith.constant 16 : i32
          %mul3A_168 = arith.muli %mul3A_166, %mul3A_167 : i32
          %add3A_169 = arith.constant 48 : i32
          %add3A_170 = arith.addi %mul3A_168, %add3A_169 : i32
          %swap3A_171 = arith.index_cast %add3A_170 : i32 to index
          %swap3A_172 = tpu.vector_load %arg13[%swap3A_171] {strides = array<i32>} : memref<2048xi32, #tpu.memory_space<vmem>>, vector<16xi32>,
          %swap3A_173 = vector.shape_cast %swap3A_172 : vector<16xi32> to vector<16xi32>
          %swap3A_174 = vector.shape_cast %add3A_164 : vector<16xi32> to vector<16xi32>
          tpu.vector_store %arg13[%swap3A_171], %swap3A_174 {strides = array<i32>} : memref<2048xi32, #tpu.memory_space<vmem>>, vector<16xi32>,
          %add3A_175 = arith.constant 3 : i32
          %add3A_176 = vector.broadcast %add3A_175 : i32 to vector<16xi32>
          %add3A_177 = arith.addi %mul3A_84, %add3A_176 : vector<16xi32>
          %mul3A_178 = arith.constant 16 : i32
          %mul3A_179 = arith.muli %scan3A_67, %mul3A_178 : i32
          %mul3A_180 = arith.constant 16 : i32
          %mul3A_181 = arith.muli %mul3A_179, %mul3A_180 : i32
          %add3A_182 = arith.constant 48 : i32
          %add3A_183 = arith.addi %mul3A_181, %add3A_182 : i32
          %swap3A_184 = arith.index_cast %add3A_183 : i32 to index
          %swap3A_185 = tpu.vector_load %arg14[%swap3A_184] {strides = array<i32>} : memref<2048xi32, #tpu.memory_space<vmem>>, vector<16xi32>,
          %swap3A_186 = vector.shape_cast %swap3A_185 : vector<16xi32> to vector<16xi32>
          %swap3A_187 = vector.shape_cast %add3A_177 : vector<16xi32> to vector<16xi32>
          tpu.vector_store %arg14[%swap3A_184], %swap3A_187 {strides = array<i32>} : memref<2048xi32, #tpu.memory_space<vmem>>, vector<16xi32>,
          %add3A_188 = arith.constant 4 : i32
          %add3A_189 = vector.broadcast %add3A_188 : i32 to vector<16xi32>
          %add3A_190 = arith.addi %mul3A_75, %add3A_189 : vector<16xi32>
          %mul3A_191 = arith.constant 16 : i32
          %mul3A_192 = arith.muli %scan3A_67, %mul3A_191 : i32
          %mul3A_193 = arith.constant 16 : i32
          %mul3A_194 = arith.muli %mul3A_192, %mul3A_193 : i32
          %add3A_195 = arith.constant 64 : i32
          %add3A_196 = arith.addi %mul3A_194, %add3A_195 : i32
          %swap3A_197 = arith.index_cast %add3A_196 : i32 to index
          %swap3A_198 = tpu.vector_load %arg13[%swap3A_197] {strides = array<i32>} : memref<2048xi32, #tpu.memory_space<vmem>>, vector<16xi32>,
          %swap3A_199 = vector.shape_cast %swap3A_198 : vector<16xi32> to vector<16xi32>
          %swap3A_200 = vector.shape_cast %add3A_190 : vector<16xi32> to vector<16xi32>
          tpu.vector_store %arg13[%swap3A_197], %swap3A_200 {strides = array<i32>} : memref<2048xi32, #tpu.memory_space<vmem>>, vector<16xi32>,
          %add3A_201 = arith.constant 4 : i32
          %add3A_202 = vector.broadcast %add3A_201 : i32 to vector<16xi32>
          %add3A_203 = arith.addi %mul3A_84, %add3A_202 : vector<16xi32>
          %mul3A_204 = arith.constant 16 : i32
          %mul3A_205 = arith.muli %scan3A_67, %mul3A_204 : i32
          %mul3A_206 = arith.constant 16 : i32
          %mul3A_207 = arith.muli %mul3A_205, %mul3A_206 : i32
          %add3A_208 = arith.constant 64 : i32
          %add3A_209 = arith.addi %mul3A_207, %add3A_208 : i32
          %swap3A_210 = arith.index_cast %add3A_209 : i32 to index
          %swap3A_211 = tpu.vector_load %arg14[%swap3A_210] {strides = array<i32>} : memref<2048xi32, #tpu.memory_space<vmem>>, vector<16xi32>,
          %swap3A_212 = vector.shape_cast %swap3A_211 : vector<16xi32> to vector<16xi32>
          %swap3A_213 = vector.shape_cast %add3A_203 : vector<16xi32> to vector<16xi32>
          tpu.vector_store %arg14[%swap3A_210], %swap3A_213 {strides = array<i32>} : memref<2048xi32, #tpu.memory_space<vmem>>, vector<16xi32>,
          %add3A_214 = arith.constant 5 : i32
          %add3A_215 = vector.broadcast %add3A_214 : i32 to vector<16xi32>
          %add3A_216 = arith.addi %mul3A_75, %add3A_215 : vector<16xi32>
          %mul3A_217 = arith.constant 16 : i32
          %mul3A_218 = arith.muli %scan3A_67, %mul3A_217 : i32
          %mul3A_219 = arith.constant 16 : i32
          %mul3A_220 = arith.muli %mul3A_218, %mul3A_219 : i32
          %add3A_221 = arith.constant 80 : i32
          %add3A_222 = arith.addi %mul3A_220, %add3A_221 : i32
          %swap3A_223 = arith.index_cast %add3A_222 : i32 to index
          %swap3A_224 = tpu.vector_load %arg13[%swap3A_223] {strides = array<i32>} : memref<2048xi32, #tpu.memory_space<vmem>>, vector<16xi32>,
          %swap3A_225 = vector.shape_cast %swap3A_224 : vector<16xi32> to vector<16xi32>
          %swap3A_226 = vector.shape_cast %add3A_216 : vector<16xi32> to vector<16xi32>
          tpu.vector_store %arg13[%swap3A_223], %swap3A_226 {strides = array<i32>} : memref<2048xi32, #tpu.memory_space<vmem>>, vector<16xi32>,
          %add3A_227 = arith.constant 5 : i32
          %add3A_228 = vector.broadcast %add3A_227 : i32 to vector<16xi32>
          %add3A_229 = arith.addi %mul3A_84, %add3A_228 : vector<16xi32>
          %mul3A_230 = arith.constant 16 : i32
          %mul3A_231 = arith.muli %scan3A_67, %mul3A_230 : i32
          %mul3A_232 = arith.constant 16 : i32
          %mul3A_233 = arith.muli %mul3A_231, %mul3A_232 : i32
          %add3A_234 = arith.constant 80 : i32
          %add3A_235 = arith.addi %mul3A_233, %add3A_234 : i32
          %swap3A_236 = arith.index_cast %add3A_235 : i32 to index
          %swap3A_237 = tpu.vector_load %arg14[%swap3A_236] {strides = array<i32>} : memref<2048xi32, #tpu.memory_space<vmem>>, vector<16xi32>,
          %swap3A_238 = vector.shape_cast %swap3A_237 : vector<16xi32> to vector<16xi32>
          %swap3A_239 = vector.shape_cast %add3A_229 : vector<16xi32> to vector<16xi32>
          tpu.vector_store %arg14[%swap3A_236], %swap3A_239 {strides = array<i32>} : memref<2048xi32, #tpu.memory_space<vmem>>, vector<16xi32>,
          %add3A_240 = arith.constant 6 : i32
          %add3A_241 = vector.broadcast %add3A_240 : i32 to vector<16xi32>
          %add3A_242 = arith.addi %mul3A_75, %add3A_241 : vector<16xi32>
          %mul3A_243 = arith.constant 16 : i32
          %mul3A_244 = arith.muli %scan3A_67, %mul3A_243 : i32
          %mul3A_245 = arith.constant 16 : i32
          %mul3A_246 = arith.muli %mul3A_244, %mul3A_245 : i32
          %add3A_247 = arith.constant 96 : i32
          %add3A_248 = arith.addi %mul3A_246, %add3A_247 : i32
          %swap3A_249 = arith.index_cast %add3A_248 : i32 to index
          %swap3A_250 = tpu.vector_load %arg13[%swap3A_249] {strides = array<i32>} : memref<2048xi32, #tpu.memory_space<vmem>>, vector<16xi32>,
          %swap3A_251 = vector.shape_cast %swap3A_250 : vector<16xi32> to vector<16xi32>
          %swap3A_252 = vector.shape_cast %add3A_242 : vector<16xi32> to vector<16xi32>
          tpu.vector_store %arg13[%swap3A_249], %swap3A_252 {strides = array<i32>} : memref<2048xi32, #tpu.memory_space<vmem>>, vector<16xi32>,
          %add3A_253 = arith.constant 6 : i32
          %add3A_254 = vector.broadcast %add3A_253 : i32 to vector<16xi32>
          %add3A_255 = arith.addi %mul3A_84, %add3A_254 : vector<16xi32>
          %mul3A_256 = arith.constant 16 : i32
          %mul3A_257 = arith.muli %scan3A_67, %mul3A_256 : i32
          %mul3A_258 = arith.constant 16 : i32
          %mul3A_259 = arith.muli %mul3A_257, %mul3A_258 : i32
          %add3A_260 = arith.constant 96 : i32
          %add3A_261 = arith.addi %mul3A_259, %add3A_260 : i32
          %swap3A_262 = arith.index_cast %add3A_261 : i32 to index
          %swap3A_263 = tpu.vector_load %arg14[%swap3A_262] {strides = array<i32>} : memref<2048xi32, #tpu.memory_space<vmem>>, vector<16xi32>,
          %swap3A_264 = vector.shape_cast %swap3A_263 : vector<16xi32> to vector<16xi32>
          %swap3A_265 = vector.shape_cast %add3A_255 : vector<16xi32> to vector<16xi32>
          tpu.vector_store %arg14[%swap3A_262], %swap3A_265 {strides = array<i32>} : memref<2048xi32, #tpu.memory_space<vmem>>, vector<16xi32>,
          %add3A_266 = arith.constant 7 : i32
          %add3A_267 = vector.broadcast %add3A_266 : i32 to vector<16xi32>
          %add3A_268 = arith.addi %mul3A_75, %add3A_267 : vector<16xi32>
          %mul3A_269 = arith.constant 16 : i32
          %mul3A_270 = arith.muli %scan3A_67, %mul3A_269 : i32
          %mul3A_271 = arith.constant 16 : i32
          %mul3A_272 = arith.muli %mul3A_270, %mul3A_271 : i32
          %add3A_273 = arith.constant 112 : i32
          %add3A_274 = arith.addi %mul3A_272, %add3A_273 : i32
          %swap3A_275 = arith.index_cast %add3A_274 : i32 to index
          %swap3A_276 = tpu.vector_load %arg13[%swap3A_275] {strides = array<i32>} : memref<2048xi32, #tpu.memory_space<vmem>>, vector<16xi32>,
          %swap3A_277 = vector.shape_cast %swap3A_276 : vector<16xi32> to vector<16xi32>
          %swap3A_278 = vector.shape_cast %add3A_268 : vector<16xi32> to vector<16xi32>
          tpu.vector_store %arg13[%swap3A_275], %swap3A_278 {strides = array<i32>} : memref<2048xi32, #tpu.memory_space<vmem>>, vector<16xi32>,
          %add3A_279 = arith.constant 7 : i32
          %add3A_280 = vector.broadcast %add3A_279 : i32 to vector<16xi32>
          %add3A_281 = arith.addi %mul3A_84, %add3A_280 : vector<16xi32>
          %mul3A_282 = arith.constant 16 : i32
          %mul3A_283 = arith.muli %scan3A_67, %mul3A_282 : i32
          %mul3A_284 = arith.constant 16 : i32
          %mul3A_285 = arith.muli %mul3A_283, %mul3A_284 : i32
          %add3A_286 = arith.constant 112 : i32
          %add3A_287 = arith.addi %mul3A_285, %add3A_286 : i32
          %swap3A_288 = arith.index_cast %add3A_287 : i32 to index
          %swap3A_289 = tpu.vector_load %arg14[%swap3A_288] {strides = array<i32>} : memref<2048xi32, #tpu.memory_space<vmem>>, vector<16xi32>,
          %swap3A_290 = vector.shape_cast %swap3A_289 : vector<16xi32> to vector<16xi32>
          %swap3A_291 = vector.shape_cast %add3A_281 : vector<16xi32> to vector<16xi32>
          tpu.vector_store %arg14[%swap3A_288], %swap3A_291 {strides = array<i32>} : memref<2048xi32, #tpu.memory_space<vmem>>, vector<16xi32>,
          %add3A_292 = arith.constant 8 : i32
          %add3A_293 = vector.broadcast %add3A_292 : i32 to vector<16xi32>
          %add3A_294 = arith.addi %mul3A_75, %add3A_293 : vector<16xi32>
          %mul3A_295 = arith.constant 16 : i32
          %mul3A_296 = arith.muli %scan3A_67, %mul3A_295 : i32
          %mul3A_297 = arith.constant 16 : i32
          %mul3A_298 = arith.muli %mul3A_296, %mul3A_297 : i32
          %add3A_299 = arith.constant 128 : i32
          %add3A_300 = arith.addi %mul3A_298, %add3A_299 : i32
          %swap3A_301 = arith.index_cast %add3A_300 : i32 to index
          %swap3A_302 = tpu.vector_load %arg13[%swap3A_301] {strides = array<i32>} : memref<2048xi32, #tpu.memory_space<vmem>>, vector<16xi32>,
          %swap3A_303 = vector.shape_cast %swap3A_302 : vector<16xi32> to vector<16xi32>
          %swap3A_304 = vector.shape_cast %add3A_294 : vector<16xi32> to vector<16xi32>
          tpu.vector_store %arg13[%swap3A_301], %swap3A_304 {strides = array<i32>} : memref<2048xi32, #tpu.memory_space<vmem>>, vector<16xi32>,
          %add3A_305 = arith.constant 8 : i32
          %add3A_306 = vector.broadcast %add3A_305 : i32 to vector<16xi32>
          %add3A_307 = arith.addi %mul3A_84, %add3A_306 : vector<16xi32>
          %mul3A_308 = arith.constant 16 : i32
          %mul3A_309 = arith.muli %scan3A_67, %mul3A_308 : i32
          %mul3A_310 = arith.constant 16 : i32
          %mul3A_311 = arith.muli %mul3A_309, %mul3A_310 : i32
          %add3A_312 = arith.constant 128 : i32
          %add3A_313 = arith.addi %mul3A_311, %add3A_312 : i32
          %swap3A_314 = arith.index_cast %add3A_313 : i32 to index
          %swap3A_315 = tpu.vector_load %arg14[%swap3A_314] {strides = array<i32>} : memref<2048xi32, #tpu.memory_space<vmem>>, vector<16xi32>,
          %swap3A_316 = vector.shape_cast %swap3A_315 : vector<16xi32> to vector<16xi32>
          %swap3A_317 = vector.shape_cast %add3A_307 : vector<16xi32> to vector<16xi32>
          tpu.vector_store %arg14[%swap3A_314], %swap3A_317 {strides = array<i32>} : memref<2048xi32, #tpu.memory_space<vmem>>, vector<16xi32>,
          %add3A_318 = arith.constant 9 : i32
          %add3A_319 = vector.broadcast %add3A_318 : i32 to vector<16xi32>
          %add3A_320 = arith.addi %mul3A_75, %add3A_319 : vector<16xi32>
          %mul3A_321 = arith.constant 16 : i32
          %mul3A_322 = arith.muli %scan3A_67, %mul3A_321 : i32
          %mul3A_323 = arith.constant 16 : i32
          %mul3A_324 = arith.muli %mul3A_322, %mul3A_323 : i32
          %add3A_325 = arith.constant 144 : i32
          %add3A_326 = arith.addi %mul3A_324, %add3A_325 : i32
          %swap3A_327 = arith.index_cast %add3A_326 : i32 to index
          %swap3A_328 = tpu.vector_load %arg13[%swap3A_327] {strides = array<i32>} : memref<2048xi32, #tpu.memory_space<vmem>>, vector<16xi32>,
          %swap3A_329 = vector.shape_cast %swap3A_328 : vector<16xi32> to vector<16xi32>
          %swap3A_330 = vector.shape_cast %add3A_320 : vector<16xi32> to vector<16xi32>
          tpu.vector_store %arg13[%swap3A_327], %swap3A_330 {strides = array<i32>} : memref<2048xi32, #tpu.memory_space<vmem>>, vector<16xi32>,
          %add3A_331 = arith.constant 9 : i32
          %add3A_332 = vector.broadcast %add3A_331 : i32 to vector<16xi32>
          %add3A_333 = arith.addi %mul3A_84, %add3A_332 : vector<16xi32>
          %mul3A_334 = arith.constant 16 : i32
          %mul3A_335 = arith.muli %scan3A_67, %mul3A_334 : i32
          %mul3A_336 = arith.constant 16 : i32
          %mul3A_337 = arith.muli %mul3A_335, %mul3A_336 : i32
          %add3A_338 = arith.constant 144 : i32
          %add3A_339 = arith.addi %mul3A_337, %add3A_338 : i32
          %swap3A_340 = arith.index_cast %add3A_339 : i32 to index
          %swap3A_341 = tpu.vector_load %arg14[%swap3A_340] {strides = array<i32>} : memref<2048xi32, #tpu.memory_space<vmem>>, vector<16xi32>,
          %swap3A_342 = vector.shape_cast %swap3A_341 : vector<16xi32> to vector<16xi32>
          %swap3A_343 = vector.shape_cast %add3A_333 : vector<16xi32> to vector<16xi32>
          tpu.vector_store %arg14[%swap3A_340], %swap3A_343 {strides = array<i32>} : memref<2048xi32, #tpu.memory_space<vmem>>, vector<16xi32>,
          %add3A_344 = arith.constant 10 : i32
          %add3A_345 = vector.broadcast %add3A_344 : i32 to vector<16xi32>
          %add3A_346 = arith.addi %mul3A_75, %add3A_345 : vector<16xi32>
          %mul3A_347 = arith.constant 16 : i32
          %mul3A_348 = arith.muli %scan3A_67, %mul3A_347 : i32
          %mul3A_349 = arith.constant 16 : i32
          %mul3A_350 = arith.muli %mul3A_348, %mul3A_349 : i32
          %add3A_351 = arith.constant 160 : i32
          %add3A_352 = arith.addi %mul3A_350, %add3A_351 : i32
          %swap3A_353 = arith.index_cast %add3A_352 : i32 to index
          %swap3A_354 = tpu.vector_load %arg13[%swap3A_353] {strides = array<i32>} : memref<2048xi32, #tpu.memory_space<vmem>>, vector<16xi32>,
          %swap3A_355 = vector.shape_cast %swap3A_354 : vector<16xi32> to vector<16xi32>
          %swap3A_356 = vector.shape_cast %add3A_346 : vector<16xi32> to vector<16xi32>
          tpu.vector_store %arg13[%swap3A_353], %swap3A_356 {strides = array<i32>} : memref<2048xi32, #tpu.memory_space<vmem>>, vector<16xi32>,
          %add3A_357 = arith.constant 10 : i32
          %add3A_358 = vector.broadcast %add3A_357 : i32 to vector<16xi32>
          %add3A_359 = arith.addi %mul3A_84, %add3A_358 : vector<16xi32>
          %mul3A_360 = arith.constant 16 : i32
          %mul3A_361 = arith.muli %scan3A_67, %mul3A_360 : i32
          %mul3A_362 = arith.constant 16 : i32
          %mul3A_363 = arith.muli %mul3A_361, %mul3A_362 : i32
          %add3A_364 = arith.constant 160 : i32
          %add3A_365 = arith.addi %mul3A_363, %add3A_364 : i32
          %swap3A_366 = arith.index_cast %add3A_365 : i32 to index
          %swap3A_367 = tpu.vector_load %arg14[%swap3A_366] {strides = array<i32>} : memref<2048xi32, #tpu.memory_space<vmem>>, vector<16xi32>,
          %swap3A_368 = vector.shape_cast %swap3A_367 : vector<16xi32> to vector<16xi32>
          %swap3A_369 = vector.shape_cast %add3A_359 : vector<16xi32> to vector<16xi32>
          tpu.vector_store %arg14[%swap3A_366], %swap3A_369 {strides = array<i32>} : memref<2048xi32, #tpu.memory_space<vmem>>, vector<16xi32>,
          %add3A_370 = arith.constant 11 : i32
          %add3A_371 = vector.broadcast %add3A_370 : i32 to vector<16xi32>
          %add3A_372 = arith.addi %mul3A_75, %add3A_371 : vector<16xi32>
          %mul3A_373 = arith.constant 16 : i32
          %mul3A_374 = arith.muli %scan3A_67, %mul3A_373 : i32
          %mul3A_375 = arith.constant 16 : i32
          %mul3A_376 = arith.muli %mul3A_374, %mul3A_375 : i32
          %add3A_377 = arith.constant 176 : i32
          %add3A_378 = arith.addi %mul3A_376, %add3A_377 : i32
          %swap3A_379 = arith.index_cast %add3A_378 : i32 to index
          %swap3A_380 = tpu.vector_load %arg13[%swap3A_379] {strides = array<i32>} : memref<2048xi32, #tpu.memory_space<vmem>>, vector<16xi32>,
          %swap3A_381 = vector.shape_cast %swap3A_380 : vector<16xi32> to vector<16xi32>
          %swap3A_382 = vector.shape_cast %add3A_372 : vector<16xi32> to vector<16xi32>
          tpu.vector_store %arg13[%swap3A_379], %swap3A_382 {strides = array<i32>} : memref<2048xi32, #tpu.memory_space<vmem>>, vector<16xi32>,
          %add3A_383 = arith.constant 11 : i32
          %add3A_384 = vector.broadcast %add3A_383 : i32 to vector<16xi32>
          %add3A_385 = arith.addi %mul3A_84, %add3A_384 : vector<16xi32>
          %mul3A_386 = arith.constant 16 : i32
          %mul3A_387 = arith.muli %scan3A_67, %mul3A_386 : i32
          %mul3A_388 = arith.constant 16 : i32
          %mul3A_389 = arith.muli %mul3A_387, %mul3A_388 : i32
          %add3A_390 = arith.constant 176 : i32
          %add3A_391 = arith.addi %mul3A_389, %add3A_390 : i32
          %swap3A_392 = arith.index_cast %add3A_391 : i32 to index
          %swap3A_393 = tpu.vector_load %arg14[%swap3A_392] {strides = array<i32>} : memref<2048xi32, #tpu.memory_space<vmem>>, vector<16xi32>,
          %swap3A_394 = vector.shape_cast %swap3A_393 : vector<16xi32> to vector<16xi32>
          %swap3A_395 = vector.shape_cast %add3A_385 : vector<16xi32> to vector<16xi32>
          tpu.vector_store %arg14[%swap3A_392], %swap3A_395 {strides = array<i32>} : memref<2048xi32, #tpu.memory_space<vmem>>, vector<16xi32>,
          %add3A_396 = arith.constant 12 : i32
          %add3A_397 = vector.broadcast %add3A_396 : i32 to vector<16xi32>
          %add3A_398 = arith.addi %mul3A_75, %add3A_397 : vector<16xi32>
          %mul3A_399 = arith.constant 16 : i32
          %mul3A_400 = arith.muli %scan3A_67, %mul3A_399 : i32
          %mul3A_401 = arith.constant 16 : i32
          %mul3A_402 = arith.muli %mul3A_400, %mul3A_401 : i32
          %add3A_403 = arith.constant 192 : i32
          %add3A_404 = arith.addi %mul3A_402, %add3A_403 : i32
          %swap3A_405 = arith.index_cast %add3A_404 : i32 to index
          %swap3A_406 = tpu.vector_load %arg13[%swap3A_405] {strides = array<i32>} : memref<2048xi32, #tpu.memory_space<vmem>>, vector<16xi32>,
          %swap3A_407 = vector.shape_cast %swap3A_406 : vector<16xi32> to vector<16xi32>
          %swap3A_408 = vector.shape_cast %add3A_398 : vector<16xi32> to vector<16xi32>
          tpu.vector_store %arg13[%swap3A_405], %swap3A_408 {strides = array<i32>} : memref<2048xi32, #tpu.memory_space<vmem>>, vector<16xi32>,
          %add3A_409 = arith.constant 12 : i32
          %add3A_410 = vector.broadcast %add3A_409 : i32 to vector<16xi32>
          %add3A_411 = arith.addi %mul3A_84, %add3A_410 : vector<16xi32>
          %mul3A_412 = arith.constant 16 : i32
          %mul3A_413 = arith.muli %scan3A_67, %mul3A_412 : i32
          %mul3A_414 = arith.constant 16 : i32
          %mul3A_415 = arith.muli %mul3A_413, %mul3A_414 : i32
          %add3A_416 = arith.constant 192 : i32
          %add3A_417 = arith.addi %mul3A_415, %add3A_416 : i32
          %swap3A_418 = arith.index_cast %add3A_417 : i32 to index
          %swap3A_419 = tpu.vector_load %arg14[%swap3A_418] {strides = array<i32>} : memref<2048xi32, #tpu.memory_space<vmem>>, vector<16xi32>,
          %swap3A_420 = vector.shape_cast %swap3A_419 : vector<16xi32> to vector<16xi32>
          %swap3A_421 = vector.shape_cast %add3A_411 : vector<16xi32> to vector<16xi32>
          tpu.vector_store %arg14[%swap3A_418], %swap3A_421 {strides = array<i32>} : memref<2048xi32, #tpu.memory_space<vmem>>, vector<16xi32>,
          %add3A_422 = arith.constant 13 : i32
          %add3A_423 = vector.broadcast %add3A_422 : i32 to vector<16xi32>
          %add3A_424 = arith.addi %mul3A_75, %add3A_423 : vector<16xi32>
          %mul3A_425 = arith.constant 16 : i32
          %mul3A_426 = arith.muli %scan3A_67, %mul3A_425 : i32
          %mul3A_427 = arith.constant 16 : i32
          %mul3A_428 = arith.muli %mul3A_426, %mul3A_427 : i32
          %add3A_429 = arith.constant 208 : i32
          %add3A_430 = arith.addi %mul3A_428, %add3A_429 : i32
          %swap3A_431 = arith.index_cast %add3A_430 : i32 to index
          %swap3A_432 = tpu.vector_load %arg13[%swap3A_431] {strides = array<i32>} : memref<2048xi32, #tpu.memory_space<vmem>>, vector<16xi32>,
          %swap3A_433 = vector.shape_cast %swap3A_432 : vector<16xi32> to vector<16xi32>
          %swap3A_434 = vector.shape_cast %add3A_424 : vector<16xi32> to vector<16xi32>
          tpu.vector_store %arg13[%swap3A_431], %swap3A_434 {strides = array<i32>} : memref<2048xi32, #tpu.memory_space<vmem>>, vector<16xi32>,
          %add3A_435 = arith.constant 13 : i32
          %add3A_436 = vector.broadcast %add3A_435 : i32 to vector<16xi32>
          %add3A_437 = arith.addi %mul3A_84, %add3A_436 : vector<16xi32>
          %mul3A_438 = arith.constant 16 : i32
          %mul3A_439 = arith.muli %scan3A_67, %mul3A_438 : i32
          %mul3A_440 = arith.constant 16 : i32
          %mul3A_441 = arith.muli %mul3A_439, %mul3A_440 : i32
          %add3A_442 = arith.constant 208 : i32
          %add3A_443 = arith.addi %mul3A_441, %add3A_442 : i32
          %swap3A_444 = arith.index_cast %add3A_443 : i32 to index
          %swap3A_445 = tpu.vector_load %arg14[%swap3A_444] {strides = array<i32>} : memref<2048xi32, #tpu.memory_space<vmem>>, vector<16xi32>,
          %swap3A_446 = vector.shape_cast %swap3A_445 : vector<16xi32> to vector<16xi32>
          %swap3A_447 = vector.shape_cast %add3A_437 : vector<16xi32> to vector<16xi32>
          tpu.vector_store %arg14[%swap3A_444], %swap3A_447 {strides = array<i32>} : memref<2048xi32, #tpu.memory_space<vmem>>, vector<16xi32>,
          %add3A_448 = arith.constant 14 : i32
          %add3A_449 = vector.broadcast %add3A_448 : i32 to vector<16xi32>
          %add3A_450 = arith.addi %mul3A_75, %add3A_449 : vector<16xi32>
          %mul3A_451 = arith.constant 16 : i32
          %mul3A_452 = arith.muli %scan3A_67, %mul3A_451 : i32
          %mul3A_453 = arith.constant 16 : i32
          %mul3A_454 = arith.muli %mul3A_452, %mul3A_453 : i32
          %add3A_455 = arith.constant 224 : i32
          %add3A_456 = arith.addi %mul3A_454, %add3A_455 : i32
          %swap3A_457 = arith.index_cast %add3A_456 : i32 to index
          %swap3A_458 = tpu.vector_load %arg13[%swap3A_457] {strides = array<i32>} : memref<2048xi32, #tpu.memory_space<vmem>>, vector<16xi32>,
          %swap3A_459 = vector.shape_cast %swap3A_458 : vector<16xi32> to vector<16xi32>
          %swap3A_460 = vector.shape_cast %add3A_450 : vector<16xi32> to vector<16xi32>
          tpu.vector_store %arg13[%swap3A_457], %swap3A_460 {strides = array<i32>} : memref<2048xi32, #tpu.memory_space<vmem>>, vector<16xi32>,
          %add3A_461 = arith.constant 14 : i32
          %add3A_462 = vector.broadcast %add3A_461 : i32 to vector<16xi32>
          %add3A_463 = arith.addi %mul3A_84, %add3A_462 : vector<16xi32>
          %mul3A_464 = arith.constant 16 : i32
          %mul3A_465 = arith.muli %scan3A_67, %mul3A_464 : i32
          %mul3A_466 = arith.constant 16 : i32
          %mul3A_467 = arith.muli %mul3A_465, %mul3A_466 : i32
          %add3A_468 = arith.constant 224 : i32
          %add3A_469 = arith.addi %mul3A_467, %add3A_468 : i32
          %swap3A_470 = arith.index_cast %add3A_469 : i32 to index
          %swap3A_471 = tpu.vector_load %arg14[%swap3A_470] {strides = array<i32>} : memref<2048xi32, #tpu.memory_space<vmem>>, vector<16xi32>,
          %swap3A_472 = vector.shape_cast %swap3A_471 : vector<16xi32> to vector<16xi32>
          %swap3A_473 = vector.shape_cast %add3A_463 : vector<16xi32> to vector<16xi32>
          tpu.vector_store %arg14[%swap3A_470], %swap3A_473 {strides = array<i32>} : memref<2048xi32, #tpu.memory_space<vmem>>, vector<16xi32>,
          %add3A_474 = arith.constant 15 : i32
          %add3A_475 = vector.broadcast %add3A_474 : i32 to vector<16xi32>
          %add3A_476 = arith.addi %mul3A_75, %add3A_475 : vector<16xi32>
          %mul3A_477 = arith.constant 16 : i32
          %mul3A_478 = arith.muli %scan3A_67, %mul3A_477 : i32
          %mul3A_479 = arith.constant 16 : i32
          %mul3A_480 = arith.muli %mul3A_478, %mul3A_479 : i32
          %add3A_481 = arith.constant 240 : i32
          %add3A_482 = arith.addi %mul3A_480, %add3A_481 : i32
          %swap3A_483 = arith.index_cast %add3A_482 : i32 to index
          %swap3A_484 = tpu.vector_load %arg13[%swap3A_483] {strides = array<i32>} : memref<2048xi32, #tpu.memory_space<vmem>>, vector<16xi32>,
          %swap3A_485 = vector.shape_cast %swap3A_484 : vector<16xi32> to vector<16xi32>
          %swap3A_486 = vector.shape_cast %add3A_476 : vector<16xi32> to vector<16xi32>
          tpu.vector_store %arg13[%swap3A_483], %swap3A_486 {strides = array<i32>} : memref<2048xi32, #tpu.memory_space<vmem>>, vector<16xi32>,
          %add3A_487 = arith.constant 15 : i32
          %add3A_488 = vector.broadcast %add3A_487 : i32 to vector<16xi32>
          %add3A_489 = arith.addi %mul3A_84, %add3A_488 : vector<16xi32>
          %mul3A_490 = arith.constant 16 : i32
          %mul3A_491 = arith.muli %scan3A_67, %mul3A_490 : i32
          %mul3A_492 = arith.constant 16 : i32
          %mul3A_493 = arith.muli %mul3A_491, %mul3A_492 : i32
          %add3A_494 = arith.constant 240 : i32
          %add3A_495 = arith.addi %mul3A_493, %add3A_494 : i32
          %swap3A_496 = arith.index_cast %add3A_495 : i32 to index
          %swap3A_497 = tpu.vector_load %arg14[%swap3A_496] {strides = array<i32>} : memref<2048xi32, #tpu.memory_space<vmem>>, vector<16xi32>,
          %swap3A_498 = vector.shape_cast %swap3A_497 : vector<16xi32> to vector<16xi32>
          %swap3A_499 = vector.shape_cast %add3A_489 : vector<16xi32> to vector<16xi32>
          tpu.vector_store %arg14[%swap3A_496], %swap3A_499 {strides = array<i32>} : memref<2048xi32, #tpu.memory_space<vmem>>, vector<16xi32>,
        }
        %scan3A_53 = arith.constant 8 : i32
        %dma_start3A = arith.constant 0 : i32
        %dma_start3A_54 = tpu.memref_slice %arg16[%dma_start3A] : memref<163840xf32, #tpu.memory_space<vmem_shared>> -> memref<163840xf32, #tpu.memory_space<vmem_shared>>
        tpu.enqueue_indirect_dma source(%dma_start3A_54 : memref<163840xf32, #tpu.memory_space<vmem_shared>>) target(%arg15 : memref<2048xf32, #tpu.memory_space<vmem>>) offsets(%arg13 : memref<2048xi32, #tpu.memory_space<vmem>>) semaphore(%arg19 : memref<!tpu.dma_semaphore, #tpu.memory_space<semaphore_mem>>)
        %dma_wait3A = arith.constant 0 : i32
        %dma_wait3A_55 = tpu.memref_slice %arg16[%dma_wait3A] : memref<163840xf32, #tpu.memory_space<vmem_shared>> -> memref<163840xf32, #tpu.memory_space<vmem_shared>>
        tpu.wait_indirect_dma semaphore(%arg19 : memref<!tpu.dma_semaphore, #tpu.memory_space<semaphore_mem>>) src(%dma_wait3A_55 : memref<163840xf32, #tpu.memory_space<vmem_shared>>) dst(%arg15 : memref<2048xf32, #tpu.memory_space<vmem>>)
        %scan3A_56 = arith.constant 0 : i32
        %scan3A_57 = arith.constant 0 : i32
        %scan3A_58 = arith.constant 8 : i32
        %scan3A_59 = arith.addi %scan3A_57, %scan3A_58 : i32
        %scan3A_60 = arith.constant 1 : i32
        scf.for %scan3A_67 = %scan3A_57 to %scan3A_59 step %scan3A_60  : i32 {
          %mul3A_68 = arith.constant 16 : i32
          %mul3A_69 = arith.muli %scan3A_67, %mul3A_68 : i32
          %get3A = arith.index_cast %scan3A_47 : i32 to index
          %get3A_70 = arith.index_cast %mul3A_69 : i32 to index
          %get3A_71 = tpu.vector_load %arg12[%get3A, %get3A_70] {strides = array<i32>} : memref<8x128xf32, #tpu.memory_space<vmem>>, vector<1x16xf32>,
          %get3A_72 = vector.shape_cast %get3A_71 : vector<1x16xf32> to vector<16xf32>
          %mul3A_73 = arith.constant 16 : i32
          %mul3A_74 = arith.muli %scan3A_67, %mul3A_73 : i32
          %mul3A_75 = arith.constant 16 : i32
          %mul3A_76 = arith.muli %mul3A_74, %mul3A_75 : i32
          %add3A_77 = arith.constant 0 : i32
          %add3A_78 = arith.addi %mul3A_76, %add3A_77 : i32
          %get3A_79 = arith.index_cast %add3A_78 : i32 to index
          %get3A_80 = tpu.vector_load %arg15[%get3A_79] {strides = array<i32>} : memref<2048xf32, #tpu.memory_space<vmem>>, vector<16xf32>,
          %get3A_81 = vector.shape_cast %get3A_80 : vector<16xf32> to vector<16xf32>
          %mul3A_82 = arith.mulf %get3A_81, %get3A_72 : vector<16xf32>
          %swap3A = arith.index_cast %add3A_78 : i32 to index
          %swap3A_83 = tpu.vector_load %arg15[%swap3A] {strides = array<i32>} : memref<2048xf32, #tpu.memory_space<vmem>>, vector<16xf32>,
          %swap3A_84 = vector.shape_cast %swap3A_83 : vector<16xf32> to vector<16xf32>
          %swap3A_85 = vector.shape_cast %mul3A_82 : vector<16xf32> to vector<16xf32>
          tpu.vector_store %arg15[%swap3A], %swap3A_85 {strides = array<i32>} : memref<2048xf32, #tpu.memory_space<vmem>>, vector<16xf32>,
          %mul3A_86 = arith.constant 16 : i32
          %mul3A_87 = arith.muli %scan3A_67, %mul3A_86 : i32
          %mul3A_88 = arith.constant 16 : i32
          %mul3A_89 = arith.muli %mul3A_87, %mul3A_88 : i32
          %add3A_90 = arith.constant 16 : i32
          %add3A_91 = arith.addi %mul3A_89, %add3A_90 : i32
          %get3A_92 = arith.index_cast %add3A_91 : i32 to index
          %get3A_93 = tpu.vector_load %arg15[%get3A_92] {strides = array<i32>} : memref<2048xf32, #tpu.memory_space<vmem>>, vector<16xf32>,
          %get3A_94 = vector.shape_cast %get3A_93 : vector<16xf32> to vector<16xf32>
          %mul3A_95 = arith.mulf %get3A_94, %get3A_72 : vector<16xf32>
          %swap3A_96 = arith.index_cast %add3A_91 : i32 to index
          %swap3A_97 = tpu.vector_load %arg15[%swap3A_96] {strides = array<i32>} : memref<2048xf32, #tpu.memory_space<vmem>>, vector<16xf32>,
          %swap3A_98 = vector.shape_cast %swap3A_97 : vector<16xf32> to vector<16xf32>
          %swap3A_99 = vector.shape_cast %mul3A_95 : vector<16xf32> to vector<16xf32>
          tpu.vector_store %arg15[%swap3A_96], %swap3A_99 {strides = array<i32>} : memref<2048xf32, #tpu.memory_space<vmem>>, vector<16xf32>,
          %mul3A_100 = arith.constant 16 : i32
          %mul3A_101 = arith.muli %scan3A_67, %mul3A_100 : i32
          %mul3A_102 = arith.constant 16 : i32
          %mul3A_103 = arith.muli %mul3A_101, %mul3A_102 : i32
          %add3A_104 = arith.constant 32 : i32
          %add3A_105 = arith.addi %mul3A_103, %add3A_104 : i32
          %get3A_106 = arith.index_cast %add3A_105 : i32 to index
          %get3A_107 = tpu.vector_load %arg15[%get3A_106] {strides = array<i32>} : memref<2048xf32, #tpu.memory_space<vmem>>, vector<16xf32>,
          %get3A_108 = vector.shape_cast %get3A_107 : vector<16xf32> to vector<16xf32>
          %mul3A_109 = arith.mulf %get3A_108, %get3A_72 : vector<16xf32>
          %swap3A_110 = arith.index_cast %add3A_105 : i32 to index
          %swap3A_111 = tpu.vector_load %arg15[%swap3A_110] {strides = array<i32>} : memref<2048xf32, #tpu.memory_space<vmem>>, vector<16xf32>,
          %swap3A_112 = vector.shape_cast %swap3A_111 : vector<16xf32> to vector<16xf32>
          %swap3A_113 = vector.shape_cast %mul3A_109 : vector<16xf32> to vector<16xf32>
          tpu.vector_store %arg15[%swap3A_110], %swap3A_113 {strides = array<i32>} : memref<2048xf32, #tpu.memory_space<vmem>>, vector<16xf32>,
          %mul3A_114 = arith.constant 16 : i32
          %mul3A_115 = arith.muli %scan3A_67, %mul3A_114 : i32
          %mul3A_116 = arith.constant 16 : i32
          %mul3A_117 = arith.muli %mul3A_115, %mul3A_116 : i32
          %add3A_118 = arith.constant 48 : i32
          %add3A_119 = arith.addi %mul3A_117, %add3A_118 : i32
          %get3A_120 = arith.index_cast %add3A_119 : i32 to index
          %get3A_121 = tpu.vector_load %arg15[%get3A_120] {strides = array<i32>} : memref<2048xf32, #tpu.memory_space<vmem>>, vector<16xf32>,
          %get3A_122 = vector.shape_cast %get3A_121 : vector<16xf32> to vector<16xf32>
          %mul3A_123 = arith.mulf %get3A_122, %get3A_72 : vector<16xf32>
          %swap3A_124 = arith.index_cast %add3A_119 : i32 to index
          %swap3A_125 = tpu.vector_load %arg15[%swap3A_124] {strides = array<i32>} : memref<2048xf32, #tpu.memory_space<vmem>>, vector<16xf32>,
          %swap3A_126 = vector.shape_cast %swap3A_125 : vector<16xf32> to vector<16xf32>
          %swap3A_127 = vector.shape_cast %mul3A_123 : vector<16xf32> to vector<16xf32>
          tpu.vector_store %arg15[%swap3A_124], %swap3A_127 {strides = array<i32>} : memref<2048xf32, #tpu.memory_space<vmem>>, vector<16xf32>,
          %mul3A_128 = arith.constant 16 : i32
          %mul3A_129 = arith.muli %scan3A_67, %mul3A_128 : i32
          %mul3A_130 = arith.constant 16 : i32
          %mul3A_131 = arith.muli %mul3A_129, %mul3A_130 : i32
          %add3A_132 = arith.constant 64 : i32
          %add3A_133 = arith.addi %mul3A_131, %add3A_132 : i32
          %get3A_134 = arith.index_cast %add3A_133 : i32 to index
          %get3A_135 = tpu.vector_load %arg15[%get3A_134] {strides = array<i32>} : memref<2048xf32, #tpu.memory_space<vmem>>, vector<16xf32>,
          %get3A_136 = vector.shape_cast %get3A_135 : vector<16xf32> to vector<16xf32>
          %mul3A_137 = arith.mulf %get3A_136, %get3A_72 : vector<16xf32>
          %swap3A_138 = arith.index_cast %add3A_133 : i32 to index
          %swap3A_139 = tpu.vector_load %arg15[%swap3A_138] {strides = array<i32>} : memref<2048xf32, #tpu.memory_space<vmem>>, vector<16xf32>,
          %swap3A_140 = vector.shape_cast %swap3A_139 : vector<16xf32> to vector<16xf32>
          %swap3A_141 = vector.shape_cast %mul3A_137 : vector<16xf32> to vector<16xf32>
          tpu.vector_store %arg15[%swap3A_138], %swap3A_141 {strides = array<i32>} : memref<2048xf32, #tpu.memory_space<vmem>>, vector<16xf32>,
          %mul3A_142 = arith.constant 16 : i32
          %mul3A_143 = arith.muli %scan3A_67, %mul3A_142 : i32
          %mul3A_144 = arith.constant 16 : i32
          %mul3A_145 = arith.muli %mul3A_143, %mul3A_144 : i32
          %add3A_146 = arith.constant 80 : i32
          %add3A_147 = arith.addi %mul3A_145, %add3A_146 : i32
          %get3A_148 = arith.index_cast %add3A_147 : i32 to index
          %get3A_149 = tpu.vector_load %arg15[%get3A_148] {strides = array<i32>} : memref<2048xf32, #tpu.memory_space<vmem>>, vector<16xf32>,
          %get3A_150 = vector.shape_cast %get3A_149 : vector<16xf32> to vector<16xf32>
          %mul3A_151 = arith.mulf %get3A_150, %get3A_72 : vector<16xf32>
          %swap3A_152 = arith.index_cast %add3A_147 : i32 to index
          %swap3A_153 = tpu.vector_load %arg15[%swap3A_152] {strides = array<i32>} : memref<2048xf32, #tpu.memory_space<vmem>>, vector<16xf32>,
          %swap3A_154 = vector.shape_cast %swap3A_153 : vector<16xf32> to vector<16xf32>
          %swap3A_155 = vector.shape_cast %mul3A_151 : vector<16xf32> to vector<16xf32>
          tpu.vector_store %arg15[%swap3A_152], %swap3A_155 {strides = array<i32>} : memref<2048xf32, #tpu.memory_space<vmem>>, vector<16xf32>,
          %mul3A_156 = arith.constant 16 : i32
          %mul3A_157 = arith.muli %scan3A_67, %mul3A_156 : i32
          %mul3A_158 = arith.constant 16 : i32
          %mul3A_159 = arith.muli %mul3A_157, %mul3A_158 : i32
          %add3A_160 = arith.constant 96 : i32
          %add3A_161 = arith.addi %mul3A_159, %add3A_160 : i32
          %get3A_162 = arith.index_cast %add3A_161 : i32 to index
          %get3A_163 = tpu.vector_load %arg15[%get3A_162] {strides = array<i32>} : memref<2048xf32, #tpu.memory_space<vmem>>, vector<16xf32>,
          %get3A_164 = vector.shape_cast %get3A_163 : vector<16xf32> to vector<16xf32>
          %mul3A_165 = arith.mulf %get3A_164, %get3A_72 : vector<16xf32>
          %swap3A_166 = arith.index_cast %add3A_161 : i32 to index
          %swap3A_167 = tpu.vector_load %arg15[%swap3A_166] {strides = array<i32>} : memref<2048xf32, #tpu.memory_space<vmem>>, vector<16xf32>,
          %swap3A_168 = vector.shape_cast %swap3A_167 : vector<16xf32> to vector<16xf32>
          %swap3A_169 = vector.shape_cast %mul3A_165 : vector<16xf32> to vector<16xf32>
          tpu.vector_store %arg15[%swap3A_166], %swap3A_169 {strides = array<i32>} : memref<2048xf32, #tpu.memory_space<vmem>>, vector<16xf32>,
          %mul3A_170 = arith.constant 16 : i32
          %mul3A_171 = arith.muli %scan3A_67, %mul3A_170 : i32
          %mul3A_172 = arith.constant 16 : i32
          %mul3A_173 = arith.muli %mul3A_171, %mul3A_172 : i32
          %add3A_174 = arith.constant 112 : i32
          %add3A_175 = arith.addi %mul3A_173, %add3A_174 : i32
          %get3A_176 = arith.index_cast %add3A_175 : i32 to index
          %get3A_177 = tpu.vector_load %arg15[%get3A_176] {strides = array<i32>} : memref<2048xf32, #tpu.memory_space<vmem>>, vector<16xf32>,
          %get3A_178 = vector.shape_cast %get3A_177 : vector<16xf32> to vector<16xf32>
          %mul3A_179 = arith.mulf %get3A_178, %get3A_72 : vector<16xf32>
          %swap3A_180 = arith.index_cast %add3A_175 : i32 to index
          %swap3A_181 = tpu.vector_load %arg15[%swap3A_180] {strides = array<i32>} : memref<2048xf32, #tpu.memory_space<vmem>>, vector<16xf32>,
          %swap3A_182 = vector.shape_cast %swap3A_181 : vector<16xf32> to vector<16xf32>
          %swap3A_183 = vector.shape_cast %mul3A_179 : vector<16xf32> to vector<16xf32>
          tpu.vector_store %arg15[%swap3A_180], %swap3A_183 {strides = array<i32>} : memref<2048xf32, #tpu.memory_space<vmem>>, vector<16xf32>,
          %mul3A_184 = arith.constant 16 : i32
          %mul3A_185 = arith.muli %scan3A_67, %mul3A_184 : i32
          %mul3A_186 = arith.constant 16 : i32
          %mul3A_187 = arith.muli %mul3A_185, %mul3A_186 : i32
          %add3A_188 = arith.constant 128 : i32
          %add3A_189 = arith.addi %mul3A_187, %add3A_188 : i32
          %get3A_190 = arith.index_cast %add3A_189 : i32 to index
          %get3A_191 = tpu.vector_load %arg15[%get3A_190] {strides = array<i32>} : memref<2048xf32, #tpu.memory_space<vmem>>, vector<16xf32>,
          %get3A_192 = vector.shape_cast %get3A_191 : vector<16xf32> to vector<16xf32>
          %mul3A_193 = arith.mulf %get3A_192, %get3A_72 : vector<16xf32>
          %swap3A_194 = arith.index_cast %add3A_189 : i32 to index
          %swap3A_195 = tpu.vector_load %arg15[%swap3A_194] {strides = array<i32>} : memref<2048xf32, #tpu.memory_space<vmem>>, vector<16xf32>,
          %swap3A_196 = vector.shape_cast %swap3A_195 : vector<16xf32> to vector<16xf32>
          %swap3A_197 = vector.shape_cast %mul3A_193 : vector<16xf32> to vector<16xf32>
          tpu.vector_store %arg15[%swap3A_194], %swap3A_197 {strides = array<i32>} : memref<2048xf32, #tpu.memory_space<vmem>>, vector<16xf32>,
          %mul3A_198 = arith.constant 16 : i32
          %mul3A_199 = arith.muli %scan3A_67, %mul3A_198 : i32
          %mul3A_200 = arith.constant 16 : i32
          %mul3A_201 = arith.muli %mul3A_199, %mul3A_200 : i32
          %add3A_202 = arith.constant 144 : i32
          %add3A_203 = arith.addi %mul3A_201, %add3A_202 : i32
          %get3A_204 = arith.index_cast %add3A_203 : i32 to index
          %get3A_205 = tpu.vector_load %arg15[%get3A_204] {strides = array<i32>} : memref<2048xf32, #tpu.memory_space<vmem>>, vector<16xf32>,
          %get3A_206 = vector.shape_cast %get3A_205 : vector<16xf32> to vector<16xf32>
          %mul3A_207 = arith.mulf %get3A_206, %get3A_72 : vector<16xf32>
          %swap3A_208 = arith.index_cast %add3A_203 : i32 to index
          %swap3A_209 = tpu.vector_load %arg15[%swap3A_208] {strides = array<i32>} : memref<2048xf32, #tpu.memory_space<vmem>>, vector<16xf32>,
          %swap3A_210 = vector.shape_cast %swap3A_209 : vector<16xf32> to vector<16xf32>
          %swap3A_211 = vector.shape_cast %mul3A_207 : vector<16xf32> to vector<16xf32>
          tpu.vector_store %arg15[%swap3A_208], %swap3A_211 {strides = array<i32>} : memref<2048xf32, #tpu.memory_space<vmem>>, vector<16xf32>,
          %mul3A_212 = arith.constant 16 : i32
          %mul3A_213 = arith.muli %scan3A_67, %mul3A_212 : i32
          %mul3A_214 = arith.constant 16 : i32
          %mul3A_215 = arith.muli %mul3A_213, %mul3A_214 : i32
          %add3A_216 = arith.constant 160 : i32
          %add3A_217 = arith.addi %mul3A_215, %add3A_216 : i32
          %get3A_218 = arith.index_cast %add3A_217 : i32 to index
          %get3A_219 = tpu.vector_load %arg15[%get3A_218] {strides = array<i32>} : memref<2048xf32, #tpu.memory_space<vmem>>, vector<16xf32>,
          %get3A_220 = vector.shape_cast %get3A_219 : vector<16xf32> to vector<16xf32>
          %mul3A_221 = arith.mulf %get3A_220, %get3A_72 : vector<16xf32>
          %swap3A_222 = arith.index_cast %add3A_217 : i32 to index
          %swap3A_223 = tpu.vector_load %arg15[%swap3A_222] {strides = array<i32>} : memref<2048xf32, #tpu.memory_space<vmem>>, vector<16xf32>,
          %swap3A_224 = vector.shape_cast %swap3A_223 : vector<16xf32> to vector<16xf32>
          %swap3A_225 = vector.shape_cast %mul3A_221 : vector<16xf32> to vector<16xf32>
          tpu.vector_store %arg15[%swap3A_222], %swap3A_225 {strides = array<i32>} : memref<2048xf32, #tpu.memory_space<vmem>>, vector<16xf32>,
          %mul3A_226 = arith.constant 16 : i32
          %mul3A_227 = arith.muli %scan3A_67, %mul3A_226 : i32
          %mul3A_228 = arith.constant 16 : i32
          %mul3A_229 = arith.muli %mul3A_227, %mul3A_228 : i32
          %add3A_230 = arith.constant 176 : i32
          %add3A_231 = arith.addi %mul3A_229, %add3A_230 : i32
          %get3A_232 = arith.index_cast %add3A_231 : i32 to index
          %get3A_233 = tpu.vector_load %arg15[%get3A_232] {strides = array<i32>} : memref<2048xf32, #tpu.memory_space<vmem>>, vector<16xf32>,
          %get3A_234 = vector.shape_cast %get3A_233 : vector<16xf32> to vector<16xf32>
          %mul3A_235 = arith.mulf %get3A_234, %get3A_72 : vector<16xf32>
          %swap3A_236 = arith.index_cast %add3A_231 : i32 to index
          %swap3A_237 = tpu.vector_load %arg15[%swap3A_236] {strides = array<i32>} : memref<2048xf32, #tpu.memory_space<vmem>>, vector<16xf32>,
          %swap3A_238 = vector.shape_cast %swap3A_237 : vector<16xf32> to vector<16xf32>
          %swap3A_239 = vector.shape_cast %mul3A_235 : vector<16xf32> to vector<16xf32>
          tpu.vector_store %arg15[%swap3A_236], %swap3A_239 {strides = array<i32>} : memref<2048xf32, #tpu.memory_space<vmem>>, vector<16xf32>,
          %mul3A_240 = arith.constant 16 : i32
          %mul3A_241 = arith.muli %scan3A_67, %mul3A_240 : i32
          %mul3A_242 = arith.constant 16 : i32
          %mul3A_243 = arith.muli %mul3A_241, %mul3A_242 : i32
          %add3A_244 = arith.constant 192 : i32
          %add3A_245 = arith.addi %mul3A_243, %add3A_244 : i32
          %get3A_246 = arith.index_cast %add3A_245 : i32 to index
          %get3A_247 = tpu.vector_load %arg15[%get3A_246] {strides = array<i32>} : memref<2048xf32, #tpu.memory_space<vmem>>, vector<16xf32>,
          %get3A_248 = vector.shape_cast %get3A_247 : vector<16xf32> to vector<16xf32>
          %mul3A_249 = arith.mulf %get3A_248, %get3A_72 : vector<16xf32>
          %swap3A_250 = arith.index_cast %add3A_245 : i32 to index
          %swap3A_251 = tpu.vector_load %arg15[%swap3A_250] {strides = array<i32>} : memref<2048xf32, #tpu.memory_space<vmem>>, vector<16xf32>,
          %swap3A_252 = vector.shape_cast %swap3A_251 : vector<16xf32> to vector<16xf32>
          %swap3A_253 = vector.shape_cast %mul3A_249 : vector<16xf32> to vector<16xf32>
          tpu.vector_store %arg15[%swap3A_250], %swap3A_253 {strides = array<i32>} : memref<2048xf32, #tpu.memory_space<vmem>>, vector<16xf32>,
          %mul3A_254 = arith.constant 16 : i32
          %mul3A_255 = arith.muli %scan3A_67, %mul3A_254 : i32
          %mul3A_256 = arith.constant 16 : i32
          %mul3A_257 = arith.muli %mul3A_255, %mul3A_256 : i32
          %add3A_258 = arith.constant 208 : i32
          %add3A_259 = arith.addi %mul3A_257, %add3A_258 : i32
          %get3A_260 = arith.index_cast %add3A_259 : i32 to index
          %get3A_261 = tpu.vector_load %arg15[%get3A_260] {strides = array<i32>} : memref<2048xf32, #tpu.memory_space<vmem>>, vector<16xf32>,
          %get3A_262 = vector.shape_cast %get3A_261 : vector<16xf32> to vector<16xf32>
          %mul3A_263 = arith.mulf %get3A_262, %get3A_72 : vector<16xf32>
          %swap3A_264 = arith.index_cast %add3A_259 : i32 to index
          %swap3A_265 = tpu.vector_load %arg15[%swap3A_264] {strides = array<i32>} : memref<2048xf32, #tpu.memory_space<vmem>>, vector<16xf32>,
          %swap3A_266 = vector.shape_cast %swap3A_265 : vector<16xf32> to vector<16xf32>
          %swap3A_267 = vector.shape_cast %mul3A_263 : vector<16xf32> to vector<16xf32>
          tpu.vector_store %arg15[%swap3A_264], %swap3A_267 {strides = array<i32>} : memref<2048xf32, #tpu.memory_space<vmem>>, vector<16xf32>,
          %mul3A_268 = arith.constant 16 : i32
          %mul3A_269 = arith.muli %scan3A_67, %mul3A_268 : i32
          %mul3A_270 = arith.constant 16 : i32
          %mul3A_271 = arith.muli %mul3A_269, %mul3A_270 : i32
          %add3A_272 = arith.constant 224 : i32
          %add3A_273 = arith.addi %mul3A_271, %add3A_272 : i32
          %get3A_274 = arith.index_cast %add3A_273 : i32 to index
          %get3A_275 = tpu.vector_load %arg15[%get3A_274] {strides = array<i32>} : memref<2048xf32, #tpu.memory_space<vmem>>, vector<16xf32>,
          %get3A_276 = vector.shape_cast %get3A_275 : vector<16xf32> to vector<16xf32>
          %mul3A_277 = arith.mulf %get3A_276, %get3A_72 : vector<16xf32>
          %swap3A_278 = arith.index_cast %add3A_273 : i32 to index
          %swap3A_279 = tpu.vector_load %arg15[%swap3A_278] {strides = array<i32>} : memref<2048xf32, #tpu.memory_space<vmem>>, vector<16xf32>,
          %swap3A_280 = vector.shape_cast %swap3A_279 : vector<16xf32> to vector<16xf32>
          %swap3A_281 = vector.shape_cast %mul3A_277 : vector<16xf32> to vector<16xf32>
          tpu.vector_store %arg15[%swap3A_278], %swap3A_281 {strides = array<i32>} : memref<2048xf32, #tpu.memory_space<vmem>>, vector<16xf32>,
          %mul3A_282 = arith.constant 16 : i32
          %mul3A_283 = arith.muli %scan3A_67, %mul3A_282 : i32
          %mul3A_284 = arith.constant 16 : i32
          %mul3A_285 = arith.muli %mul3A_283, %mul3A_284 : i32
          %add3A_286 = arith.constant 240 : i32
          %add3A_287 = arith.addi %mul3A_285, %add3A_286 : i32
          %get3A_288 = arith.index_cast %add3A_287 : i32 to index
          %get3A_289 = tpu.vector_load %arg15[%get3A_288] {strides = array<i32>} : memref<2048xf32, #tpu.memory_space<vmem>>, vector<16xf32>,
          %get3A_290 = vector.shape_cast %get3A_289 : vector<16xf32> to vector<16xf32>
          %mul3A_291 = arith.mulf %get3A_290, %get3A_72 : vector<16xf32>
          %swap3A_292 = arith.index_cast %add3A_287 : i32 to index
          %swap3A_293 = tpu.vector_load %arg15[%swap3A_292] {strides = array<i32>} : memref<2048xf32, #tpu.memory_space<vmem>>, vector<16xf32>,
          %swap3A_294 = vector.shape_cast %swap3A_293 : vector<16xf32> to vector<16xf32>
          %swap3A_295 = vector.shape_cast %mul3A_291 : vector<16xf32> to vector<16xf32>
          tpu.vector_store %arg15[%swap3A_292], %swap3A_295 {strides = array<i32>} : memref<2048xf32, #tpu.memory_space<vmem>>, vector<16xf32>,
        }
        %scan3A_61 = arith.constant 8 : i32
        "tpu.region"() ({
          %run_scoped3A = tpu.sem_alloc : memref<!tpu.dma_semaphore, #tpu.memory_space<semaphore_mem>>
          %dma_start3A_67 = arith.constant 0 : i32
          %dma_start3A_68 = tpu.memref_slice %arg17[%dma_start3A_67] : memref<163840xf32, #tpu.memory_space<vmem_shared>> -> memref<163840xf32, #tpu.memory_space<vmem_shared>>
          tpu.enqueue_indirect_dma source(%arg15 : memref<2048xf32, #tpu.memory_space<vmem>>) target(%dma_start3A_68 : memref<163840xf32, #tpu.memory_space<vmem_shared>>) offsets(%arg14 : memref<2048xi32, #tpu.memory_space<vmem>>) semaphore(%run_scoped3A : memref<!tpu.dma_semaphore, #tpu.memory_space<semaphore_mem>>) {add = true}
          %dma_wait3A_69 = arith.constant 0 : i32
          %dma_wait3A_70 = tpu.memref_slice %arg17[%dma_wait3A_69] : memref<163840xf32, #tpu.memory_space<vmem_shared>> -> memref<163840xf32, #tpu.memory_space<vmem_shared>>
          tpu.wait_indirect_dma semaphore(%run_scoped3A : memref<!tpu.dma_semaphore, #tpu.memory_space<semaphore_mem>>) src(%arg15 : memref<2048xf32, #tpu.memory_space<vmem>>) dst(%dma_wait3A_70 : memref<163840xf32, #tpu.memory_space<vmem_shared>>)
          tpu.yield
        }) : () -> ()
        %eq3A_62 = arith.constant 0 : i32
        %eq3A_63 = arith.cmpi eq, %arg0, %eq3A_62 : i32
        %convert_element_type3A_64 = arith.extui %eq3A_63 : i1 to i32
        %cond3A_65 = arith.constant 0 : i32
        %cond3A_66 = arith.cmpi ne, %convert_element_type3A_64, %cond3A_65 : i32
        scf.if %cond3A_66 {
          "tpu.region"() ({
            %run_scoped3A = tpu.sem_alloc : memref<!tpu.dma_semaphore, #tpu.memory_space<semaphore_mem>>
            %dma_start3A_67 = arith.constant 0 : i32
            %dma_start3A_68 = tpu.memref_slice %arg12[%scan3A_47, %dma_start3A_67] : memref<8x128xf32, #tpu.memory_space<vmem>> -> memref<1x128xf32, #tpu.memory_space<vmem>>
            %dma_start3A_69 = tpu.memref_squeeze %dma_start3A_68 : memref<1x128xf32, #tpu.memory_space<vmem>> -> memref<128xf32, #tpu.memory_space<vmem>>
            %dma_start3A_70 = arith.constant 0 : i32
            %dma_start3A_71 = tpu.memref_slice %arg11[%scan3A_47, %dma_start3A_70] : memref<8x128xi32, #tpu.memory_space<vmem>> -> memref<1x128xi32, #tpu.memory_space<vmem>>
            %dma_start3A_72 = tpu.memref_squeeze %dma_start3A_71 : memref<1x128xi32, #tpu.memory_space<vmem>> -> memref<128xi32, #tpu.memory_space<vmem>>
            %dma_start3A_73 = arith.constant 0 : i32
            %dma_start3A_74 = tpu.memref_slice %arg18[%dma_start3A_73] : memref<10240xf32, #tpu.memory_space<vmem_shared>> -> memref<10240xf32, #tpu.memory_space<vmem_shared>>
            tpu.enqueue_indirect_dma source(%dma_start3A_69 : memref<128xf32, #tpu.memory_space<vmem>>) target(%dma_start3A_74 : memref<10240xf32, #tpu.memory_space<vmem_shared>>) offsets(%dma_start3A_72 : memref<128xi32, #tpu.memory_space<vmem>>) semaphore(%run_scoped3A : memref<!tpu.dma_semaphore, #tpu.memory_space<semaphore_mem>>) {add = true}
            %dma_wait3A_75 = arith.constant 0 : i32
            %dma_wait3A_76 = tpu.memref_slice %arg12[%scan3A_47, %dma_wait3A_75] : memref<8x128xf32, #tpu.memory_space<vmem>> -> memref<1x128xf32, #tpu.memory_space<vmem>>
            %dma_wait3A_77 = tpu.memref_squeeze %dma_wait3A_76 : memref<1x128xf32, #tpu.memory_space<vmem>> -> memref<128xf32, #tpu.memory_space<vmem>>
            %dma_wait3A_78 = arith.constant 0 : i32
            %dma_wait3A_79 = tpu.memref_slice %arg11[%scan3A_47, %dma_wait3A_78] : memref<8x128xi32, #tpu.memory_space<vmem>> -> memref<1x128xi32, #tpu.memory_space<vmem>>
            %dma_wait3A_80 = tpu.memref_squeeze %dma_wait3A_79 : memref<1x128xi32, #tpu.memory_space<vmem>> -> memref<128xi32, #tpu.memory_space<vmem>>
            %dma_wait3A_81 = arith.constant 0 : i32
            %dma_wait3A_82 = tpu.memref_slice %arg18[%dma_wait3A_81] : memref<10240xf32, #tpu.memory_space<vmem_shared>> -> memref<10240xf32, #tpu.memory_space<vmem_shared>>
            tpu.wait_indirect_dma semaphore(%run_scoped3A : memref<!tpu.dma_semaphore, #tpu.memory_space<semaphore_mem>>) src(%dma_wait3A_77 : memref<128xf32, #tpu.memory_space<vmem>>) dst(%dma_wait3A_82 : memref<10240xf32, #tpu.memory_space<vmem_shared>>)
            tpu.yield
          }) : () -> ()
        } else {
        }
      }
      %scan3A_46 = arith.constant 8 : i32
    }
    %scan3A_21 = arith.constant 10 : i32
    %barrier3A_22 = arith.constant 0 : index
    tpu.barrier barrier_id(%barrier3A_22)
    %mul3A_23 = arith.constant 640 : i32
    %mul3A_24 = arith.muli %arg1, %mul3A_23 : i32
    %mul3A_25 = arith.constant 16 : i32
    %mul3A_26 = arith.muli %mul3A_24, %mul3A_25 : i32
    %mul3A_27 = arith.constant 640 : i32
    %mul3A_28 = arith.muli %arg1, %mul3A_27 : i32
    %mul3A_29 = arith.constant 16 : i32
    %mul3A_30 = arith.muli %mul3A_28, %mul3A_29 : i32
    "tpu.region"() ({
      %run_scoped3A = tpu.sem_alloc : memref<!tpu.dma_semaphore, #tpu.memory_space<semaphore_mem>>
      %dma_start3A = tpu.memref_slice %arg8[%arg0, %mul3A_30] : memref<2x163840xf32, #tpu.memory_space<hbm>> -> memref<1x10240xf32, #tpu.memory_space<hbm>>
      %dma_start3A_36 = tpu.memref_squeeze %dma_start3A : memref<1x10240xf32, #tpu.memory_space<hbm>> -> memref<10240xf32, #tpu.memory_space<hbm>>
      %dma_start3A_37 = tpu.memref_slice %arg17[%mul3A_26] : memref<163840xf32, #tpu.memory_space<vmem_shared>> -> memref<10240xf32, #tpu.memory_space<vmem_shared>>
      tpu.enqueue_dma source(%dma_start3A_37 : memref<10240xf32, #tpu.memory_space<vmem_shared>>) target(%dma_start3A_36 : memref<10240xf32, #tpu.memory_space<hbm>>) target_semaphore(%run_scoped3A : memref<!tpu.dma_semaphore, #tpu.memory_space<semaphore_mem>>)
      %dma_wait3A = tpu.memref_slice %arg8[%arg0, %mul3A_30] : memref<2x163840xf32, #tpu.memory_space<hbm>> -> memref<1x10240xf32, #tpu.memory_space<hbm>>
      %dma_wait3A_38 = tpu.memref_squeeze %dma_wait3A : memref<1x10240xf32, #tpu.memory_space<hbm>> -> memref<10240xf32, #tpu.memory_space<hbm>>
      %dma_wait3A_39 = tpu.memref_slice %arg17[%mul3A_26] : memref<163840xf32, #tpu.memory_space<vmem_shared>> -> memref<10240xf32, #tpu.memory_space<vmem_shared>>
      tpu.wait_dma2 semaphore(%run_scoped3A : memref<!tpu.dma_semaphore, #tpu.memory_space<semaphore_mem>>) src(%dma_wait3A_39 : memref<10240xf32, #tpu.memory_space<vmem_shared>>) dst(%dma_wait3A_38 : memref<10240xf32, #tpu.memory_space<hbm>>)
      tpu.yield
    }) : () -> ()
    %eq3A_31 = arith.constant 0 : i32
    %eq3A_32 = arith.cmpi eq, %arg0, %eq3A_31 : i32
    %convert_element_type3A_33 = arith.extui %eq3A_32 : i1 to i32
    %cond3A_34 = arith.constant 0 : i32
    %cond3A_35 = arith.cmpi ne, %convert_element_type3A_33, %cond3A_34 : i32
    scf.if %cond3A_35 {
      %mul3A_36 = arith.constant 640 : i32
      %mul3A_37 = arith.muli %arg1, %mul3A_36 : i32
      %mul3A_38 = arith.constant 640 : i32
      %mul3A_39 = arith.muli %arg1, %mul3A_38 : i32
      "tpu.region"() ({
        %run_scoped3A = tpu.sem_alloc : memref<!tpu.dma_semaphore, #tpu.memory_space<semaphore_mem>>
        %dma_start3A = tpu.memref_slice %arg9[%mul3A_39] : memref<10240xf32, #tpu.memory_space<hbm>> -> memref<640xf32, #tpu.memory_space<hbm>>
        %dma_start3A_40 = tpu.memref_slice %arg18[%mul3A_37] : memref<10240xf32, #tpu.memory_space<vmem_shared>> -> memref<640xf32, #tpu.memory_space<vmem_shared>>
        tpu.enqueue_dma source(%dma_start3A_40 : memref<640xf32, #tpu.memory_space<vmem_shared>>) target(%dma_start3A : memref<640xf32, #tpu.memory_space<hbm>>) target_semaphore(%run_scoped3A : memref<!tpu.dma_semaphore, #tpu.memory_space<semaphore_mem>>)
        %dma_wait3A = tpu.memref_slice %arg9[%mul3A_39] : memref<10240xf32, #tpu.memory_space<hbm>> -> memref<640xf32, #tpu.memory_space<hbm>>
        %dma_wait3A_41 = tpu.memref_slice %arg18[%mul3A_37] : memref<10240xf32, #tpu.memory_space<vmem_shared>> -> memref<640xf32, #tpu.memory_space<vmem_shared>>
        tpu.wait_dma2 semaphore(%run_scoped3A : memref<!tpu.dma_semaphore, #tpu.memory_space<semaphore_mem>>) src(%dma_wait3A_41 : memref<640xf32, #tpu.memory_space<vmem_shared>>) dst(%dma_wait3A : memref<640xf32, #tpu.memory_space<hbm>>)
        tpu.yield
      }) : () -> ()
    } else {
    }
    return
  }
}

#map = affine_map<(d0, d1) -> (0, 0)>
#map1 = affine_map<(d0, d1) -> (0)>
module attributes {stable_mosaic.version = 14 : i64} {
  func.func @_spmm_body(%arg0: i32, %arg1: i32, %arg2: memref<2x163840xf32, #tpu.memory_space<hbm>>, %arg3: memref<1280x128xi32, #tpu.memory_space<hbm>>, %arg4: memref<1280x128xi32, #tpu.memory_space<hbm>>, %arg5: memref<1280x128xf32, #tpu.memory_space<hbm>>, %arg6: memref<163840xf32, #tpu.memory_space<hbm>>, %arg7: memref<10240xf32, #tpu.memory_space<hbm>>, %arg8: memref<2x163840xf32, #tpu.memory_space<hbm>>, %arg9: memref<8x128xi32, #tpu.memory_space<vmem>>, %arg10: memref<8x128xi32, #tpu.memory_space<vmem>>, %arg11: memref<8x128xf32, #tpu.memory_space<vmem>>, %arg12: memref<2048xi32, #tpu.memory_space<vmem>>, %arg13: memref<2048xi32, #tpu.memory_space<vmem>>, %arg14: memref<2048xf32, #tpu.memory_space<vmem>>, %arg15: memref<163840xf32, #tpu.memory_space<vmem_shared>>, %arg16: memref<163840xf32, #tpu.memory_space<vmem_shared>>, %arg17: memref<!tpu.dma_semaphore, #tpu.memory_space<semaphore_mem>>) attributes {dimension_semantics = [#tpu.dimension_semantics<core_parallel>, #tpu.dimension_semantics<subcore_parallel>], iteration_bounds = array<i64: 2, 16>, scalar_prefetch = 0 : i64, scratch_operands = 9 : i64, tpu.core_type = #tpu.core_type<sc_vector_subcore>, window_params = [{transform_indices = #map}, {transform_indices = #map}, {transform_indices = #map}, {transform_indices = #map}, {transform_indices = #map1}, {transform_indices = #map1}, {transform_indices = #map}]} {
    %mul3A = arith.constant 640 : i32
    %mul3A_0 = arith.muli %arg1, %mul3A : i32
    %mul3A_1 = arith.constant 16 : i32
    %mul3A_2 = arith.muli %mul3A_0, %mul3A_1 : i32
    %mul3A_3 = arith.constant 640 : i32
    %mul3A_4 = arith.muli %arg1, %mul3A_3 : i32
    %mul3A_5 = arith.constant 16 : i32
    %mul3A_6 = arith.muli %mul3A_4, %mul3A_5 : i32
    "tpu.region"() ({
      %run_scoped3A = tpu.sem_alloc : memref<!tpu.dma_semaphore, #tpu.memory_space<semaphore_mem>>
      %dma_start3A = tpu.memref_slice %arg15[%mul3A_6] : memref<163840xf32, #tpu.memory_space<vmem_shared>> -> memref<10240xf32, #tpu.memory_space<vmem_shared>>
      %dma_start3A_29 = tpu.memref_slice %arg2[%arg0, %mul3A_2] : memref<2x163840xf32, #tpu.memory_space<hbm>> -> memref<1x10240xf32, #tpu.memory_space<hbm>>
      %dma_start3A_30 = tpu.memref_squeeze %dma_start3A_29 : memref<1x10240xf32, #tpu.memory_space<hbm>> -> memref<10240xf32, #tpu.memory_space<hbm>>
      tpu.enqueue_dma source(%dma_start3A_30 : memref<10240xf32, #tpu.memory_space<hbm>>) target(%dma_start3A : memref<10240xf32, #tpu.memory_space<vmem_shared>>) target_semaphore(%run_scoped3A : memref<!tpu.dma_semaphore, #tpu.memory_space<semaphore_mem>>)
      %dma_wait3A = tpu.memref_slice %arg15[%mul3A_6] : memref<163840xf32, #tpu.memory_space<vmem_shared>> -> memref<10240xf32, #tpu.memory_space<vmem_shared>>
      %dma_wait3A_31 = tpu.memref_slice %arg2[%arg0, %mul3A_2] : memref<2x163840xf32, #tpu.memory_space<hbm>> -> memref<1x10240xf32, #tpu.memory_space<hbm>>
      %dma_wait3A_32 = tpu.memref_squeeze %dma_wait3A_31 : memref<1x10240xf32, #tpu.memory_space<hbm>> -> memref<10240xf32, #tpu.memory_space<hbm>>
      tpu.wait_dma2 semaphore(%run_scoped3A : memref<!tpu.dma_semaphore, #tpu.memory_space<semaphore_mem>>) src(%dma_wait3A_32 : memref<10240xf32, #tpu.memory_space<hbm>>) dst(%dma_wait3A : memref<10240xf32, #tpu.memory_space<vmem_shared>>)
      tpu.yield
    }) : () -> ()
    %mul3A_7 = arith.constant 640 : i32
    %mul3A_8 = arith.muli %arg1, %mul3A_7 : i32
    %mul3A_9 = arith.constant 16 : i32
    %mul3A_10 = arith.muli %mul3A_8, %mul3A_9 : i32
    %mul3A_11 = arith.constant 640 : i32
    %mul3A_12 = arith.muli %arg1, %mul3A_11 : i32
    %mul3A_13 = arith.constant 16 : i32
    %mul3A_14 = arith.muli %mul3A_12, %mul3A_13 : i32
    "tpu.region"() ({
      %run_scoped3A = tpu.sem_alloc : memref<!tpu.dma_semaphore, #tpu.memory_space<semaphore_mem>>
      %dma_start3A = tpu.memref_slice %arg16[%mul3A_14] : memref<163840xf32, #tpu.memory_space<vmem_shared>> -> memref<10240xf32, #tpu.memory_space<vmem_shared>>
      %dma_start3A_29 = tpu.memref_slice %arg6[%mul3A_10] : memref<163840xf32, #tpu.memory_space<hbm>> -> memref<10240xf32, #tpu.memory_space<hbm>>
      tpu.enqueue_dma source(%dma_start3A_29 : memref<10240xf32, #tpu.memory_space<hbm>>) target(%dma_start3A : memref<10240xf32, #tpu.memory_space<vmem_shared>>) target_semaphore(%run_scoped3A : memref<!tpu.dma_semaphore, #tpu.memory_space<semaphore_mem>>)
      %dma_wait3A = tpu.memref_slice %arg16[%mul3A_14] : memref<163840xf32, #tpu.memory_space<vmem_shared>> -> memref<10240xf32, #tpu.memory_space<vmem_shared>>
      %dma_wait3A_30 = tpu.memref_slice %arg6[%mul3A_10] : memref<163840xf32, #tpu.memory_space<hbm>> -> memref<10240xf32, #tpu.memory_space<hbm>>
      tpu.wait_dma2 semaphore(%run_scoped3A : memref<!tpu.dma_semaphore, #tpu.memory_space<semaphore_mem>>) src(%dma_wait3A_30 : memref<10240xf32, #tpu.memory_space<hbm>>) dst(%dma_wait3A : memref<10240xf32, #tpu.memory_space<vmem_shared>>)
      tpu.yield
    }) : () -> ()
    %barrier3A = arith.constant 0 : index
    tpu.barrier barrier_id(%barrier3A)
    %scan3A = arith.constant 0 : i32
    %scan3A_15 = arith.constant 0 : i32
    %scan3A_16 = arith.constant 10 : i32
    %scan3A_17 = arith.addi %scan3A_15, %scan3A_16 : i32
    %scan3A_18 = arith.constant 1 : i32
    scf.for %scan3A_29 = %scan3A_15 to %scan3A_17 step %scan3A_18  : i32 {
      %mul3A_30 = arith.constant 80 : i32
      %mul3A_31 = arith.muli %arg1, %mul3A_30 : i32
      %mul3A_32 = arith.constant 8 : i32
      %mul3A_33 = arith.muli %scan3A_29, %mul3A_32 : i32
      %add3A = arith.addi %mul3A_31, %mul3A_33 : i32
      "tpu.region"() ({
        %run_scoped3A = tpu.sem_alloc : memref<!tpu.dma_semaphore, #tpu.memory_space<semaphore_mem>>
        %dma_start3A = arith.constant 0 : i32
        %dma_start3A_40 = tpu.memref_slice %arg3[%add3A, %dma_start3A] : memref<1280x128xi32, #tpu.memory_space<hbm>> -> memref<8x128xi32, #tpu.memory_space<hbm>>
        %dma_start3A_41 = arith.constant 0 : i32
        %dma_start3A_42 = tpu.memref_slice %arg3[%add3A, %dma_start3A_41] : memref<1280x128xi32, #tpu.memory_space<hbm>> -> memref<8x128xi32, #tpu.memory_space<hbm>>
        tpu.enqueue_dma source(%dma_start3A_42 : memref<8x128xi32, #tpu.memory_space<hbm>>) target(%arg9 : memref<8x128xi32, #tpu.memory_space<vmem>>) target_semaphore(%run_scoped3A : memref<!tpu.dma_semaphore, #tpu.memory_space<semaphore_mem>>)
        %dma_wait3A = arith.constant 0 : i32
        %dma_wait3A_43 = tpu.memref_slice %arg3[%add3A, %dma_wait3A] : memref<1280x128xi32, #tpu.memory_space<hbm>> -> memref<8x128xi32, #tpu.memory_space<hbm>>
        %dma_wait3A_44 = arith.constant 0 : i32
        %dma_wait3A_45 = tpu.memref_slice %arg3[%add3A, %dma_wait3A_44] : memref<1280x128xi32, #tpu.memory_space<hbm>> -> memref<8x128xi32, #tpu.memory_space<hbm>>
        tpu.wait_dma2 semaphore(%run_scoped3A : memref<!tpu.dma_semaphore, #tpu.memory_space<semaphore_mem>>) src(%dma_wait3A_45 : memref<8x128xi32, #tpu.memory_space<hbm>>) dst(%arg9 : memref<8x128xi32, #tpu.memory_space<vmem>>)
        tpu.yield
      }) : () -> ()
      "tpu.region"() ({
        %run_scoped3A = tpu.sem_alloc : memref<!tpu.dma_semaphore, #tpu.memory_space<semaphore_mem>>
        %dma_start3A = arith.constant 0 : i32
        %dma_start3A_40 = tpu.memref_slice %arg4[%add3A, %dma_start3A] : memref<1280x128xi32, #tpu.memory_space<hbm>> -> memref<8x128xi32, #tpu.memory_space<hbm>>
        %dma_start3A_41 = arith.constant 0 : i32
        %dma_start3A_42 = tpu.memref_slice %arg4[%add3A, %dma_start3A_41] : memref<1280x128xi32, #tpu.memory_space<hbm>> -> memref<8x128xi32, #tpu.memory_space<hbm>>
        tpu.enqueue_dma source(%dma_start3A_42 : memref<8x128xi32, #tpu.memory_space<hbm>>) target(%arg10 : memref<8x128xi32, #tpu.memory_space<vmem>>) target_semaphore(%run_scoped3A : memref<!tpu.dma_semaphore, #tpu.memory_space<semaphore_mem>>)
        %dma_wait3A = arith.constant 0 : i32
        %dma_wait3A_43 = tpu.memref_slice %arg4[%add3A, %dma_wait3A] : memref<1280x128xi32, #tpu.memory_space<hbm>> -> memref<8x128xi32, #tpu.memory_space<hbm>>
        %dma_wait3A_44 = arith.constant 0 : i32
        %dma_wait3A_45 = tpu.memref_slice %arg4[%add3A, %dma_wait3A_44] : memref<1280x128xi32, #tpu.memory_space<hbm>> -> memref<8x128xi32, #tpu.memory_space<hbm>>
        tpu.wait_dma2 semaphore(%run_scoped3A : memref<!tpu.dma_semaphore, #tpu.memory_space<semaphore_mem>>) src(%dma_wait3A_45 : memref<8x128xi32, #tpu.memory_space<hbm>>) dst(%arg10 : memref<8x128xi32, #tpu.memory_space<vmem>>)
        tpu.yield
      }) : () -> ()
      "tpu.region"() ({
        %run_scoped3A = tpu.sem_alloc : memref<!tpu.dma_semaphore, #tpu.memory_space<semaphore_mem>>
        %dma_start3A = arith.constant 0 : i32
        %dma_start3A_40 = tpu.memref_slice %arg5[%add3A, %dma_start3A] : memref<1280x128xf32, #tpu.memory_space<hbm>> -> memref<8x128xf32, #tpu.memory_space<hbm>>
        %dma_start3A_41 = arith.constant 0 : i32
        %dma_start3A_42 = tpu.memref_slice %arg5[%add3A, %dma_start3A_41] : memref<1280x128xf32, #tpu.memory_space<hbm>> -> memref<8x128xf32, #tpu.memory_space<hbm>>
        tpu.enqueue_dma source(%dma_start3A_42 : memref<8x128xf32, #tpu.memory_space<hbm>>) target(%arg11 : memref<8x128xf32, #tpu.memory_space<vmem>>) target_semaphore(%run_scoped3A : memref<!tpu.dma_semaphore, #tpu.memory_space<semaphore_mem>>)
        %dma_wait3A = arith.constant 0 : i32
        %dma_wait3A_43 = tpu.memref_slice %arg5[%add3A, %dma_wait3A] : memref<1280x128xf32, #tpu.memory_space<hbm>> -> memref<8x128xf32, #tpu.memory_space<hbm>>
        %dma_wait3A_44 = arith.constant 0 : i32
        %dma_wait3A_45 = tpu.memref_slice %arg5[%add3A, %dma_wait3A_44] : memref<1280x128xf32, #tpu.memory_space<hbm>> -> memref<8x128xf32, #tpu.memory_space<hbm>>
        tpu.wait_dma2 semaphore(%run_scoped3A : memref<!tpu.dma_semaphore, #tpu.memory_space<semaphore_mem>>) src(%dma_wait3A_45 : memref<8x128xf32, #tpu.memory_space<hbm>>) dst(%arg11 : memref<8x128xf32, #tpu.memory_space<vmem>>)
        tpu.yield
      }) : () -> ()
      %scan3A_34 = arith.constant 0 : i32
      %scan3A_35 = arith.constant 0 : i32
      %scan3A_36 = arith.constant 8 : i32
      %scan3A_37 = arith.addi %scan3A_35, %scan3A_36 : i32
      %scan3A_38 = arith.constant 1 : i32
      scf.for %scan3A_40 = %scan3A_35 to %scan3A_37 step %scan3A_38  : i32 {
        %scan3A_41 = arith.constant 0 : i32
        %scan3A_42 = arith.constant 0 : i32
        %scan3A_43 = arith.constant 8 : i32
        %scan3A_44 = arith.addi %scan3A_42, %scan3A_43 : i32
        %scan3A_45 = arith.constant 1 : i32
        scf.for %scan3A_55 = %scan3A_42 to %scan3A_44 step %scan3A_45  : i32 {
          %mul3A_56 = arith.constant 16 : i32
          %mul3A_57 = arith.muli %scan3A_55, %mul3A_56 : i32
          %get3A = arith.index_cast %scan3A_40 : i32 to index
          %get3A_58 = arith.index_cast %mul3A_57 : i32 to index
          %get3A_59 = tpu.vector_load %arg9[%get3A, %get3A_58] {strides = array<i32>} : memref<8x128xi32, #tpu.memory_space<vmem>>, vector<1x16xi32>,
          %get3A_60 = vector.shape_cast %get3A_59 : vector<1x16xi32> to vector<16xi32>
          %mul3A_61 = arith.constant 16 : i32
          %mul3A_62 = vector.broadcast %mul3A_61 : i32 to vector<16xi32>
          %mul3A_63 = arith.muli %get3A_60, %mul3A_62 : vector<16xi32>
          %mul3A_64 = arith.constant 16 : i32
          %mul3A_65 = arith.muli %scan3A_55, %mul3A_64 : i32
          %get3A_66 = arith.index_cast %scan3A_40 : i32 to index
          %get3A_67 = arith.index_cast %mul3A_65 : i32 to index
          %get3A_68 = tpu.vector_load %arg10[%get3A_66, %get3A_67] {strides = array<i32>} : memref<8x128xi32, #tpu.memory_space<vmem>>, vector<1x16xi32>,
          %get3A_69 = vector.shape_cast %get3A_68 : vector<1x16xi32> to vector<16xi32>
          %mul3A_70 = arith.constant 16 : i32
          %mul3A_71 = vector.broadcast %mul3A_70 : i32 to vector<16xi32>
          %mul3A_72 = arith.muli %get3A_69, %mul3A_71 : vector<16xi32>
          %add3A_73 = arith.constant 0 : i32
          %add3A_74 = vector.broadcast %add3A_73 : i32 to vector<16xi32>
          %add3A_75 = arith.addi %mul3A_63, %add3A_74 : vector<16xi32>
          %mul3A_76 = arith.constant 16 : i32
          %mul3A_77 = arith.muli %scan3A_55, %mul3A_76 : i32
          %mul3A_78 = arith.constant 16 : i32
          %mul3A_79 = arith.muli %mul3A_77, %mul3A_78 : i32
          %add3A_80 = arith.constant 0 : i32
          %add3A_81 = arith.addi %mul3A_79, %add3A_80 : i32
          %swap3A = arith.index_cast %add3A_81 : i32 to index
          %swap3A_82 = tpu.vector_load %arg12[%swap3A] {strides = array<i32>} : memref<2048xi32, #tpu.memory_space<vmem>>, vector<16xi32>,
          %swap3A_83 = vector.shape_cast %swap3A_82 : vector<16xi32> to vector<16xi32>
          %swap3A_84 = vector.shape_cast %add3A_75 : vector<16xi32> to vector<16xi32>
          tpu.vector_store %arg12[%swap3A], %swap3A_84 {strides = array<i32>} : memref<2048xi32, #tpu.memory_space<vmem>>, vector<16xi32>,
          %add3A_85 = arith.constant 0 : i32
          %add3A_86 = vector.broadcast %add3A_85 : i32 to vector<16xi32>
          %add3A_87 = arith.addi %mul3A_72, %add3A_86 : vector<16xi32>
          %mul3A_88 = arith.constant 16 : i32
          %mul3A_89 = arith.muli %scan3A_55, %mul3A_88 : i32
          %mul3A_90 = arith.constant 16 : i32
          %mul3A_91 = arith.muli %mul3A_89, %mul3A_90 : i32
          %add3A_92 = arith.constant 0 : i32
          %add3A_93 = arith.addi %mul3A_91, %add3A_92 : i32
          %swap3A_94 = arith.index_cast %add3A_93 : i32 to index
          %swap3A_95 = tpu.vector_load %arg13[%swap3A_94] {strides = array<i32>} : memref<2048xi32, #tpu.memory_space<vmem>>, vector<16xi32>,
          %swap3A_96 = vector.shape_cast %swap3A_95 : vector<16xi32> to vector<16xi32>
          %swap3A_97 = vector.shape_cast %add3A_87 : vector<16xi32> to vector<16xi32>
          tpu.vector_store %arg13[%swap3A_94], %swap3A_97 {strides = array<i32>} : memref<2048xi32, #tpu.memory_space<vmem>>, vector<16xi32>,
          %add3A_98 = arith.constant 1 : i32
          %add3A_99 = vector.broadcast %add3A_98 : i32 to vector<16xi32>
          %add3A_100 = arith.addi %mul3A_63, %add3A_99 : vector<16xi32>
          %mul3A_101 = arith.constant 16 : i32
          %mul3A_102 = arith.muli %scan3A_55, %mul3A_101 : i32
          %mul3A_103 = arith.constant 16 : i32
          %mul3A_104 = arith.muli %mul3A_102, %mul3A_103 : i32
          %add3A_105 = arith.constant 16 : i32
          %add3A_106 = arith.addi %mul3A_104, %add3A_105 : i32
          %swap3A_107 = arith.index_cast %add3A_106 : i32 to index
          %swap3A_108 = tpu.vector_load %arg12[%swap3A_107] {strides = array<i32>} : memref<2048xi32, #tpu.memory_space<vmem>>, vector<16xi32>,
          %swap3A_109 = vector.shape_cast %swap3A_108 : vector<16xi32> to vector<16xi32>
          %swap3A_110 = vector.shape_cast %add3A_100 : vector<16xi32> to vector<16xi32>
          tpu.vector_store %arg12[%swap3A_107], %swap3A_110 {strides = array<i32>} : memref<2048xi32, #tpu.memory_space<vmem>>, vector<16xi32>,
          %add3A_111 = arith.constant 1 : i32
          %add3A_112 = vector.broadcast %add3A_111 : i32 to vector<16xi32>
          %add3A_113 = arith.addi %mul3A_72, %add3A_112 : vector<16xi32>
          %mul3A_114 = arith.constant 16 : i32
          %mul3A_115 = arith.muli %scan3A_55, %mul3A_114 : i32
          %mul3A_116 = arith.constant 16 : i32
          %mul3A_117 = arith.muli %mul3A_115, %mul3A_116 : i32
          %add3A_118 = arith.constant 16 : i32
          %add3A_119 = arith.addi %mul3A_117, %add3A_118 : i32
          %swap3A_120 = arith.index_cast %add3A_119 : i32 to index
          %swap3A_121 = tpu.vector_load %arg13[%swap3A_120] {strides = array<i32>} : memref<2048xi32, #tpu.memory_space<vmem>>, vector<16xi32>,
          %swap3A_122 = vector.shape_cast %swap3A_121 : vector<16xi32> to vector<16xi32>
          %swap3A_123 = vector.shape_cast %add3A_113 : vector<16xi32> to vector<16xi32>
          tpu.vector_store %arg13[%swap3A_120], %swap3A_123 {strides = array<i32>} : memref<2048xi32, #tpu.memory_space<vmem>>, vector<16xi32>,
          %add3A_124 = arith.constant 2 : i32
          %add3A_125 = vector.broadcast %add3A_124 : i32 to vector<16xi32>
          %add3A_126 = arith.addi %mul3A_63, %add3A_125 : vector<16xi32>
          %mul3A_127 = arith.constant 16 : i32
          %mul3A_128 = arith.muli %scan3A_55, %mul3A_127 : i32
          %mul3A_129 = arith.constant 16 : i32
          %mul3A_130 = arith.muli %mul3A_128, %mul3A_129 : i32
          %add3A_131 = arith.constant 32 : i32
          %add3A_132 = arith.addi %mul3A_130, %add3A_131 : i32
          %swap3A_133 = arith.index_cast %add3A_132 : i32 to index
          %swap3A_134 = tpu.vector_load %arg12[%swap3A_133] {strides = array<i32>} : memref<2048xi32, #tpu.memory_space<vmem>>, vector<16xi32>,
          %swap3A_135 = vector.shape_cast %swap3A_134 : vector<16xi32> to vector<16xi32>
          %swap3A_136 = vector.shape_cast %add3A_126 : vector<16xi32> to vector<16xi32>
          tpu.vector_store %arg12[%swap3A_133], %swap3A_136 {strides = array<i32>} : memref<2048xi32, #tpu.memory_space<vmem>>, vector<16xi32>,
          %add3A_137 = arith.constant 2 : i32
          %add3A_138 = vector.broadcast %add3A_137 : i32 to vector<16xi32>
          %add3A_139 = arith.addi %mul3A_72, %add3A_138 : vector<16xi32>
          %mul3A_140 = arith.constant 16 : i32
          %mul3A_141 = arith.muli %scan3A_55, %mul3A_140 : i32
          %mul3A_142 = arith.constant 16 : i32
          %mul3A_143 = arith.muli %mul3A_141, %mul3A_142 : i32
          %add3A_144 = arith.constant 32 : i32
          %add3A_145 = arith.addi %mul3A_143, %add3A_144 : i32
          %swap3A_146 = arith.index_cast %add3A_145 : i32 to index
          %swap3A_147 = tpu.vector_load %arg13[%swap3A_146] {strides = array<i32>} : memref<2048xi32, #tpu.memory_space<vmem>>, vector<16xi32>,
          %swap3A_148 = vector.shape_cast %swap3A_147 : vector<16xi32> to vector<16xi32>
          %swap3A_149 = vector.shape_cast %add3A_139 : vector<16xi32> to vector<16xi32>
          tpu.vector_store %arg13[%swap3A_146], %swap3A_149 {strides = array<i32>} : memref<2048xi32, #tpu.memory_space<vmem>>, vector<16xi32>,
          %add3A_150 = arith.constant 3 : i32
          %add3A_151 = vector.broadcast %add3A_150 : i32 to vector<16xi32>
          %add3A_152 = arith.addi %mul3A_63, %add3A_151 : vector<16xi32>
          %mul3A_153 = arith.constant 16 : i32
          %mul3A_154 = arith.muli %scan3A_55, %mul3A_153 : i32
          %mul3A_155 = arith.constant 16 : i32
          %mul3A_156 = arith.muli %mul3A_154, %mul3A_155 : i32
          %add3A_157 = arith.constant 48 : i32
          %add3A_158 = arith.addi %mul3A_156, %add3A_157 : i32
          %swap3A_159 = arith.index_cast %add3A_158 : i32 to index
          %swap3A_160 = tpu.vector_load %arg12[%swap3A_159] {strides = array<i32>} : memref<2048xi32, #tpu.memory_space<vmem>>, vector<16xi32>,
          %swap3A_161 = vector.shape_cast %swap3A_160 : vector<16xi32> to vector<16xi32>
          %swap3A_162 = vector.shape_cast %add3A_152 : vector<16xi32> to vector<16xi32>
          tpu.vector_store %arg12[%swap3A_159], %swap3A_162 {strides = array<i32>} : memref<2048xi32, #tpu.memory_space<vmem>>, vector<16xi32>,
          %add3A_163 = arith.constant 3 : i32
          %add3A_164 = vector.broadcast %add3A_163 : i32 to vector<16xi32>
          %add3A_165 = arith.addi %mul3A_72, %add3A_164 : vector<16xi32>
          %mul3A_166 = arith.constant 16 : i32
          %mul3A_167 = arith.muli %scan3A_55, %mul3A_166 : i32
          %mul3A_168 = arith.constant 16 : i32
          %mul3A_169 = arith.muli %mul3A_167, %mul3A_168 : i32
          %add3A_170 = arith.constant 48 : i32
          %add3A_171 = arith.addi %mul3A_169, %add3A_170 : i32
          %swap3A_172 = arith.index_cast %add3A_171 : i32 to index
          %swap3A_173 = tpu.vector_load %arg13[%swap3A_172] {strides = array<i32>} : memref<2048xi32, #tpu.memory_space<vmem>>, vector<16xi32>,
          %swap3A_174 = vector.shape_cast %swap3A_173 : vector<16xi32> to vector<16xi32>
          %swap3A_175 = vector.shape_cast %add3A_165 : vector<16xi32> to vector<16xi32>
          tpu.vector_store %arg13[%swap3A_172], %swap3A_175 {strides = array<i32>} : memref<2048xi32, #tpu.memory_space<vmem>>, vector<16xi32>,
          %add3A_176 = arith.constant 4 : i32
          %add3A_177 = vector.broadcast %add3A_176 : i32 to vector<16xi32>
          %add3A_178 = arith.addi %mul3A_63, %add3A_177 : vector<16xi32>
          %mul3A_179 = arith.constant 16 : i32
          %mul3A_180 = arith.muli %scan3A_55, %mul3A_179 : i32
          %mul3A_181 = arith.constant 16 : i32
          %mul3A_182 = arith.muli %mul3A_180, %mul3A_181 : i32
          %add3A_183 = arith.constant 64 : i32
          %add3A_184 = arith.addi %mul3A_182, %add3A_183 : i32
          %swap3A_185 = arith.index_cast %add3A_184 : i32 to index
          %swap3A_186 = tpu.vector_load %arg12[%swap3A_185] {strides = array<i32>} : memref<2048xi32, #tpu.memory_space<vmem>>, vector<16xi32>,
          %swap3A_187 = vector.shape_cast %swap3A_186 : vector<16xi32> to vector<16xi32>
          %swap3A_188 = vector.shape_cast %add3A_178 : vector<16xi32> to vector<16xi32>
          tpu.vector_store %arg12[%swap3A_185], %swap3A_188 {strides = array<i32>} : memref<2048xi32, #tpu.memory_space<vmem>>, vector<16xi32>,
          %add3A_189 = arith.constant 4 : i32
          %add3A_190 = vector.broadcast %add3A_189 : i32 to vector<16xi32>
          %add3A_191 = arith.addi %mul3A_72, %add3A_190 : vector<16xi32>
          %mul3A_192 = arith.constant 16 : i32
          %mul3A_193 = arith.muli %scan3A_55, %mul3A_192 : i32
          %mul3A_194 = arith.constant 16 : i32
          %mul3A_195 = arith.muli %mul3A_193, %mul3A_194 : i32
          %add3A_196 = arith.constant 64 : i32
          %add3A_197 = arith.addi %mul3A_195, %add3A_196 : i32
          %swap3A_198 = arith.index_cast %add3A_197 : i32 to index
          %swap3A_199 = tpu.vector_load %arg13[%swap3A_198] {strides = array<i32>} : memref<2048xi32, #tpu.memory_space<vmem>>, vector<16xi32>,
          %swap3A_200 = vector.shape_cast %swap3A_199 : vector<16xi32> to vector<16xi32>
          %swap3A_201 = vector.shape_cast %add3A_191 : vector<16xi32> to vector<16xi32>
          tpu.vector_store %arg13[%swap3A_198], %swap3A_201 {strides = array<i32>} : memref<2048xi32, #tpu.memory_space<vmem>>, vector<16xi32>,
          %add3A_202 = arith.constant 5 : i32
          %add3A_203 = vector.broadcast %add3A_202 : i32 to vector<16xi32>
          %add3A_204 = arith.addi %mul3A_63, %add3A_203 : vector<16xi32>
          %mul3A_205 = arith.constant 16 : i32
          %mul3A_206 = arith.muli %scan3A_55, %mul3A_205 : i32
          %mul3A_207 = arith.constant 16 : i32
          %mul3A_208 = arith.muli %mul3A_206, %mul3A_207 : i32
          %add3A_209 = arith.constant 80 : i32
          %add3A_210 = arith.addi %mul3A_208, %add3A_209 : i32
          %swap3A_211 = arith.index_cast %add3A_210 : i32 to index
          %swap3A_212 = tpu.vector_load %arg12[%swap3A_211] {strides = array<i32>} : memref<2048xi32, #tpu.memory_space<vmem>>, vector<16xi32>,
          %swap3A_213 = vector.shape_cast %swap3A_212 : vector<16xi32> to vector<16xi32>
          %swap3A_214 = vector.shape_cast %add3A_204 : vector<16xi32> to vector<16xi32>
          tpu.vector_store %arg12[%swap3A_211], %swap3A_214 {strides = array<i32>} : memref<2048xi32, #tpu.memory_space<vmem>>, vector<16xi32>,
          %add3A_215 = arith.constant 5 : i32
          %add3A_216 = vector.broadcast %add3A_215 : i32 to vector<16xi32>
          %add3A_217 = arith.addi %mul3A_72, %add3A_216 : vector<16xi32>
          %mul3A_218 = arith.constant 16 : i32
          %mul3A_219 = arith.muli %scan3A_55, %mul3A_218 : i32
          %mul3A_220 = arith.constant 16 : i32
          %mul3A_221 = arith.muli %mul3A_219, %mul3A_220 : i32
          %add3A_222 = arith.constant 80 : i32
          %add3A_223 = arith.addi %mul3A_221, %add3A_222 : i32
          %swap3A_224 = arith.index_cast %add3A_223 : i32 to index
          %swap3A_225 = tpu.vector_load %arg13[%swap3A_224] {strides = array<i32>} : memref<2048xi32, #tpu.memory_space<vmem>>, vector<16xi32>,
          %swap3A_226 = vector.shape_cast %swap3A_225 : vector<16xi32> to vector<16xi32>
          %swap3A_227 = vector.shape_cast %add3A_217 : vector<16xi32> to vector<16xi32>
          tpu.vector_store %arg13[%swap3A_224], %swap3A_227 {strides = array<i32>} : memref<2048xi32, #tpu.memory_space<vmem>>, vector<16xi32>,
          %add3A_228 = arith.constant 6 : i32
          %add3A_229 = vector.broadcast %add3A_228 : i32 to vector<16xi32>
          %add3A_230 = arith.addi %mul3A_63, %add3A_229 : vector<16xi32>
          %mul3A_231 = arith.constant 16 : i32
          %mul3A_232 = arith.muli %scan3A_55, %mul3A_231 : i32
          %mul3A_233 = arith.constant 16 : i32
          %mul3A_234 = arith.muli %mul3A_232, %mul3A_233 : i32
          %add3A_235 = arith.constant 96 : i32
          %add3A_236 = arith.addi %mul3A_234, %add3A_235 : i32
          %swap3A_237 = arith.index_cast %add3A_236 : i32 to index
          %swap3A_238 = tpu.vector_load %arg12[%swap3A_237] {strides = array<i32>} : memref<2048xi32, #tpu.memory_space<vmem>>, vector<16xi32>,
          %swap3A_239 = vector.shape_cast %swap3A_238 : vector<16xi32> to vector<16xi32>
          %swap3A_240 = vector.shape_cast %add3A_230 : vector<16xi32> to vector<16xi32>
          tpu.vector_store %arg12[%swap3A_237], %swap3A_240 {strides = array<i32>} : memref<2048xi32, #tpu.memory_space<vmem>>, vector<16xi32>,
          %add3A_241 = arith.constant 6 : i32
          %add3A_242 = vector.broadcast %add3A_241 : i32 to vector<16xi32>
          %add3A_243 = arith.addi %mul3A_72, %add3A_242 : vector<16xi32>
          %mul3A_244 = arith.constant 16 : i32
          %mul3A_245 = arith.muli %scan3A_55, %mul3A_244 : i32
          %mul3A_246 = arith.constant 16 : i32
          %mul3A_247 = arith.muli %mul3A_245, %mul3A_246 : i32
          %add3A_248 = arith.constant 96 : i32
          %add3A_249 = arith.addi %mul3A_247, %add3A_248 : i32
          %swap3A_250 = arith.index_cast %add3A_249 : i32 to index
          %swap3A_251 = tpu.vector_load %arg13[%swap3A_250] {strides = array<i32>} : memref<2048xi32, #tpu.memory_space<vmem>>, vector<16xi32>,
          %swap3A_252 = vector.shape_cast %swap3A_251 : vector<16xi32> to vector<16xi32>
          %swap3A_253 = vector.shape_cast %add3A_243 : vector<16xi32> to vector<16xi32>
          tpu.vector_store %arg13[%swap3A_250], %swap3A_253 {strides = array<i32>} : memref<2048xi32, #tpu.memory_space<vmem>>, vector<16xi32>,
          %add3A_254 = arith.constant 7 : i32
          %add3A_255 = vector.broadcast %add3A_254 : i32 to vector<16xi32>
          %add3A_256 = arith.addi %mul3A_63, %add3A_255 : vector<16xi32>
          %mul3A_257 = arith.constant 16 : i32
          %mul3A_258 = arith.muli %scan3A_55, %mul3A_257 : i32
          %mul3A_259 = arith.constant 16 : i32
          %mul3A_260 = arith.muli %mul3A_258, %mul3A_259 : i32
          %add3A_261 = arith.constant 112 : i32
          %add3A_262 = arith.addi %mul3A_260, %add3A_261 : i32
          %swap3A_263 = arith.index_cast %add3A_262 : i32 to index
          %swap3A_264 = tpu.vector_load %arg12[%swap3A_263] {strides = array<i32>} : memref<2048xi32, #tpu.memory_space<vmem>>, vector<16xi32>,
          %swap3A_265 = vector.shape_cast %swap3A_264 : vector<16xi32> to vector<16xi32>
          %swap3A_266 = vector.shape_cast %add3A_256 : vector<16xi32> to vector<16xi32>
          tpu.vector_store %arg12[%swap3A_263], %swap3A_266 {strides = array<i32>} : memref<2048xi32, #tpu.memory_space<vmem>>, vector<16xi32>,
          %add3A_267 = arith.constant 7 : i32
          %add3A_268 = vector.broadcast %add3A_267 : i32 to vector<16xi32>
          %add3A_269 = arith.addi %mul3A_72, %add3A_268 : vector<16xi32>
          %mul3A_270 = arith.constant 16 : i32
          %mul3A_271 = arith.muli %scan3A_55, %mul3A_270 : i32
          %mul3A_272 = arith.constant 16 : i32
          %mul3A_273 = arith.muli %mul3A_271, %mul3A_272 : i32
          %add3A_274 = arith.constant 112 : i32
          %add3A_275 = arith.addi %mul3A_273, %add3A_274 : i32
          %swap3A_276 = arith.index_cast %add3A_275 : i32 to index
          %swap3A_277 = tpu.vector_load %arg13[%swap3A_276] {strides = array<i32>} : memref<2048xi32, #tpu.memory_space<vmem>>, vector<16xi32>,
          %swap3A_278 = vector.shape_cast %swap3A_277 : vector<16xi32> to vector<16xi32>
          %swap3A_279 = vector.shape_cast %add3A_269 : vector<16xi32> to vector<16xi32>
          tpu.vector_store %arg13[%swap3A_276], %swap3A_279 {strides = array<i32>} : memref<2048xi32, #tpu.memory_space<vmem>>, vector<16xi32>,
          %add3A_280 = arith.constant 8 : i32
          %add3A_281 = vector.broadcast %add3A_280 : i32 to vector<16xi32>
          %add3A_282 = arith.addi %mul3A_63, %add3A_281 : vector<16xi32>
          %mul3A_283 = arith.constant 16 : i32
          %mul3A_284 = arith.muli %scan3A_55, %mul3A_283 : i32
          %mul3A_285 = arith.constant 16 : i32
          %mul3A_286 = arith.muli %mul3A_284, %mul3A_285 : i32
          %add3A_287 = arith.constant 128 : i32
          %add3A_288 = arith.addi %mul3A_286, %add3A_287 : i32
          %swap3A_289 = arith.index_cast %add3A_288 : i32 to index
          %swap3A_290 = tpu.vector_load %arg12[%swap3A_289] {strides = array<i32>} : memref<2048xi32, #tpu.memory_space<vmem>>, vector<16xi32>,
          %swap3A_291 = vector.shape_cast %swap3A_290 : vector<16xi32> to vector<16xi32>
          %swap3A_292 = vector.shape_cast %add3A_282 : vector<16xi32> to vector<16xi32>
          tpu.vector_store %arg12[%swap3A_289], %swap3A_292 {strides = array<i32>} : memref<2048xi32, #tpu.memory_space<vmem>>, vector<16xi32>,
          %add3A_293 = arith.constant 8 : i32
          %add3A_294 = vector.broadcast %add3A_293 : i32 to vector<16xi32>
          %add3A_295 = arith.addi %mul3A_72, %add3A_294 : vector<16xi32>
          %mul3A_296 = arith.constant 16 : i32
          %mul3A_297 = arith.muli %scan3A_55, %mul3A_296 : i32
          %mul3A_298 = arith.constant 16 : i32
          %mul3A_299 = arith.muli %mul3A_297, %mul3A_298 : i32
          %add3A_300 = arith.constant 128 : i32
          %add3A_301 = arith.addi %mul3A_299, %add3A_300 : i32
          %swap3A_302 = arith.index_cast %add3A_301 : i32 to index
          %swap3A_303 = tpu.vector_load %arg13[%swap3A_302] {strides = array<i32>} : memref<2048xi32, #tpu.memory_space<vmem>>, vector<16xi32>,
          %swap3A_304 = vector.shape_cast %swap3A_303 : vector<16xi32> to vector<16xi32>
          %swap3A_305 = vector.shape_cast %add3A_295 : vector<16xi32> to vector<16xi32>
          tpu.vector_store %arg13[%swap3A_302], %swap3A_305 {strides = array<i32>} : memref<2048xi32, #tpu.memory_space<vmem>>, vector<16xi32>,
          %add3A_306 = arith.constant 9 : i32
          %add3A_307 = vector.broadcast %add3A_306 : i32 to vector<16xi32>
          %add3A_308 = arith.addi %mul3A_63, %add3A_307 : vector<16xi32>
          %mul3A_309 = arith.constant 16 : i32
          %mul3A_310 = arith.muli %scan3A_55, %mul3A_309 : i32
          %mul3A_311 = arith.constant 16 : i32
          %mul3A_312 = arith.muli %mul3A_310, %mul3A_311 : i32
          %add3A_313 = arith.constant 144 : i32
          %add3A_314 = arith.addi %mul3A_312, %add3A_313 : i32
          %swap3A_315 = arith.index_cast %add3A_314 : i32 to index
          %swap3A_316 = tpu.vector_load %arg12[%swap3A_315] {strides = array<i32>} : memref<2048xi32, #tpu.memory_space<vmem>>, vector<16xi32>,
          %swap3A_317 = vector.shape_cast %swap3A_316 : vector<16xi32> to vector<16xi32>
          %swap3A_318 = vector.shape_cast %add3A_308 : vector<16xi32> to vector<16xi32>
          tpu.vector_store %arg12[%swap3A_315], %swap3A_318 {strides = array<i32>} : memref<2048xi32, #tpu.memory_space<vmem>>, vector<16xi32>,
          %add3A_319 = arith.constant 9 : i32
          %add3A_320 = vector.broadcast %add3A_319 : i32 to vector<16xi32>
          %add3A_321 = arith.addi %mul3A_72, %add3A_320 : vector<16xi32>
          %mul3A_322 = arith.constant 16 : i32
          %mul3A_323 = arith.muli %scan3A_55, %mul3A_322 : i32
          %mul3A_324 = arith.constant 16 : i32
          %mul3A_325 = arith.muli %mul3A_323, %mul3A_324 : i32
          %add3A_326 = arith.constant 144 : i32
          %add3A_327 = arith.addi %mul3A_325, %add3A_326 : i32
          %swap3A_328 = arith.index_cast %add3A_327 : i32 to index
          %swap3A_329 = tpu.vector_load %arg13[%swap3A_328] {strides = array<i32>} : memref<2048xi32, #tpu.memory_space<vmem>>, vector<16xi32>,
          %swap3A_330 = vector.shape_cast %swap3A_329 : vector<16xi32> to vector<16xi32>
          %swap3A_331 = vector.shape_cast %add3A_321 : vector<16xi32> to vector<16xi32>
          tpu.vector_store %arg13[%swap3A_328], %swap3A_331 {strides = array<i32>} : memref<2048xi32, #tpu.memory_space<vmem>>, vector<16xi32>,
          %add3A_332 = arith.constant 10 : i32
          %add3A_333 = vector.broadcast %add3A_332 : i32 to vector<16xi32>
          %add3A_334 = arith.addi %mul3A_63, %add3A_333 : vector<16xi32>
          %mul3A_335 = arith.constant 16 : i32
          %mul3A_336 = arith.muli %scan3A_55, %mul3A_335 : i32
          %mul3A_337 = arith.constant 16 : i32
          %mul3A_338 = arith.muli %mul3A_336, %mul3A_337 : i32
          %add3A_339 = arith.constant 160 : i32
          %add3A_340 = arith.addi %mul3A_338, %add3A_339 : i32
          %swap3A_341 = arith.index_cast %add3A_340 : i32 to index
          %swap3A_342 = tpu.vector_load %arg12[%swap3A_341] {strides = array<i32>} : memref<2048xi32, #tpu.memory_space<vmem>>, vector<16xi32>,
          %swap3A_343 = vector.shape_cast %swap3A_342 : vector<16xi32> to vector<16xi32>
          %swap3A_344 = vector.shape_cast %add3A_334 : vector<16xi32> to vector<16xi32>
          tpu.vector_store %arg12[%swap3A_341], %swap3A_344 {strides = array<i32>} : memref<2048xi32, #tpu.memory_space<vmem>>, vector<16xi32>,
          %add3A_345 = arith.constant 10 : i32
          %add3A_346 = vector.broadcast %add3A_345 : i32 to vector<16xi32>
          %add3A_347 = arith.addi %mul3A_72, %add3A_346 : vector<16xi32>
          %mul3A_348 = arith.constant 16 : i32
          %mul3A_349 = arith.muli %scan3A_55, %mul3A_348 : i32
          %mul3A_350 = arith.constant 16 : i32
          %mul3A_351 = arith.muli %mul3A_349, %mul3A_350 : i32
          %add3A_352 = arith.constant 160 : i32
          %add3A_353 = arith.addi %mul3A_351, %add3A_352 : i32
          %swap3A_354 = arith.index_cast %add3A_353 : i32 to index
          %swap3A_355 = tpu.vector_load %arg13[%swap3A_354] {strides = array<i32>} : memref<2048xi32, #tpu.memory_space<vmem>>, vector<16xi32>,
          %swap3A_356 = vector.shape_cast %swap3A_355 : vector<16xi32> to vector<16xi32>
          %swap3A_357 = vector.shape_cast %add3A_347 : vector<16xi32> to vector<16xi32>
          tpu.vector_store %arg13[%swap3A_354], %swap3A_357 {strides = array<i32>} : memref<2048xi32, #tpu.memory_space<vmem>>, vector<16xi32>,
          %add3A_358 = arith.constant 11 : i32
          %add3A_359 = vector.broadcast %add3A_358 : i32 to vector<16xi32>
          %add3A_360 = arith.addi %mul3A_63, %add3A_359 : vector<16xi32>
          %mul3A_361 = arith.constant 16 : i32
          %mul3A_362 = arith.muli %scan3A_55, %mul3A_361 : i32
          %mul3A_363 = arith.constant 16 : i32
          %mul3A_364 = arith.muli %mul3A_362, %mul3A_363 : i32
          %add3A_365 = arith.constant 176 : i32
          %add3A_366 = arith.addi %mul3A_364, %add3A_365 : i32
          %swap3A_367 = arith.index_cast %add3A_366 : i32 to index
          %swap3A_368 = tpu.vector_load %arg12[%swap3A_367] {strides = array<i32>} : memref<2048xi32, #tpu.memory_space<vmem>>, vector<16xi32>,
          %swap3A_369 = vector.shape_cast %swap3A_368 : vector<16xi32> to vector<16xi32>
          %swap3A_370 = vector.shape_cast %add3A_360 : vector<16xi32> to vector<16xi32>
          tpu.vector_store %arg12[%swap3A_367], %swap3A_370 {strides = array<i32>} : memref<2048xi32, #tpu.memory_space<vmem>>, vector<16xi32>,
          %add3A_371 = arith.constant 11 : i32
          %add3A_372 = vector.broadcast %add3A_371 : i32 to vector<16xi32>
          %add3A_373 = arith.addi %mul3A_72, %add3A_372 : vector<16xi32>
          %mul3A_374 = arith.constant 16 : i32
          %mul3A_375 = arith.muli %scan3A_55, %mul3A_374 : i32
          %mul3A_376 = arith.constant 16 : i32
          %mul3A_377 = arith.muli %mul3A_375, %mul3A_376 : i32
          %add3A_378 = arith.constant 176 : i32
          %add3A_379 = arith.addi %mul3A_377, %add3A_378 : i32
          %swap3A_380 = arith.index_cast %add3A_379 : i32 to index
          %swap3A_381 = tpu.vector_load %arg13[%swap3A_380] {strides = array<i32>} : memref<2048xi32, #tpu.memory_space<vmem>>, vector<16xi32>,
          %swap3A_382 = vector.shape_cast %swap3A_381 : vector<16xi32> to vector<16xi32>
          %swap3A_383 = vector.shape_cast %add3A_373 : vector<16xi32> to vector<16xi32>
          tpu.vector_store %arg13[%swap3A_380], %swap3A_383 {strides = array<i32>} : memref<2048xi32, #tpu.memory_space<vmem>>, vector<16xi32>,
          %add3A_384 = arith.constant 12 : i32
          %add3A_385 = vector.broadcast %add3A_384 : i32 to vector<16xi32>
          %add3A_386 = arith.addi %mul3A_63, %add3A_385 : vector<16xi32>
          %mul3A_387 = arith.constant 16 : i32
          %mul3A_388 = arith.muli %scan3A_55, %mul3A_387 : i32
          %mul3A_389 = arith.constant 16 : i32
          %mul3A_390 = arith.muli %mul3A_388, %mul3A_389 : i32
          %add3A_391 = arith.constant 192 : i32
          %add3A_392 = arith.addi %mul3A_390, %add3A_391 : i32
          %swap3A_393 = arith.index_cast %add3A_392 : i32 to index
          %swap3A_394 = tpu.vector_load %arg12[%swap3A_393] {strides = array<i32>} : memref<2048xi32, #tpu.memory_space<vmem>>, vector<16xi32>,
          %swap3A_395 = vector.shape_cast %swap3A_394 : vector<16xi32> to vector<16xi32>
          %swap3A_396 = vector.shape_cast %add3A_386 : vector<16xi32> to vector<16xi32>
          tpu.vector_store %arg12[%swap3A_393], %swap3A_396 {strides = array<i32>} : memref<2048xi32, #tpu.memory_space<vmem>>, vector<16xi32>,
          %add3A_397 = arith.constant 12 : i32
          %add3A_398 = vector.broadcast %add3A_397 : i32 to vector<16xi32>
          %add3A_399 = arith.addi %mul3A_72, %add3A_398 : vector<16xi32>
          %mul3A_400 = arith.constant 16 : i32
          %mul3A_401 = arith.muli %scan3A_55, %mul3A_400 : i32
          %mul3A_402 = arith.constant 16 : i32
          %mul3A_403 = arith.muli %mul3A_401, %mul3A_402 : i32
          %add3A_404 = arith.constant 192 : i32
          %add3A_405 = arith.addi %mul3A_403, %add3A_404 : i32
          %swap3A_406 = arith.index_cast %add3A_405 : i32 to index
          %swap3A_407 = tpu.vector_load %arg13[%swap3A_406] {strides = array<i32>} : memref<2048xi32, #tpu.memory_space<vmem>>, vector<16xi32>,
          %swap3A_408 = vector.shape_cast %swap3A_407 : vector<16xi32> to vector<16xi32>
          %swap3A_409 = vector.shape_cast %add3A_399 : vector<16xi32> to vector<16xi32>
          tpu.vector_store %arg13[%swap3A_406], %swap3A_409 {strides = array<i32>} : memref<2048xi32, #tpu.memory_space<vmem>>, vector<16xi32>,
          %add3A_410 = arith.constant 13 : i32
          %add3A_411 = vector.broadcast %add3A_410 : i32 to vector<16xi32>
          %add3A_412 = arith.addi %mul3A_63, %add3A_411 : vector<16xi32>
          %mul3A_413 = arith.constant 16 : i32
          %mul3A_414 = arith.muli %scan3A_55, %mul3A_413 : i32
          %mul3A_415 = arith.constant 16 : i32
          %mul3A_416 = arith.muli %mul3A_414, %mul3A_415 : i32
          %add3A_417 = arith.constant 208 : i32
          %add3A_418 = arith.addi %mul3A_416, %add3A_417 : i32
          %swap3A_419 = arith.index_cast %add3A_418 : i32 to index
          %swap3A_420 = tpu.vector_load %arg12[%swap3A_419] {strides = array<i32>} : memref<2048xi32, #tpu.memory_space<vmem>>, vector<16xi32>,
          %swap3A_421 = vector.shape_cast %swap3A_420 : vector<16xi32> to vector<16xi32>
          %swap3A_422 = vector.shape_cast %add3A_412 : vector<16xi32> to vector<16xi32>
          tpu.vector_store %arg12[%swap3A_419], %swap3A_422 {strides = array<i32>} : memref<2048xi32, #tpu.memory_space<vmem>>, vector<16xi32>,
          %add3A_423 = arith.constant 13 : i32
          %add3A_424 = vector.broadcast %add3A_423 : i32 to vector<16xi32>
          %add3A_425 = arith.addi %mul3A_72, %add3A_424 : vector<16xi32>
          %mul3A_426 = arith.constant 16 : i32
          %mul3A_427 = arith.muli %scan3A_55, %mul3A_426 : i32
          %mul3A_428 = arith.constant 16 : i32
          %mul3A_429 = arith.muli %mul3A_427, %mul3A_428 : i32
          %add3A_430 = arith.constant 208 : i32
          %add3A_431 = arith.addi %mul3A_429, %add3A_430 : i32
          %swap3A_432 = arith.index_cast %add3A_431 : i32 to index
          %swap3A_433 = tpu.vector_load %arg13[%swap3A_432] {strides = array<i32>} : memref<2048xi32, #tpu.memory_space<vmem>>, vector<16xi32>,
          %swap3A_434 = vector.shape_cast %swap3A_433 : vector<16xi32> to vector<16xi32>
          %swap3A_435 = vector.shape_cast %add3A_425 : vector<16xi32> to vector<16xi32>
          tpu.vector_store %arg13[%swap3A_432], %swap3A_435 {strides = array<i32>} : memref<2048xi32, #tpu.memory_space<vmem>>, vector<16xi32>,
          %add3A_436 = arith.constant 14 : i32
          %add3A_437 = vector.broadcast %add3A_436 : i32 to vector<16xi32>
          %add3A_438 = arith.addi %mul3A_63, %add3A_437 : vector<16xi32>
          %mul3A_439 = arith.constant 16 : i32
          %mul3A_440 = arith.muli %scan3A_55, %mul3A_439 : i32
          %mul3A_441 = arith.constant 16 : i32
          %mul3A_442 = arith.muli %mul3A_440, %mul3A_441 : i32
          %add3A_443 = arith.constant 224 : i32
          %add3A_444 = arith.addi %mul3A_442, %add3A_443 : i32
          %swap3A_445 = arith.index_cast %add3A_444 : i32 to index
          %swap3A_446 = tpu.vector_load %arg12[%swap3A_445] {strides = array<i32>} : memref<2048xi32, #tpu.memory_space<vmem>>, vector<16xi32>,
          %swap3A_447 = vector.shape_cast %swap3A_446 : vector<16xi32> to vector<16xi32>
          %swap3A_448 = vector.shape_cast %add3A_438 : vector<16xi32> to vector<16xi32>
          tpu.vector_store %arg12[%swap3A_445], %swap3A_448 {strides = array<i32>} : memref<2048xi32, #tpu.memory_space<vmem>>, vector<16xi32>,
          %add3A_449 = arith.constant 14 : i32
          %add3A_450 = vector.broadcast %add3A_449 : i32 to vector<16xi32>
          %add3A_451 = arith.addi %mul3A_72, %add3A_450 : vector<16xi32>
          %mul3A_452 = arith.constant 16 : i32
          %mul3A_453 = arith.muli %scan3A_55, %mul3A_452 : i32
          %mul3A_454 = arith.constant 16 : i32
          %mul3A_455 = arith.muli %mul3A_453, %mul3A_454 : i32
          %add3A_456 = arith.constant 224 : i32
          %add3A_457 = arith.addi %mul3A_455, %add3A_456 : i32
          %swap3A_458 = arith.index_cast %add3A_457 : i32 to index
          %swap3A_459 = tpu.vector_load %arg13[%swap3A_458] {strides = array<i32>} : memref<2048xi32, #tpu.memory_space<vmem>>, vector<16xi32>,
          %swap3A_460 = vector.shape_cast %swap3A_459 : vector<16xi32> to vector<16xi32>
          %swap3A_461 = vector.shape_cast %add3A_451 : vector<16xi32> to vector<16xi32>
          tpu.vector_store %arg13[%swap3A_458], %swap3A_461 {strides = array<i32>} : memref<2048xi32, #tpu.memory_space<vmem>>, vector<16xi32>,
          %add3A_462 = arith.constant 15 : i32
          %add3A_463 = vector.broadcast %add3A_462 : i32 to vector<16xi32>
          %add3A_464 = arith.addi %mul3A_63, %add3A_463 : vector<16xi32>
          %mul3A_465 = arith.constant 16 : i32
          %mul3A_466 = arith.muli %scan3A_55, %mul3A_465 : i32
          %mul3A_467 = arith.constant 16 : i32
          %mul3A_468 = arith.muli %mul3A_466, %mul3A_467 : i32
          %add3A_469 = arith.constant 240 : i32
          %add3A_470 = arith.addi %mul3A_468, %add3A_469 : i32
          %swap3A_471 = arith.index_cast %add3A_470 : i32 to index
          %swap3A_472 = tpu.vector_load %arg12[%swap3A_471] {strides = array<i32>} : memref<2048xi32, #tpu.memory_space<vmem>>, vector<16xi32>,
          %swap3A_473 = vector.shape_cast %swap3A_472 : vector<16xi32> to vector<16xi32>
          %swap3A_474 = vector.shape_cast %add3A_464 : vector<16xi32> to vector<16xi32>
          tpu.vector_store %arg12[%swap3A_471], %swap3A_474 {strides = array<i32>} : memref<2048xi32, #tpu.memory_space<vmem>>, vector<16xi32>,
          %add3A_475 = arith.constant 15 : i32
          %add3A_476 = vector.broadcast %add3A_475 : i32 to vector<16xi32>
          %add3A_477 = arith.addi %mul3A_72, %add3A_476 : vector<16xi32>
          %mul3A_478 = arith.constant 16 : i32
          %mul3A_479 = arith.muli %scan3A_55, %mul3A_478 : i32
          %mul3A_480 = arith.constant 16 : i32
          %mul3A_481 = arith.muli %mul3A_479, %mul3A_480 : i32
          %add3A_482 = arith.constant 240 : i32
          %add3A_483 = arith.addi %mul3A_481, %add3A_482 : i32
          %swap3A_484 = arith.index_cast %add3A_483 : i32 to index
          %swap3A_485 = tpu.vector_load %arg13[%swap3A_484] {strides = array<i32>} : memref<2048xi32, #tpu.memory_space<vmem>>, vector<16xi32>,
          %swap3A_486 = vector.shape_cast %swap3A_485 : vector<16xi32> to vector<16xi32>
          %swap3A_487 = vector.shape_cast %add3A_477 : vector<16xi32> to vector<16xi32>
          tpu.vector_store %arg13[%swap3A_484], %swap3A_487 {strides = array<i32>} : memref<2048xi32, #tpu.memory_space<vmem>>, vector<16xi32>,
        }
        %scan3A_46 = arith.constant 8 : i32
        %dma_start3A = arith.constant 0 : i32
        %dma_start3A_47 = tpu.memref_slice %arg15[%dma_start3A] : memref<163840xf32, #tpu.memory_space<vmem_shared>> -> memref<163840xf32, #tpu.memory_space<vmem_shared>>
        tpu.enqueue_indirect_dma source(%dma_start3A_47 : memref<163840xf32, #tpu.memory_space<vmem_shared>>) target(%arg14 : memref<2048xf32, #tpu.memory_space<vmem>>) offsets(%arg12 : memref<2048xi32, #tpu.memory_space<vmem>>) semaphore(%arg17 : memref<!tpu.dma_semaphore, #tpu.memory_space<semaphore_mem>>)
        %dma_wait3A = arith.constant 0 : i32
        %dma_wait3A_48 = tpu.memref_slice %arg15[%dma_wait3A] : memref<163840xf32, #tpu.memory_space<vmem_shared>> -> memref<163840xf32, #tpu.memory_space<vmem_shared>>
        tpu.wait_indirect_dma semaphore(%arg17 : memref<!tpu.dma_semaphore, #tpu.memory_space<semaphore_mem>>) src(%dma_wait3A_48 : memref<163840xf32, #tpu.memory_space<vmem_shared>>) dst(%arg14 : memref<2048xf32, #tpu.memory_space<vmem>>)
        %scan3A_49 = arith.constant 0 : i32
        %scan3A_50 = arith.constant 0 : i32
        %scan3A_51 = arith.constant 8 : i32
        %scan3A_52 = arith.addi %scan3A_50, %scan3A_51 : i32
        %scan3A_53 = arith.constant 1 : i32
        scf.for %scan3A_55 = %scan3A_50 to %scan3A_52 step %scan3A_53  : i32 {
          %mul3A_56 = arith.constant 16 : i32
          %mul3A_57 = arith.muli %scan3A_55, %mul3A_56 : i32
          %get3A = arith.index_cast %scan3A_40 : i32 to index
          %get3A_58 = arith.index_cast %mul3A_57 : i32 to index
          %get3A_59 = tpu.vector_load %arg11[%get3A, %get3A_58] {strides = array<i32>} : memref<8x128xf32, #tpu.memory_space<vmem>>, vector<1x16xf32>,
          %get3A_60 = vector.shape_cast %get3A_59 : vector<1x16xf32> to vector<16xf32>
          %mul3A_61 = arith.constant 16 : i32
          %mul3A_62 = arith.muli %scan3A_55, %mul3A_61 : i32
          %mul3A_63 = arith.constant 16 : i32
          %mul3A_64 = arith.muli %mul3A_62, %mul3A_63 : i32
          %add3A_65 = arith.constant 0 : i32
          %add3A_66 = arith.addi %mul3A_64, %add3A_65 : i32
          %get3A_67 = arith.index_cast %add3A_66 : i32 to index
          %get3A_68 = tpu.vector_load %arg14[%get3A_67] {strides = array<i32>} : memref<2048xf32, #tpu.memory_space<vmem>>, vector<16xf32>,
          %get3A_69 = vector.shape_cast %get3A_68 : vector<16xf32> to vector<16xf32>
          %mul3A_70 = arith.mulf %get3A_69, %get3A_60 : vector<16xf32>
          %swap3A = arith.index_cast %add3A_66 : i32 to index
          %swap3A_71 = tpu.vector_load %arg14[%swap3A] {strides = array<i32>} : memref<2048xf32, #tpu.memory_space<vmem>>, vector<16xf32>,
          %swap3A_72 = vector.shape_cast %swap3A_71 : vector<16xf32> to vector<16xf32>
          %swap3A_73 = vector.shape_cast %mul3A_70 : vector<16xf32> to vector<16xf32>
          tpu.vector_store %arg14[%swap3A], %swap3A_73 {strides = array<i32>} : memref<2048xf32, #tpu.memory_space<vmem>>, vector<16xf32>,
          %mul3A_74 = arith.constant 16 : i32
          %mul3A_75 = arith.muli %scan3A_55, %mul3A_74 : i32
          %mul3A_76 = arith.constant 16 : i32
          %mul3A_77 = arith.muli %mul3A_75, %mul3A_76 : i32
          %add3A_78 = arith.constant 16 : i32
          %add3A_79 = arith.addi %mul3A_77, %add3A_78 : i32
          %get3A_80 = arith.index_cast %add3A_79 : i32 to index
          %get3A_81 = tpu.vector_load %arg14[%get3A_80] {strides = array<i32>} : memref<2048xf32, #tpu.memory_space<vmem>>, vector<16xf32>,
          %get3A_82 = vector.shape_cast %get3A_81 : vector<16xf32> to vector<16xf32>
          %mul3A_83 = arith.mulf %get3A_82, %get3A_60 : vector<16xf32>
          %swap3A_84 = arith.index_cast %add3A_79 : i32 to index
          %swap3A_85 = tpu.vector_load %arg14[%swap3A_84] {strides = array<i32>} : memref<2048xf32, #tpu.memory_space<vmem>>, vector<16xf32>,
          %swap3A_86 = vector.shape_cast %swap3A_85 : vector<16xf32> to vector<16xf32>
          %swap3A_87 = vector.shape_cast %mul3A_83 : vector<16xf32> to vector<16xf32>
          tpu.vector_store %arg14[%swap3A_84], %swap3A_87 {strides = array<i32>} : memref<2048xf32, #tpu.memory_space<vmem>>, vector<16xf32>,
          %mul3A_88 = arith.constant 16 : i32
          %mul3A_89 = arith.muli %scan3A_55, %mul3A_88 : i32
          %mul3A_90 = arith.constant 16 : i32
          %mul3A_91 = arith.muli %mul3A_89, %mul3A_90 : i32
          %add3A_92 = arith.constant 32 : i32
          %add3A_93 = arith.addi %mul3A_91, %add3A_92 : i32
          %get3A_94 = arith.index_cast %add3A_93 : i32 to index
          %get3A_95 = tpu.vector_load %arg14[%get3A_94] {strides = array<i32>} : memref<2048xf32, #tpu.memory_space<vmem>>, vector<16xf32>,
          %get3A_96 = vector.shape_cast %get3A_95 : vector<16xf32> to vector<16xf32>
          %mul3A_97 = arith.mulf %get3A_96, %get3A_60 : vector<16xf32>
          %swap3A_98 = arith.index_cast %add3A_93 : i32 to index
          %swap3A_99 = tpu.vector_load %arg14[%swap3A_98] {strides = array<i32>} : memref<2048xf32, #tpu.memory_space<vmem>>, vector<16xf32>,
          %swap3A_100 = vector.shape_cast %swap3A_99 : vector<16xf32> to vector<16xf32>
          %swap3A_101 = vector.shape_cast %mul3A_97 : vector<16xf32> to vector<16xf32>
          tpu.vector_store %arg14[%swap3A_98], %swap3A_101 {strides = array<i32>} : memref<2048xf32, #tpu.memory_space<vmem>>, vector<16xf32>,
          %mul3A_102 = arith.constant 16 : i32
          %mul3A_103 = arith.muli %scan3A_55, %mul3A_102 : i32
          %mul3A_104 = arith.constant 16 : i32
          %mul3A_105 = arith.muli %mul3A_103, %mul3A_104 : i32
          %add3A_106 = arith.constant 48 : i32
          %add3A_107 = arith.addi %mul3A_105, %add3A_106 : i32
          %get3A_108 = arith.index_cast %add3A_107 : i32 to index
          %get3A_109 = tpu.vector_load %arg14[%get3A_108] {strides = array<i32>} : memref<2048xf32, #tpu.memory_space<vmem>>, vector<16xf32>,
          %get3A_110 = vector.shape_cast %get3A_109 : vector<16xf32> to vector<16xf32>
          %mul3A_111 = arith.mulf %get3A_110, %get3A_60 : vector<16xf32>
          %swap3A_112 = arith.index_cast %add3A_107 : i32 to index
          %swap3A_113 = tpu.vector_load %arg14[%swap3A_112] {strides = array<i32>} : memref<2048xf32, #tpu.memory_space<vmem>>, vector<16xf32>,
          %swap3A_114 = vector.shape_cast %swap3A_113 : vector<16xf32> to vector<16xf32>
          %swap3A_115 = vector.shape_cast %mul3A_111 : vector<16xf32> to vector<16xf32>
          tpu.vector_store %arg14[%swap3A_112], %swap3A_115 {strides = array<i32>} : memref<2048xf32, #tpu.memory_space<vmem>>, vector<16xf32>,
          %mul3A_116 = arith.constant 16 : i32
          %mul3A_117 = arith.muli %scan3A_55, %mul3A_116 : i32
          %mul3A_118 = arith.constant 16 : i32
          %mul3A_119 = arith.muli %mul3A_117, %mul3A_118 : i32
          %add3A_120 = arith.constant 64 : i32
          %add3A_121 = arith.addi %mul3A_119, %add3A_120 : i32
          %get3A_122 = arith.index_cast %add3A_121 : i32 to index
          %get3A_123 = tpu.vector_load %arg14[%get3A_122] {strides = array<i32>} : memref<2048xf32, #tpu.memory_space<vmem>>, vector<16xf32>,
          %get3A_124 = vector.shape_cast %get3A_123 : vector<16xf32> to vector<16xf32>
          %mul3A_125 = arith.mulf %get3A_124, %get3A_60 : vector<16xf32>
          %swap3A_126 = arith.index_cast %add3A_121 : i32 to index
          %swap3A_127 = tpu.vector_load %arg14[%swap3A_126] {strides = array<i32>} : memref<2048xf32, #tpu.memory_space<vmem>>, vector<16xf32>,
          %swap3A_128 = vector.shape_cast %swap3A_127 : vector<16xf32> to vector<16xf32>
          %swap3A_129 = vector.shape_cast %mul3A_125 : vector<16xf32> to vector<16xf32>
          tpu.vector_store %arg14[%swap3A_126], %swap3A_129 {strides = array<i32>} : memref<2048xf32, #tpu.memory_space<vmem>>, vector<16xf32>,
          %mul3A_130 = arith.constant 16 : i32
          %mul3A_131 = arith.muli %scan3A_55, %mul3A_130 : i32
          %mul3A_132 = arith.constant 16 : i32
          %mul3A_133 = arith.muli %mul3A_131, %mul3A_132 : i32
          %add3A_134 = arith.constant 80 : i32
          %add3A_135 = arith.addi %mul3A_133, %add3A_134 : i32
          %get3A_136 = arith.index_cast %add3A_135 : i32 to index
          %get3A_137 = tpu.vector_load %arg14[%get3A_136] {strides = array<i32>} : memref<2048xf32, #tpu.memory_space<vmem>>, vector<16xf32>,
          %get3A_138 = vector.shape_cast %get3A_137 : vector<16xf32> to vector<16xf32>
          %mul3A_139 = arith.mulf %get3A_138, %get3A_60 : vector<16xf32>
          %swap3A_140 = arith.index_cast %add3A_135 : i32 to index
          %swap3A_141 = tpu.vector_load %arg14[%swap3A_140] {strides = array<i32>} : memref<2048xf32, #tpu.memory_space<vmem>>, vector<16xf32>,
          %swap3A_142 = vector.shape_cast %swap3A_141 : vector<16xf32> to vector<16xf32>
          %swap3A_143 = vector.shape_cast %mul3A_139 : vector<16xf32> to vector<16xf32>
          tpu.vector_store %arg14[%swap3A_140], %swap3A_143 {strides = array<i32>} : memref<2048xf32, #tpu.memory_space<vmem>>, vector<16xf32>,
          %mul3A_144 = arith.constant 16 : i32
          %mul3A_145 = arith.muli %scan3A_55, %mul3A_144 : i32
          %mul3A_146 = arith.constant 16 : i32
          %mul3A_147 = arith.muli %mul3A_145, %mul3A_146 : i32
          %add3A_148 = arith.constant 96 : i32
          %add3A_149 = arith.addi %mul3A_147, %add3A_148 : i32
          %get3A_150 = arith.index_cast %add3A_149 : i32 to index
          %get3A_151 = tpu.vector_load %arg14[%get3A_150] {strides = array<i32>} : memref<2048xf32, #tpu.memory_space<vmem>>, vector<16xf32>,
          %get3A_152 = vector.shape_cast %get3A_151 : vector<16xf32> to vector<16xf32>
          %mul3A_153 = arith.mulf %get3A_152, %get3A_60 : vector<16xf32>
          %swap3A_154 = arith.index_cast %add3A_149 : i32 to index
          %swap3A_155 = tpu.vector_load %arg14[%swap3A_154] {strides = array<i32>} : memref<2048xf32, #tpu.memory_space<vmem>>, vector<16xf32>,
          %swap3A_156 = vector.shape_cast %swap3A_155 : vector<16xf32> to vector<16xf32>
          %swap3A_157 = vector.shape_cast %mul3A_153 : vector<16xf32> to vector<16xf32>
          tpu.vector_store %arg14[%swap3A_154], %swap3A_157 {strides = array<i32>} : memref<2048xf32, #tpu.memory_space<vmem>>, vector<16xf32>,
          %mul3A_158 = arith.constant 16 : i32
          %mul3A_159 = arith.muli %scan3A_55, %mul3A_158 : i32
          %mul3A_160 = arith.constant 16 : i32
          %mul3A_161 = arith.muli %mul3A_159, %mul3A_160 : i32
          %add3A_162 = arith.constant 112 : i32
          %add3A_163 = arith.addi %mul3A_161, %add3A_162 : i32
          %get3A_164 = arith.index_cast %add3A_163 : i32 to index
          %get3A_165 = tpu.vector_load %arg14[%get3A_164] {strides = array<i32>} : memref<2048xf32, #tpu.memory_space<vmem>>, vector<16xf32>,
          %get3A_166 = vector.shape_cast %get3A_165 : vector<16xf32> to vector<16xf32>
          %mul3A_167 = arith.mulf %get3A_166, %get3A_60 : vector<16xf32>
          %swap3A_168 = arith.index_cast %add3A_163 : i32 to index
          %swap3A_169 = tpu.vector_load %arg14[%swap3A_168] {strides = array<i32>} : memref<2048xf32, #tpu.memory_space<vmem>>, vector<16xf32>,
          %swap3A_170 = vector.shape_cast %swap3A_169 : vector<16xf32> to vector<16xf32>
          %swap3A_171 = vector.shape_cast %mul3A_167 : vector<16xf32> to vector<16xf32>
          tpu.vector_store %arg14[%swap3A_168], %swap3A_171 {strides = array<i32>} : memref<2048xf32, #tpu.memory_space<vmem>>, vector<16xf32>,
          %mul3A_172 = arith.constant 16 : i32
          %mul3A_173 = arith.muli %scan3A_55, %mul3A_172 : i32
          %mul3A_174 = arith.constant 16 : i32
          %mul3A_175 = arith.muli %mul3A_173, %mul3A_174 : i32
          %add3A_176 = arith.constant 128 : i32
          %add3A_177 = arith.addi %mul3A_175, %add3A_176 : i32
          %get3A_178 = arith.index_cast %add3A_177 : i32 to index
          %get3A_179 = tpu.vector_load %arg14[%get3A_178] {strides = array<i32>} : memref<2048xf32, #tpu.memory_space<vmem>>, vector<16xf32>,
          %get3A_180 = vector.shape_cast %get3A_179 : vector<16xf32> to vector<16xf32>
          %mul3A_181 = arith.mulf %get3A_180, %get3A_60 : vector<16xf32>
          %swap3A_182 = arith.index_cast %add3A_177 : i32 to index
          %swap3A_183 = tpu.vector_load %arg14[%swap3A_182] {strides = array<i32>} : memref<2048xf32, #tpu.memory_space<vmem>>, vector<16xf32>,
          %swap3A_184 = vector.shape_cast %swap3A_183 : vector<16xf32> to vector<16xf32>
          %swap3A_185 = vector.shape_cast %mul3A_181 : vector<16xf32> to vector<16xf32>
          tpu.vector_store %arg14[%swap3A_182], %swap3A_185 {strides = array<i32>} : memref<2048xf32, #tpu.memory_space<vmem>>, vector<16xf32>,
          %mul3A_186 = arith.constant 16 : i32
          %mul3A_187 = arith.muli %scan3A_55, %mul3A_186 : i32
          %mul3A_188 = arith.constant 16 : i32
          %mul3A_189 = arith.muli %mul3A_187, %mul3A_188 : i32
          %add3A_190 = arith.constant 144 : i32
          %add3A_191 = arith.addi %mul3A_189, %add3A_190 : i32
          %get3A_192 = arith.index_cast %add3A_191 : i32 to index
          %get3A_193 = tpu.vector_load %arg14[%get3A_192] {strides = array<i32>} : memref<2048xf32, #tpu.memory_space<vmem>>, vector<16xf32>,
          %get3A_194 = vector.shape_cast %get3A_193 : vector<16xf32> to vector<16xf32>
          %mul3A_195 = arith.mulf %get3A_194, %get3A_60 : vector<16xf32>
          %swap3A_196 = arith.index_cast %add3A_191 : i32 to index
          %swap3A_197 = tpu.vector_load %arg14[%swap3A_196] {strides = array<i32>} : memref<2048xf32, #tpu.memory_space<vmem>>, vector<16xf32>,
          %swap3A_198 = vector.shape_cast %swap3A_197 : vector<16xf32> to vector<16xf32>
          %swap3A_199 = vector.shape_cast %mul3A_195 : vector<16xf32> to vector<16xf32>
          tpu.vector_store %arg14[%swap3A_196], %swap3A_199 {strides = array<i32>} : memref<2048xf32, #tpu.memory_space<vmem>>, vector<16xf32>,
          %mul3A_200 = arith.constant 16 : i32
          %mul3A_201 = arith.muli %scan3A_55, %mul3A_200 : i32
          %mul3A_202 = arith.constant 16 : i32
          %mul3A_203 = arith.muli %mul3A_201, %mul3A_202 : i32
          %add3A_204 = arith.constant 160 : i32
          %add3A_205 = arith.addi %mul3A_203, %add3A_204 : i32
          %get3A_206 = arith.index_cast %add3A_205 : i32 to index
          %get3A_207 = tpu.vector_load %arg14[%get3A_206] {strides = array<i32>} : memref<2048xf32, #tpu.memory_space<vmem>>, vector<16xf32>,
          %get3A_208 = vector.shape_cast %get3A_207 : vector<16xf32> to vector<16xf32>
          %mul3A_209 = arith.mulf %get3A_208, %get3A_60 : vector<16xf32>
          %swap3A_210 = arith.index_cast %add3A_205 : i32 to index
          %swap3A_211 = tpu.vector_load %arg14[%swap3A_210] {strides = array<i32>} : memref<2048xf32, #tpu.memory_space<vmem>>, vector<16xf32>,
          %swap3A_212 = vector.shape_cast %swap3A_211 : vector<16xf32> to vector<16xf32>
          %swap3A_213 = vector.shape_cast %mul3A_209 : vector<16xf32> to vector<16xf32>
          tpu.vector_store %arg14[%swap3A_210], %swap3A_213 {strides = array<i32>} : memref<2048xf32, #tpu.memory_space<vmem>>, vector<16xf32>,
          %mul3A_214 = arith.constant 16 : i32
          %mul3A_215 = arith.muli %scan3A_55, %mul3A_214 : i32
          %mul3A_216 = arith.constant 16 : i32
          %mul3A_217 = arith.muli %mul3A_215, %mul3A_216 : i32
          %add3A_218 = arith.constant 176 : i32
          %add3A_219 = arith.addi %mul3A_217, %add3A_218 : i32
          %get3A_220 = arith.index_cast %add3A_219 : i32 to index
          %get3A_221 = tpu.vector_load %arg14[%get3A_220] {strides = array<i32>} : memref<2048xf32, #tpu.memory_space<vmem>>, vector<16xf32>,
          %get3A_222 = vector.shape_cast %get3A_221 : vector<16xf32> to vector<16xf32>
          %mul3A_223 = arith.mulf %get3A_222, %get3A_60 : vector<16xf32>
          %swap3A_224 = arith.index_cast %add3A_219 : i32 to index
          %swap3A_225 = tpu.vector_load %arg14[%swap3A_224] {strides = array<i32>} : memref<2048xf32, #tpu.memory_space<vmem>>, vector<16xf32>,
          %swap3A_226 = vector.shape_cast %swap3A_225 : vector<16xf32> to vector<16xf32>
          %swap3A_227 = vector.shape_cast %mul3A_223 : vector<16xf32> to vector<16xf32>
          tpu.vector_store %arg14[%swap3A_224], %swap3A_227 {strides = array<i32>} : memref<2048xf32, #tpu.memory_space<vmem>>, vector<16xf32>,
          %mul3A_228 = arith.constant 16 : i32
          %mul3A_229 = arith.muli %scan3A_55, %mul3A_228 : i32
          %mul3A_230 = arith.constant 16 : i32
          %mul3A_231 = arith.muli %mul3A_229, %mul3A_230 : i32
          %add3A_232 = arith.constant 192 : i32
          %add3A_233 = arith.addi %mul3A_231, %add3A_232 : i32
          %get3A_234 = arith.index_cast %add3A_233 : i32 to index
          %get3A_235 = tpu.vector_load %arg14[%get3A_234] {strides = array<i32>} : memref<2048xf32, #tpu.memory_space<vmem>>, vector<16xf32>,
          %get3A_236 = vector.shape_cast %get3A_235 : vector<16xf32> to vector<16xf32>
          %mul3A_237 = arith.mulf %get3A_236, %get3A_60 : vector<16xf32>
          %swap3A_238 = arith.index_cast %add3A_233 : i32 to index
          %swap3A_239 = tpu.vector_load %arg14[%swap3A_238] {strides = array<i32>} : memref<2048xf32, #tpu.memory_space<vmem>>, vector<16xf32>,
          %swap3A_240 = vector.shape_cast %swap3A_239 : vector<16xf32> to vector<16xf32>
          %swap3A_241 = vector.shape_cast %mul3A_237 : vector<16xf32> to vector<16xf32>
          tpu.vector_store %arg14[%swap3A_238], %swap3A_241 {strides = array<i32>} : memref<2048xf32, #tpu.memory_space<vmem>>, vector<16xf32>,
          %mul3A_242 = arith.constant 16 : i32
          %mul3A_243 = arith.muli %scan3A_55, %mul3A_242 : i32
          %mul3A_244 = arith.constant 16 : i32
          %mul3A_245 = arith.muli %mul3A_243, %mul3A_244 : i32
          %add3A_246 = arith.constant 208 : i32
          %add3A_247 = arith.addi %mul3A_245, %add3A_246 : i32
          %get3A_248 = arith.index_cast %add3A_247 : i32 to index
          %get3A_249 = tpu.vector_load %arg14[%get3A_248] {strides = array<i32>} : memref<2048xf32, #tpu.memory_space<vmem>>, vector<16xf32>,
          %get3A_250 = vector.shape_cast %get3A_249 : vector<16xf32> to vector<16xf32>
          %mul3A_251 = arith.mulf %get3A_250, %get3A_60 : vector<16xf32>
          %swap3A_252 = arith.index_cast %add3A_247 : i32 to index
          %swap3A_253 = tpu.vector_load %arg14[%swap3A_252] {strides = array<i32>} : memref<2048xf32, #tpu.memory_space<vmem>>, vector<16xf32>,
          %swap3A_254 = vector.shape_cast %swap3A_253 : vector<16xf32> to vector<16xf32>
          %swap3A_255 = vector.shape_cast %mul3A_251 : vector<16xf32> to vector<16xf32>
          tpu.vector_store %arg14[%swap3A_252], %swap3A_255 {strides = array<i32>} : memref<2048xf32, #tpu.memory_space<vmem>>, vector<16xf32>,
          %mul3A_256 = arith.constant 16 : i32
          %mul3A_257 = arith.muli %scan3A_55, %mul3A_256 : i32
          %mul3A_258 = arith.constant 16 : i32
          %mul3A_259 = arith.muli %mul3A_257, %mul3A_258 : i32
          %add3A_260 = arith.constant 224 : i32
          %add3A_261 = arith.addi %mul3A_259, %add3A_260 : i32
          %get3A_262 = arith.index_cast %add3A_261 : i32 to index
          %get3A_263 = tpu.vector_load %arg14[%get3A_262] {strides = array<i32>} : memref<2048xf32, #tpu.memory_space<vmem>>, vector<16xf32>,
          %get3A_264 = vector.shape_cast %get3A_263 : vector<16xf32> to vector<16xf32>
          %mul3A_265 = arith.mulf %get3A_264, %get3A_60 : vector<16xf32>
          %swap3A_266 = arith.index_cast %add3A_261 : i32 to index
          %swap3A_267 = tpu.vector_load %arg14[%swap3A_266] {strides = array<i32>} : memref<2048xf32, #tpu.memory_space<vmem>>, vector<16xf32>,
          %swap3A_268 = vector.shape_cast %swap3A_267 : vector<16xf32> to vector<16xf32>
          %swap3A_269 = vector.shape_cast %mul3A_265 : vector<16xf32> to vector<16xf32>
          tpu.vector_store %arg14[%swap3A_266], %swap3A_269 {strides = array<i32>} : memref<2048xf32, #tpu.memory_space<vmem>>, vector<16xf32>,
          %mul3A_270 = arith.constant 16 : i32
          %mul3A_271 = arith.muli %scan3A_55, %mul3A_270 : i32
          %mul3A_272 = arith.constant 16 : i32
          %mul3A_273 = arith.muli %mul3A_271, %mul3A_272 : i32
          %add3A_274 = arith.constant 240 : i32
          %add3A_275 = arith.addi %mul3A_273, %add3A_274 : i32
          %get3A_276 = arith.index_cast %add3A_275 : i32 to index
          %get3A_277 = tpu.vector_load %arg14[%get3A_276] {strides = array<i32>} : memref<2048xf32, #tpu.memory_space<vmem>>, vector<16xf32>,
          %get3A_278 = vector.shape_cast %get3A_277 : vector<16xf32> to vector<16xf32>
          %mul3A_279 = arith.mulf %get3A_278, %get3A_60 : vector<16xf32>
          %swap3A_280 = arith.index_cast %add3A_275 : i32 to index
          %swap3A_281 = tpu.vector_load %arg14[%swap3A_280] {strides = array<i32>} : memref<2048xf32, #tpu.memory_space<vmem>>, vector<16xf32>,
          %swap3A_282 = vector.shape_cast %swap3A_281 : vector<16xf32> to vector<16xf32>
          %swap3A_283 = vector.shape_cast %mul3A_279 : vector<16xf32> to vector<16xf32>
          tpu.vector_store %arg14[%swap3A_280], %swap3A_283 {strides = array<i32>} : memref<2048xf32, #tpu.memory_space<vmem>>, vector<16xf32>,
        }
        %scan3A_54 = arith.constant 8 : i32
        "tpu.region"() ({
          %run_scoped3A = tpu.sem_alloc : memref<!tpu.dma_semaphore, #tpu.memory_space<semaphore_mem>>
          %dma_start3A_55 = arith.constant 0 : i32
          %dma_start3A_56 = tpu.memref_slice %arg16[%dma_start3A_55] : memref<163840xf32, #tpu.memory_space<vmem_shared>> -> memref<163840xf32, #tpu.memory_space<vmem_shared>>
          tpu.enqueue_indirect_dma source(%arg14 : memref<2048xf32, #tpu.memory_space<vmem>>) target(%dma_start3A_56 : memref<163840xf32, #tpu.memory_space<vmem_shared>>) offsets(%arg13 : memref<2048xi32, #tpu.memory_space<vmem>>) semaphore(%run_scoped3A : memref<!tpu.dma_semaphore, #tpu.memory_space<semaphore_mem>>) {add = true}
          %dma_wait3A_57 = arith.constant 0 : i32
          %dma_wait3A_58 = tpu.memref_slice %arg16[%dma_wait3A_57] : memref<163840xf32, #tpu.memory_space<vmem_shared>> -> memref<163840xf32, #tpu.memory_space<vmem_shared>>
          tpu.wait_indirect_dma semaphore(%run_scoped3A : memref<!tpu.dma_semaphore, #tpu.memory_space<semaphore_mem>>) src(%arg14 : memref<2048xf32, #tpu.memory_space<vmem>>) dst(%dma_wait3A_58 : memref<163840xf32, #tpu.memory_space<vmem_shared>>)
          tpu.yield
        }) : () -> ()
      }
      %scan3A_39 = arith.constant 8 : i32
    }
    %scan3A_19 = arith.constant 10 : i32
    %barrier3A_20 = arith.constant 0 : index
    tpu.barrier barrier_id(%barrier3A_20)
    %mul3A_21 = arith.constant 640 : i32
    %mul3A_22 = arith.muli %arg1, %mul3A_21 : i32
    %mul3A_23 = arith.constant 16 : i32
    %mul3A_24 = arith.muli %mul3A_22, %mul3A_23 : i32
    %mul3A_25 = arith.constant 640 : i32
    %mul3A_26 = arith.muli %arg1, %mul3A_25 : i32
    %mul3A_27 = arith.constant 16 : i32
    %mul3A_28 = arith.muli %mul3A_26, %mul3A_27 : i32
    "tpu.region"() ({
      %run_scoped3A = tpu.sem_alloc : memref<!tpu.dma_semaphore, #tpu.memory_space<semaphore_mem>>
      %dma_start3A = tpu.memref_slice %arg8[%arg0, %mul3A_28] : memref<2x163840xf32, #tpu.memory_space<hbm>> -> memref<1x10240xf32, #tpu.memory_space<hbm>>
      %dma_start3A_29 = tpu.memref_squeeze %dma_start3A : memref<1x10240xf32, #tpu.memory_space<hbm>> -> memref<10240xf32, #tpu.memory_space<hbm>>
      %dma_start3A_30 = tpu.memref_slice %arg16[%mul3A_24] : memref<163840xf32, #tpu.memory_space<vmem_shared>> -> memref<10240xf32, #tpu.memory_space<vmem_shared>>
      tpu.enqueue_dma source(%dma_start3A_30 : memref<10240xf32, #tpu.memory_space<vmem_shared>>) target(%dma_start3A_29 : memref<10240xf32, #tpu.memory_space<hbm>>) target_semaphore(%run_scoped3A : memref<!tpu.dma_semaphore, #tpu.memory_space<semaphore_mem>>)
      %dma_wait3A = tpu.memref_slice %arg8[%arg0, %mul3A_28] : memref<2x163840xf32, #tpu.memory_space<hbm>> -> memref<1x10240xf32, #tpu.memory_space<hbm>>
      %dma_wait3A_31 = tpu.memref_squeeze %dma_wait3A : memref<1x10240xf32, #tpu.memory_space<hbm>> -> memref<10240xf32, #tpu.memory_space<hbm>>
      %dma_wait3A_32 = tpu.memref_slice %arg16[%mul3A_24] : memref<163840xf32, #tpu.memory_space<vmem_shared>> -> memref<10240xf32, #tpu.memory_space<vmem_shared>>
      tpu.wait_dma2 semaphore(%run_scoped3A : memref<!tpu.dma_semaphore, #tpu.memory_space<semaphore_mem>>) src(%dma_wait3A_32 : memref<10240xf32, #tpu.memory_space<vmem_shared>>) dst(%dma_wait3A_31 : memref<10240xf32, #tpu.memory_space<hbm>>)
      tpu.yield
    }) : () -> ()
    return
  }
}

module attributes {stable_mosaic.version = 14 : i64} {
  func.func @_mm_body(%arg0: i32, %arg1: memref<1000x256xf32, #tpu.memory_space<vmem>>, %arg2: memref<256x32xf32, #tpu.memory_space<vmem>>, %arg3: memref<2x1000x16xf32, #tpu.memory_space<vmem>>) attributes {dimension_semantics = [#tpu.dimension_semantics<arbitrary>], iteration_bounds = array<i64: 10>, scalar_prefetch = 0 : i64, scratch_operands = 0 : i64, tpu.core_type = #tpu.core_type<tc>, window_params = [{transform_indices = @transform_0, window_bounds = array<i64: 1000, 256>}, {pipeline_mode = #tpu.pipeline_mode<synchronous>, transform_indices = @transform_1, window_bounds = array<i64: 256, 32>}, {transform_indices = @transform_2, window_bounds = array<i64: 2, 1000, 16>}]} {
    %get3A = arith.constant 0 : index
    %get3A_0 = arith.constant 0 : index
    %get3A_1 = vector.load %arg1[%get3A, %get3A_0] : memref<1000x256xf32, #tpu.memory_space<vmem>>, vector<1000x256xf32>
    %get3A_2 = arith.constant 0 : index
    %get3A_3 = arith.constant 0 : index
    %get3A_4 = vector.load %arg2[%get3A_2, %get3A_3] : memref<256x32xf32, #tpu.memory_space<vmem>>, vector<256x32xf32>
    %dot_general3A = arith.constant dense<0.000000e+00> : vector<1000x32xf32>
    %dot_general3A_5 = tpu.matmul %get3A_1, %get3A_4, %dot_general3A {dimension_numbers = #tpu.dot_dimension_numbers<[1], [0], [0], [1], [0, 0, 1, 1], [], []>, transpose_lhs_hint = false} : vector<1000x256xf32>, vector<256x32xf32>, vector<1000x32xf32> -> vector<1000x32xf32>
    %slice3A = vector.extract_strided_slice %dot_general3A_5 {offsets = [0, 0], sizes = [1000, 16], strides = [1, 1]} : vector<1000x32xf32> to vector<1000x16xf32>
    %swap3A = arith.constant 0 : index
    %swap3A_6 = arith.constant 0 : index
    %swap3A_7 = arith.constant 0 : index
    %swap3A_8 = vector.load %arg3[%swap3A, %swap3A_6, %swap3A_7] : memref<2x1000x16xf32, #tpu.memory_space<vmem>>, vector<1x1000x16xf32>
    %swap3A_9 = vector.shape_cast %swap3A_8 : vector<1x1000x16xf32> to vector<1000x16xf32>
    %swap3A_10 = vector.shape_cast %slice3A : vector<1000x16xf32> to vector<1x1000x16xf32>
    tpu.vector_store %arg3[%swap3A, %swap3A_6, %swap3A_7], %swap3A_10 {strides = array<i32>} : memref<2x1000x16xf32, #tpu.memory_space<vmem>>, vector<1x1000x16xf32>,
    %slice3A_11 = vector.extract_strided_slice %dot_general3A_5 {offsets = [0, 16], sizes = [1000, 16], strides = [1, 1]} : vector<1000x32xf32> to vector<1000x16xf32>
    %swap3A_12 = arith.constant 1 : index
    %swap3A_13 = arith.constant 0 : index
    %swap3A_14 = arith.constant 0 : index
    %swap3A_15 = vector.load %arg3[%swap3A_12, %swap3A_13, %swap3A_14] : memref<2x1000x16xf32, #tpu.memory_space<vmem>>, vector<1x1000x16xf32>
    %swap3A_16 = vector.shape_cast %swap3A_15 : vector<1x1000x16xf32> to vector<1000x16xf32>
    %swap3A_17 = vector.shape_cast %slice3A_11 : vector<1000x16xf32> to vector<1x1000x16xf32>
    tpu.vector_store %arg3[%swap3A_12, %swap3A_13, %swap3A_14], %swap3A_17 {strides = array<i32>} : memref<2x1000x16xf32, #tpu.memory_space<vmem>>, vector<1x1000x16xf32>,
    return
  }
  func.func @transform_0(%arg0: i32) -> (i32, i32) {
    %c0_i32 = arith.constant 0 : i32
    %c0_i32_0 = arith.constant 0 : i32
    return %arg0, %c0_i32 : i32, i32
  }
  func.func @transform_1(%arg0: i32) -> (i32, i32) {
    %c0_i32 = arith.constant 0 : i32
    %c0_i32_0 = arith.constant 0 : i32
    %c0_i32_1 = arith.constant 0 : i32
    return %c0_i32, %c0_i32_0 : i32, i32
  }
  func.func @transform_2(%arg0: i32) -> (i32, i32, i32) {
    %c0_i32 = arith.constant 0 : i32
    %c0_i32_0 = arith.constant 0 : i32
    %c0_i32_1 = arith.constant 0 : i32
    return %c0_i32, %arg0, %c0_i32_0 : i32, i32, i32
  }
}

module attributes {stable_mosaic.version = 14 : i64} {
  func.func @_post_body(%arg0: i32, %arg1: memref<2x2048x16xf32, #tpu.memory_space<vmem>>, %arg2: memref<2048x1xf32, #tpu.memory_space<vmem>>, %arg3: memref<1x16xf32, #tpu.memory_space<vmem>>, %arg4: memref<1x16xf32, #tpu.memory_space<vmem>>, %arg5: memref<2x2048x16xf32, #tpu.memory_space<vmem>>) attributes {dimension_semantics = [#tpu.dimension_semantics<arbitrary>], iteration_bounds = array<i64: 5>, scalar_prefetch = 0 : i64, scratch_operands = 0 : i64, tpu.core_type = #tpu.core_type<tc>, window_params = [{transform_indices = @transform_0, window_bounds = array<i64: 2, 2048, 16>}, {transform_indices = @transform_1, window_bounds = array<i64: 2048, 1>}, {pipeline_mode = #tpu.pipeline_mode<synchronous>, transform_indices = @transform_2, window_bounds = array<i64: 1, 16>}, {pipeline_mode = #tpu.pipeline_mode<synchronous>, transform_indices = @transform_3, window_bounds = array<i64: 1, 16>}, {transform_indices = @transform_4, window_bounds = array<i64: 2, 2048, 16>}]} {
    %get3A = arith.constant 0 : index
    %get3A_0 = arith.constant 0 : index
    %get3A_1 = vector.load %arg2[%get3A, %get3A_0] : memref<2048x1xf32, #tpu.memory_space<vmem>>, vector<2048x1xf32>
    %get3A_2 = arith.constant 0 : index
    %get3A_3 = arith.constant 0 : index
    %get3A_4 = arith.constant 0 : index
    %get3A_5 = vector.load %arg1[%get3A_2, %get3A_3, %get3A_4] : memref<2x2048x16xf32, #tpu.memory_space<vmem>>, vector<1x2048x16xf32>
    %get3A_6 = vector.shape_cast %get3A_5 : vector<1x2048x16xf32> to vector<2048x16xf32>
    %get3A_7 = arith.constant 0 : index
    %get3A_8 = arith.constant 0 : index
    %get3A_9 = vector.load %arg3[%get3A_7, %get3A_8] : memref<1x16xf32, #tpu.memory_space<vmem>>, vector<1x16xf32>
    %add3A = vector.broadcast %get3A_9 : vector<1x16xf32> to vector<2048x16xf32>
    %add3A_10 = arith.addf %get3A_6, %add3A : vector<2048x16xf32>
    %max3A = arith.constant 0.000000e+00 : f32
    %max3A_11 = vector.broadcast %max3A : f32 to vector<2048x16xf32>
    %max3A_12 = arith.maximumf %add3A_10, %max3A_11 : vector<2048x16xf32>
    %swap3A = arith.constant 0 : index
    %swap3A_13 = arith.constant 0 : index
    %swap3A_14 = arith.constant 0 : index
    %swap3A_15 = vector.load %arg5[%swap3A, %swap3A_13, %swap3A_14] : memref<2x2048x16xf32, #tpu.memory_space<vmem>>, vector<1x2048x16xf32>
    %swap3A_16 = vector.shape_cast %swap3A_15 : vector<1x2048x16xf32> to vector<2048x16xf32>
    %swap3A_17 = vector.shape_cast %max3A_12 : vector<2048x16xf32> to vector<1x2048x16xf32>
    tpu.vector_store %arg5[%swap3A, %swap3A_13, %swap3A_14], %swap3A_17 {strides = array<i32>} : memref<2x2048x16xf32, #tpu.memory_space<vmem>>, vector<1x2048x16xf32>,
    %get3A_18 = arith.constant 1 : index
    %get3A_19 = arith.constant 0 : index
    %get3A_20 = arith.constant 0 : index
    %get3A_21 = vector.load %arg1[%get3A_18, %get3A_19, %get3A_20] : memref<2x2048x16xf32, #tpu.memory_space<vmem>>, vector<1x2048x16xf32>
    %get3A_22 = vector.shape_cast %get3A_21 : vector<1x2048x16xf32> to vector<2048x16xf32>
    %add3A_23 = arith.constant 9.99999997E-7 : f32
    %add3A_24 = vector.broadcast %add3A_23 : f32 to vector<2048x1xf32>
    %add3A_25 = arith.addf %get3A_1, %add3A_24 : vector<2048x1xf32>
    %div3A = vector.broadcast %add3A_25 : vector<2048x1xf32> to vector<2048x16xf32>
    %div3A_26 = arith.divf %get3A_22, %div3A : vector<2048x16xf32>
    %get3A_27 = arith.constant 0 : index
    %get3A_28 = arith.constant 0 : index
    %get3A_29 = vector.load %arg4[%get3A_27, %get3A_28] : memref<1x16xf32, #tpu.memory_space<vmem>>, vector<1x16xf32>
    %add3A_30 = vector.broadcast %get3A_29 : vector<1x16xf32> to vector<2048x16xf32>
    %add3A_31 = arith.addf %div3A_26, %add3A_30 : vector<2048x16xf32>
    %max3A_32 = arith.constant 0.000000e+00 : f32
    %max3A_33 = vector.broadcast %max3A_32 : f32 to vector<2048x16xf32>
    %max3A_34 = arith.maximumf %add3A_31, %max3A_33 : vector<2048x16xf32>
    %swap3A_35 = arith.constant 1 : index
    %swap3A_36 = arith.constant 0 : index
    %swap3A_37 = arith.constant 0 : index
    %swap3A_38 = vector.load %arg5[%swap3A_35, %swap3A_36, %swap3A_37] : memref<2x2048x16xf32, #tpu.memory_space<vmem>>, vector<1x2048x16xf32>
    %swap3A_39 = vector.shape_cast %swap3A_38 : vector<1x2048x16xf32> to vector<2048x16xf32>
    %swap3A_40 = vector.shape_cast %max3A_34 : vector<2048x16xf32> to vector<1x2048x16xf32>
    tpu.vector_store %arg5[%swap3A_35, %swap3A_36, %swap3A_37], %swap3A_40 {strides = array<i32>} : memref<2x2048x16xf32, #tpu.memory_space<vmem>>, vector<1x2048x16xf32>,
    return
  }
  func.func @transform_0(%arg0: i32) -> (i32, i32, i32) {
    %c0_i32 = arith.constant 0 : i32
    %c0_i32_0 = arith.constant 0 : i32
    %c0_i32_1 = arith.constant 0 : i32
    return %c0_i32, %arg0, %c0_i32_0 : i32, i32, i32
  }
  func.func @transform_1(%arg0: i32) -> (i32, i32) {
    %c0_i32 = arith.constant 0 : i32
    %c0_i32_0 = arith.constant 0 : i32
    return %arg0, %c0_i32 : i32, i32
  }
  func.func @transform_2(%arg0: i32) -> (i32, i32) {
    %c0_i32 = arith.constant 0 : i32
    %c0_i32_0 = arith.constant 0 : i32
    %c0_i32_1 = arith.constant 0 : i32
    return %c0_i32, %c0_i32_0 : i32, i32
  }
  func.func @transform_3(%arg0: i32) -> (i32, i32) {
    %c0_i32 = arith.constant 0 : i32
    %c0_i32_0 = arith.constant 0 : i32
    %c0_i32_1 = arith.constant 0 : i32
    return %c0_i32, %c0_i32_0 : i32, i32
  }
  func.func @transform_4(%arg0: i32) -> (i32, i32, i32) {
    %c0_i32 = arith.constant 0 : i32
    %c0_i32_0 = arith.constant 0 : i32
    %c0_i32_1 = arith.constant 0 : i32
    return %c0_i32, %arg0, %c0_i32_0 : i32, i32, i32
  }
}

module attributes {stable_mosaic.version = 14 : i64} {
  func.func @_final_body(%arg0: i32, %arg1: memref<2x2048x16xf32, #tpu.memory_space<vmem>>, %arg2: memref<32x40xf32, #tpu.memory_space<vmem>>, %arg3: memref<1x40xf32, #tpu.memory_space<vmem>>, %arg4: memref<2048x40xf32, #tpu.memory_space<vmem>>) attributes {dimension_semantics = [#tpu.dimension_semantics<arbitrary>], iteration_bounds = array<i64: 5>, scalar_prefetch = 0 : i64, scratch_operands = 0 : i64, tpu.core_type = #tpu.core_type<tc>, window_params = [{transform_indices = @transform_0, window_bounds = array<i64: 2, 2048, 16>}, {pipeline_mode = #tpu.pipeline_mode<synchronous>, transform_indices = @transform_1, window_bounds = array<i64: 32, 40>}, {pipeline_mode = #tpu.pipeline_mode<synchronous>, transform_indices = @transform_2, window_bounds = array<i64: 1, 40>}, {transform_indices = @transform_3, window_bounds = array<i64: 2048, 40>}]} {
    %get3A = arith.constant 0 : index
    %get3A_0 = arith.constant 0 : index
    %get3A_1 = arith.constant 0 : index
    %get3A_2 = vector.load %arg1[%get3A, %get3A_0, %get3A_1] : memref<2x2048x16xf32, #tpu.memory_space<vmem>>, vector<1x2048x16xf32>
    %get3A_3 = vector.shape_cast %get3A_2 : vector<1x2048x16xf32> to vector<2048x16xf32>
    %get3A_4 = arith.constant 1 : index
    %get3A_5 = arith.constant 0 : index
    %get3A_6 = arith.constant 0 : index
    %get3A_7 = vector.load %arg1[%get3A_4, %get3A_5, %get3A_6] : memref<2x2048x16xf32, #tpu.memory_space<vmem>>, vector<1x2048x16xf32>
    %get3A_8 = vector.shape_cast %get3A_7 : vector<1x2048x16xf32> to vector<2048x16xf32>
    %concatenate3A = tpu.concatenate %get3A_3, %get3A_8 in 1 : vector<2048x16xf32>, vector<2048x16xf32> -> vector<2048x32xf32>
    %get3A_9 = arith.constant 0 : index
    %get3A_10 = arith.constant 0 : index
    %get3A_11 = vector.load %arg2[%get3A_9, %get3A_10] : memref<32x40xf32, #tpu.memory_space<vmem>>, vector<32x40xf32>
    %dot_general3A = arith.constant dense<0.000000e+00> : vector<2048x40xf32>
    %dot_general3A_12 = tpu.matmul %concatenate3A, %get3A_11, %dot_general3A {dimension_numbers = #tpu.dot_dimension_numbers<[1], [0], [0], [1], [0, 0, 1, 1], [], []>, transpose_lhs_hint = false} : vector<2048x32xf32>, vector<32x40xf32>, vector<2048x40xf32> -> vector<2048x40xf32>
    %get3A_13 = arith.constant 0 : index
    %get3A_14 = arith.constant 0 : index
    %get3A_15 = vector.load %arg3[%get3A_13, %get3A_14] : memref<1x40xf32, #tpu.memory_space<vmem>>, vector<1x40xf32>
    %add3A = vector.broadcast %get3A_15 : vector<1x40xf32> to vector<2048x40xf32>
    %add3A_16 = arith.addf %dot_general3A_12, %add3A : vector<2048x40xf32>
    %reduce_max3A = arith.constant dense<0xFF800000> : vector<2048xf32>
    %reduce_max3A_17 = vector.multi_reduction <maximumf>, %add3A_16, %reduce_max3A [1] : vector<2048x40xf32> to vector<2048xf32>
    %broadcast_in_dim3A = vector.shape_cast %reduce_max3A_17 : vector<2048xf32> to vector<2048x1xf32>
    %sub3A = vector.broadcast %broadcast_in_dim3A : vector<2048x1xf32> to vector<2048x40xf32>
    %sub3A_18 = arith.subf %add3A_16, %sub3A : vector<2048x40xf32>
    %exp3A = math.exp %sub3A_18 : vector<2048x40xf32>
    %reduce_sum3A = arith.constant dense<0.000000e+00> : vector<2048xf32>
    %reduce_sum3A_19 = vector.multi_reduction <add>, %exp3A, %reduce_sum3A [1] : vector<2048x40xf32> to vector<2048xf32>
    %broadcast_in_dim3A_20 = vector.shape_cast %reduce_sum3A_19 : vector<2048xf32> to vector<2048x1xf32>
    %log3A = math.log %broadcast_in_dim3A_20 : vector<2048x1xf32>
    %add3A_21 = arith.addf %log3A, %broadcast_in_dim3A : vector<2048x1xf32>
    %sub3A_22 = vector.broadcast %add3A_21 : vector<2048x1xf32> to vector<2048x40xf32>
    %sub3A_23 = arith.subf %add3A_16, %sub3A_22 : vector<2048x40xf32>
    %swap3A = arith.constant 0 : index
    %swap3A_24 = arith.constant 0 : index
    %swap3A_25 = vector.load %arg4[%swap3A, %swap3A_24] : memref<2048x40xf32, #tpu.memory_space<vmem>>, vector<2048x40xf32>
    tpu.vector_store %arg4[%swap3A, %swap3A_24], %sub3A_23 {strides = array<i32>} : memref<2048x40xf32, #tpu.memory_space<vmem>>, vector<2048x40xf32>,
    return
  }
  func.func @transform_0(%arg0: i32) -> (i32, i32, i32) {
    %c0_i32 = arith.constant 0 : i32
    %c0_i32_0 = arith.constant 0 : i32
    %c0_i32_1 = arith.constant 0 : i32
    return %c0_i32, %arg0, %c0_i32_0 : i32, i32, i32
  }
  func.func @transform_1(%arg0: i32) -> (i32, i32) {
    %c0_i32 = arith.constant 0 : i32
    %c0_i32_0 = arith.constant 0 : i32
    %c0_i32_1 = arith.constant 0 : i32
    return %c0_i32, %c0_i32_0 : i32, i32
  }
  func.func @transform_2(%arg0: i32) -> (i32, i32) {
    %c0_i32 = arith.constant 0 : i32
    %c0_i32_0 = arith.constant 0 : i32
    %c0_i32_1 = arith.constant 0 : i32
    return %c0_i32, %c0_i32_0 : i32, i32
  }
  func.func @transform_3(%arg0: i32) -> (i32, i32) {
    %c0_i32 = arith.constant 0 : i32
    %c0_i32_0 = arith.constant 0 : i32
    return %arg0, %c0_i32 : i32, i32
  }
}

</mosaic_0001>

<sc_bundles>
// kernel: kernel.10.cloned.1.call-start
scs
__scs_entry_jumppad:
0x0: {  	(pc) =	sbr.rel $0x88, $3  }
0x1: {  	(tag) =	ssettag $0x0;
	lr =	simm.s32 $0x1  }
0x2: {  	[smem:$0x3F98] =	sst lr;
	_ =	strace $0xD0000000  }
0x3: {  	_ = 	snop  }
0x4: {  	_ = 	snop  }
0x5: {  	_ = 	snop  }
0x6: {  	_ = 	snop  }
0x7: {  	_ = 	snop  }
__scs_overlays_trampoline_lowered:
0x8: {  	[smem:$0x3FA7] =	sst s0  }
0x9: {  	[smem:$0x3FA8] =	sst s1  }
0xa: {  	[smem:$0x3FA9] =	sst s2  }
0xb: {  	[smem:$0x3FAA] =	sst s3  }
0xc: {  	[smem:$0x3FAB] =	sst s4  }
0xd: {  	[smem:$0x3FAC] =	sst s5  }
0xe: {  	[smem:$0x3FAD] =	sst s6  }
0xf: {  	[smem:$0x3FAE] =	sst s7  }
0x10: {  	[smem:$0x3FAF] =	sst s8  }
0x11: {  	[smem:$0x3FB0] =	sst s9;
	s0 =	simm.s32 @!p0 $0x0  }
0x12: {  	s1 =	sld [smem:$0x3F96];
	s0 =	simm.s32 @p0 $0x1  }
0x13: {  	[smem:$0x3FB1] =	sst s0;
	s0 =	simm.s32 @!p1 $0x0  }
0x14: {  	s2 =	sld [smem:$0x3F95];
	s0 =	simm.s32 @p1 $0x1  }
0x15: {  	[smem:$0x3FB2] =	sst s0;
	s0 =	simm.s32 @!p2 $0x0  }
0x16: {  	s3 =	sld [smem:$0x3FDB];
	s0 =	simm.s32 @p2 $0x1  }
0x17: {  	s4 =	simm.s32 $0x1BF5;
	[smem:$0x3FB4] =	sst s0  }
0x18: {  	s0 =	sld [smem:$0x3F97];
	_ =	swait.ge [sflag:s4], $0x0  }
0x19: {  	s7 =	sld [smem:$0x3F98]  }
0x1a: {  	s8 =	sadd.s32 $0xFFFFE003, lr  }
0x1b: {  	s9 =	sadd.s32 $0xFFFFFEF7, lr;
	s5 =	simm.s32 $0xFFFFFFFF;
	p2 =	slt.u32 s8, $0xFFFFF086  }
0x1c: {  	p1 =	slt.u32 s9, $0xF7A;
	s5 =	simm.s32 @!p2 $0x0  }
0x1d: {  	s5 =	simm.s32 @p1 $0x1;
	p0 =	seq.s32 s7, s2  }
0x1e: {  	s7 =	smul.u32 @!p0 $0xF7A, s2;
	p2 =	seq.s32 @!p0 s5, $0x0  }
0x1f: {  	s9 =	smul.u32 $0xF7A, s1;
	s8 =	simm.s32 @!p0 $0x1BF5;
	p2 =	por !p2, p0  }
0x20: {  	[sflag:s8] =	ssyncset.s32 @!p0 $0xFFFFF086;
	s6 =	sadd.s32 @!p0 s3, s7;
	s7 =	simm.s32 @!p0 $0x108  }
0x21: {  	s3 =	sadd.s32 s3, s9;
	s6 =	sadd.s32 @!p0 $0x88, s6;
	s7 =	simm.s32 @p2 $0x1082  }
0x22: {  	[simem:s7], [sflag:s8] =	dma.local @!p0 [hbm:s6], $0xF7A  }
0x23: {  	s9 =	sor.u32 $0xD0000000, s2;
	s6 =	simm.s32 $0x108;
	_ =	swait.ge @!p0 [sflag:s8], $0x0  }
0x24: {  	s3 =	sadd.s32 $0x88, s3;
	s6 =	simm.s32 @!p1 $0x1082;
	[sflag:s4] =	ssyncset.s32 $0xFFFFF086  }
0x25: {  	[simem:s6], [sflag:s4] =	dma.local [hbm:s3], $0xF7A  }
0x26: {  	[smem:$0x3F98] =	sst s1;
	(tag) =	ssettag s2;
	_ =	strace s9  }
0x27: {  	s1 =	sld [smem:$0x3FA8]  }
0x28: {  	s2 =	sld [smem:$0x3FA9]  }
0x29: {  	s4 =	sld [smem:$0x3FAB]  }
0x2a: {  	p0 =	seq.s32 s5, $0x0;
	s5 =	sld [smem:$0x3FAC]  }
0x2b: {  	s6 =	sld [smem:$0x3FAD]  }
0x2c: {  	s7 =	sld [smem:$0x3FAE]  }
0x2d: {  	s3 =	simm.s32 $0x108;
	s8 =	sld [smem:$0x3FAF]  }
0x2e: {  	s3 =	simm.s32 @!p0 $0x1082;
	s9 =	sld [smem:$0x3FB0]  }
0x2f: {  	lr =	sadd.s32 s0, s3;
	s0 =	sld [smem:$0x3FA7]  }
0x30: {  	s3 =	sld [smem:$0x3FAA]  }
0x31: {  	[smem:$0x3FB3] =	sst s10  }
0x32: {  	s10 =	sld [smem:$0x3FB1];
	_ =	sdelay $0x3  }
0x33: {  	p0 =	seq.s32 s10, $0x1;
	s10 =	sld [smem:$0x3FB3];
	_ =	sdelay $0x3  }
0x34: {  	[smem:$0x3FB3] =	sst s10  }
0x35: {  	s10 =	sld [smem:$0x3FB2];
	_ =	sdelay $0x3  }
0x36: {  	p1 =	seq.s32 s10, $0x1;
	s10 =	sld [smem:$0x3FB3];
	_ =	sdelay $0x3  }
0x37: {  	[smem:$0x3FB3] =	sst s10  }
0x38: {  	s10 =	sld [smem:$0x3FB4]  }
0x39: {  	_ = 	snop;
	(pc) =	sbr.ind lr, $3  }
0x3a: {  	_ = 	snop  }
0x3b: {  	_ = 	snop  }
0x3c: {  	p2 =	seq.s32 s10, $0x1;
	s10 =	sld [smem:$0x3FB3]  }
0x3d: {  	_ =	shalt  }
0x3e: {  	_ =	shalt  }
0x3f: {  	_ =	shalt  }
0x40: {  	_ =	shalt  }
0x41: {  	_ =	shalt  }
0x42: {  	_ =	shalt  }
0x43: {  	_ =	shalt  }
0x44: {  	_ =	shalt  }
0x45: {  	_ =	shalt  }
0x46: {  	_ =	shalt  }
0x47: {  	_ =	shalt  }
0x48: {  	_ =	shalt  }
0x49: {  	_ =	shalt  }
0x4a: {  	_ =	shalt  }
0x4b: {  	_ =	shalt  }
0x4c: {  	_ =	shalt  }
0x4d: {  	_ =	shalt  }
0x4e: {  	_ =	shalt  }
0x4f: {  	_ =	shalt  }
0x50: {  	_ =	shalt  }
0x51: {  	_ =	shalt  }
0x52: {  	_ =	shalt  }
0x53: {  	_ =	shalt  }
0x54: {  	_ =	shalt  }
0x55: {  	_ =	shalt  }
0x56: {  	_ =	shalt  }
0x57: {  	_ =	shalt  }
0x58: {  	_ =	shalt  }
0x59: {  	_ =	shalt  }
0x5a: {  	_ =	shalt  }
0x5b: {  	_ =	shalt  }
0x5c: {  	_ =	shalt  }
0x5d: {  	_ =	shalt  }
0x5e: {  	_ =	shalt  }
0x5f: {  	_ =	shalt  }
0x60: {  	_ =	shalt  }
0x61: {  	_ =	shalt  }
0x62: {  	_ =	shalt  }
0x63: {  	_ =	shalt  }
0x64: {  	_ =	shalt  }
0x65: {  	_ =	shalt  }
0x66: {  	_ =	shalt  }
0x67: {  	_ =	shalt  }
0x68: {  	_ =	shalt  }
0x69: {  	_ =	shalt  }
0x6a: {  	_ =	shalt  }
0x6b: {  	_ =	shalt  }
0x6c: {  	_ =	shalt  }
0x6d: {  	_ =	shalt  }
0x6e: {  	_ =	shalt  }
0x6f: {  	_ =	shalt  }
0x70: {  	_ =	shalt  }
0x71: {  	_ =	shalt  }
0x72: {  	_ =	shalt  }
0x73: {  	_ =	shalt  }
0x74: {  	_ =	shalt  }
0x75: {  	_ =	shalt  }
0x76: {  	_ =	shalt  }
0x77: {  	_ =	shalt  }
0x78: {  	_ =	shalt  }
0x79: {  	_ =	shalt  }
0x7a: {  	_ =	shalt  }
0x7b: {  	_ =	shalt  }
0x7c: {  	_ =	shalt  }
0x7d: {  	_ =	shalt  }
0x7e: {  	_ =	shalt  }
0x7f: {  	_ =	shalt  }
0x80: {  	_ =	shalt  }
0x81: {  	_ =	shalt  }
0x82: {  	_ =	shalt  }
0x83: {  	_ =	shalt  }
0x84: {  	_ =	shalt  }
0x85: {  	_ =	shalt  }
0x86: {  	_ =	shalt  }
0x87: {  	_ =	shalt  }
.Lfunc_end0:
.L_simem_size_0:
called_computation.1_lowered:
.L_overlay_start_0:
0x88: {  	s2 =	sld [smem:$0x3FD9]  }
0x89: {  	s3 =	sld [smem:$0x3FFE];
	_ =	sdelay $0x1  }
0x8a: {  	s1 =	srdreg.scid  }
0x8b: {  	s0 =	sand.u32 $0x1, s1  }
0x8c: {  	s17 =	sshll.u32 s0, $0xA;
	s2 =	sadd.s32 s3, s2  }
0x8d: {  	s2 =	sadd.s32 s2, s17  }
0x8e: {  	[smem:$0x3FBF] =	sst s2  }
0x8f: {  	_ = 	snop  }
0x90: {  	s2 =	sld [smem:$0x3FD0];
	(tm) =	ssettm $0x1  }
0x91: {  	s18 =	sld [smem:$0x3FFB];
	_ =	sdelay $0x3  }
0x92: {  	_ =	strace s18  }
0x93: {  	s3 =	sld [smem:$0x3FFC];
	_ =	sdelay $0x3  }
0x94: {  	_ =	strace s3  }
0x95: {  	s3 =	sld [smem:$0x3FFD];
	_ =	sdelay $0x3  }
0x96: {  	_ =	strace s3  }
0x97: {  	_ =	strace $0x8FFFFFFF  }
0x98: {  	s19 =	sld [smem:$0x3FDB];
	_ =	sdelay $0x1  }
0x99: {  	s4 =	simm.s32 $_scs_section_size  }
0x9a: {  	s5 =	simm.s32 $_size__tile_overlayer_lowered;
	s6 =	simm.s32 $_tile_overlayer_lowered  }
0x9b: {  	s22 =	simm.s32 $0x1BFF;
	s21 =	sshll.u32 s6, $0x1;
	s3 =	sadd.s32 s4, s19  }
0x9c: {  	s7 =	simm.s32 $0x0;
	s20 =	sshll.u32 s5, $0x1;
	s5 =	sadd.s32 s21, s3  }
0x9d: {  	[timem:s7], [sflag:s22] =	dma.local [hbm:s5], s20  }
0x9e: {  	_ =	swait.ge [sflag:s22], s20  }
0x9f: {  	s4 =	ssub.s32 $0x0, s20;
	[sflag:s22] =	ssyncset.done $0x0  }
0xa0: {  	[sflag:s22] =	ssyncadd.s32 s4;
	_ =	sdelay $0x1  }
0xa1: {  	s23 =	simm.s32 $0x1B8B  }
0xa2: {  	_ =	swait.ge [sflag:s23], $0x1  }
0xa3: {  	[sflag:s23] =	ssyncset.done $0x0  }
0xa4: {  	s25 =	simm.s32 $0x1B8E;
	s24 =	sld [smem:$0x3FFE];
	[sflag:s23] =	ssyncadd.s32 $0xFFFFFFFF  }
0xa5: {  	s26 =	simm.s32 $execute0_lowered;
	[smem:$0x3FD2] =	sst s25  }
0xa6: {  	s5 =	sshll.u32 s26, $0x1;
	_ =	strace $0x80000049;
	[dreg:$0x1] =	wrdreg $0xFFFFFFFF  }
0xa7: {  	s28 =	simm.s32 $_size_execute0_lowered;
	s3 =	sadd.s32 s3, s5;
	[dreg:$0x0] =	wrdreg $0x0  }
0xa8: {  	s5 =	sshll.u32 s28, $0x1;
	[dreg:$0x2] =	wrdreg s3  }
0xa9: {  	[dreg:$0x3] =	wrdreg s5  }
0xaa: {  	[dreg:$0x4] =	wrdreg $0xC0  }
0xab: {  	_ =	task [dreg:s7], $0x5FFFF  }
0xac: {  	[dreg:$0x1] =	wrdreg $0xFFFFFFFF  }
0xad: {  	[dreg:$0x0] =	wrdreg $0x60  }
0xae: {  	[dreg:$0x2] =	wrdreg s2  }
0xaf: {  	[dreg:$0x3] =	wrdreg s24  }
0xb0: {  	[dreg:$0x4] =	wrdreg $0x24000  }
0xb1: {  	[dreg:$0x5] =	wrdreg $0x4C000  }
0xb2: {  	[dreg:$0x6] =	wrdreg $0x9  }
0xb3: {  	_ =	task.clear_ibuf [dreg:s7], $0x7FFFF;
	_ =	strace $0x90000049  }
0xb4: {  	s29 =	simm.s32 $0x9;
	_ =	strace $0x8000004B  }
0xb5: {  	_ =	swait.ge [sflag:s29], $0x1  }
0xb6: {  	[sflag:s29] =	ssyncadd.s32 $0xFFFFFFFF  }
0xb7: {  	_ =	strace $0x9000004B  }
0xb8: {  	_ =	sfence  }
0xb9: {  	s30 =	sld [smem:$0x0];
	_ =	sdelay $0x2  }
0xba: {  	s31 =	sshll.u32 s1, $0xD;
	s1 =	sshrl.u32 s1, $0x2  }
0xbb: {  	s3 =	sand.u32 $0x4000, s31;
	s1 =	sadd.s32 s1, s30  }
0xbc: {  	s0 =	sor.u32 s3, s0;
	s1 =	sshll.u32 s1, $0x11  }
0xbd: {  	s0 =	sor.u32 s1, s0  }
0xbe: {  	s0 =	sadd.s32 $0x8F2B, s0  }
0xbf: {  	[sflag:s0] =	ssyncadd.remote.s32 $0x1  }
0xc0: {  	_ =	sfence.sel $0xFFFF  }
0xc1: {  	[dreg:$0x0] =	wrdreg $0xFFFFFFFF;
	(pc) =	sbr.abs _section_cstart, $3  }
0xc2: {  	[dreg:$0x1] =	wrdreg $0xFFFFFFFF  }
0xc3: {  	_ =	task.clear_ibuf [dreg:s7], $0x2FFFF;
	_ =	strace $0x9FFFFFFF  }
0xc4: {  	(tm) =	ssettm $0x7FFFFFFF  }
0xc5: {  	_ =	shalt  }
tec
execute0_lowered:
.L_overlay_start_1:
0x0: {  	(tag) =	ssettag $0x1  }
0x1: {  	s0 =	rddreg [dreg:$0x0]  }
0x2: {  	s2 =	rddreg [dreg:$0x1]  }
0x3: {  	s1 =	rddreg [dreg:$0x2]  }
0x4: {  	s3 =	rddreg [dreg:$0x3];
	s4 =	simm.s32 $0x0  }
0x5: {  	s15 =	stileid.u32;
	s6 =	srdreg.scid;
	s17 =	simm.s32 $0x20  }
0x6: {  	s18 =	simm.s32 $0x2;
	s20 =	simm.s32 $0x800;
	s21 =	simm.s32 $0xC00  }
0x7: {  	s22 =	simm.s32 $0x1C00;
	s23 =	simm.s32 $0x1400;
	[smem:$0x7FF] =	sst s4  }
0x8: {  	s8 =	smul.u32 $0x2800, s15;
	s5 =	sadd.s32 $0xB200, s2;
	s9 =	sand.u32 $0x1, s6  }
0x9: {  	s10 =	smul.u32 $0x5000, s15;
	s6 =	sadd.s32 $0x6200, s2;
	s7 =	sadd.s32 $0x1200, s2  }
0xa: {  	s30 =	sshll.u32 s15, $0x6;
	_ =	strace $0x8000004A;
	s11 =	sshll.u32 s9, $0x7  }
0xb: {  	s9 =	ssub.s32 $0x2, s9;
	s12 =	sshrl.u32 s8, $0x3;
	s10 =	sor.u32 s11, s10  }
0xc: {  	s29 =	sshrl.u32 s9, $0x1;
	s14 =	sadd.s32 s8, s1;
	s31 =	sadd.s32 s8, s3  }
0xd: {  	s11 =	smul.u32 $0xA, s15;
	s15 =	simm.s32 $0x1;
	s28 =	sadd.s32 s12, s2  }
0xe: {  	s10 =	sshrl.u32 s10, $0x3;
	s13 =	ssub.s32 s9, s29;
	s9 =	sor.u32 $0x1C02, s30  }
0xf: {  	s14 =	sshrl.u32 s14, $0x3;
	s19 =	sshrl.u32 s31, $0x3;
	s2 =	sadd.s32 s10, s2  }
0x10: {  	s0 =	sadd.s32 s0, s10;
	s10 =	sadd.s32 $0x10800, s28;
	s13 =	smax.u32 s13, $0x1  }
0x11: {  	[dreg:$0x5] =	wrdreg s0;
	s12 =	sadd.s32 $0x15800, s2;
	s2 =	simm.s32 $0x10  }
.LBB2_1:
0x12: {  	s0 =	rddreg [dreg:$0x5]  }
0x13: {  	[spmem:s14@s2], [sflag:s9] =	dma.strided [hbm:s0@s17], $0x500, s15, $0x10   }
0x14: {  	_ =	swait.ge [sflag:s18], $0x500  }
0x15: {  	[sflag:s18] =	ssyncset.done $0x0  }
0x16: {  	[sflag:s18] =	ssyncadd.s32 $0xFFFFFB00  }
0x17: {  	[spmem:s19], [sflag:s9] =	dma.local [hbm:s10], $0x500  }
0x18: {  	_ =	swait.ge [sflag:s18], $0x500  }
0x19: {  	[sflag:s18] =	ssyncset.done $0x0  }
0x1a: {  	[sflag:s18] =	ssyncadd.s32 $0xFFFFFB00  }
0x1b: {  	s24 =	simm.s32 $0x0;
	[bflag:$0x0] =	sbarrier.arrive $0xFFFF  }
.LBB2_2:
0x1c: {  	s0 =	sadd.s32 s11, s24  }
0x1d: {  	s0 =	sshll.u32 s0, $0x7  }
0x1e: {  	s25 =	simm.s32 $0x0;
	s2 =	sadd.s32 s5, s0  }
0x1f: {  	[tilespmem:s25], [sflag:$0x2] =	stream.linear.gather [hbm4b:s2+s25], $0x400, $0x38;
	[tilespmem:$0x7400] =	vst v63  }
0x20: {  	_ =	swait.ge [sflag:s18], $0x400  }
0x21: {  	[sflag:s18] =	ssyncset.done $0x0  }
0x22: {  	s26 =	simm.s32 $0x400;
	s31 =	sadd.s32 s6, s0;
	[sflag:s18] =	ssyncadd.s32 $0xFFFFFC00  }
0x23: {  	[tilespmem:s26], [sflag:$0x2] =	stream.linear.gather [hbm4b:s31+s25], $0x400, $0x38;
	[tilespmem:$0x7400] =	vst v63  }
0x24: {  	_ =	swait.ge [sflag:s18], $0x400  }
0x25: {  	[sflag:s18] =	ssyncset.done $0x0  }
0x26: {  	s28 =	simm.s32 $0x800;
	s0 =	sadd.s32 s7, s0;
	[sflag:s18] =	ssyncadd.s32 $0xFFFFFC00  }
0x27: {  	[tilespmem:s28], [sflag:$0x2] =	stream.linear.gather [hbm4b:s0+s25], $0x400, $0x38;
	[tilespmem:$0x7400] =	vst v63  }
0x28: {  	_ =	swait.ge [sflag:s18], $0x400  }
0x29: {  	[sflag:s18] =	ssyncset.done $0x0  }
0x2a: {  	s29 =	simm.s32 $0x0;
	[sflag:s18] =	ssyncadd.s32 $0xFFFFFC00  }
.LBB2_3:
0x2b: {  	v0 =	vmov s25  }
0x2c: {  	v1 =	vmov s26;
	_ =	sdelay $0x2  }
0x2d: {  	s0 =	simm.s32 $0x0  }
0x2e: {  	v2 =	vld.idx.msk [tilespmem:v0+s0+$0x0 ss:$0x1], $0xffff  }
0x2f: {  	v3 =	vld.idx.msk [tilespmem:v1+s0+$0x0 ss:$0x1], $0xffff;
	_ =	sdelay $0x3  }
0x30: {  	s8 =	simm.s32 $0xC80;
	v2 =	vshll.u32 v2, $0x4  }
0x31: {  	s30 =	simm.s32 $0x1480;
	v3 =	vshll.u32 v3, $0x4;
	[tilespmem:s8+$0xFFFFFF80] =	vst v2  }
0x32: {  	v4 =	vor.u32 $0x1, v2;
	[tilespmem:s30+$0xFFFFFF80] =	vst v3  }
0x33: {  	v37 =	vor.u32 $0x1, v3;
	[tilespmem:s8+$0xFFFFFF90] =	vst v4  }
0x34: {  	v38 =	vor.u32 $0x2, v2;
	[tilespmem:s30+$0xFFFFFF90] =	vst v37  }
0x35: {  	v39 =	vor.u32 $0x2, v3;
	[tilespmem:s8+$0xFFFFFFA0] =	vst v38  }
0x36: {  	v40 =	vor.u32 $0x3, v2;
	[tilespmem:s30+$0xFFFFFFA0] =	vst v39  }
0x37: {  	v41 =	vor.u32 $0x3, v3;
	[tilespmem:s8+$0xFFFFFFB0] =	vst v40  }
0x38: {  	v42 =	vor.u32 $0x4, v2;
	[tilespmem:s30+$0xFFFFFFB0] =	vst v41  }
0x39: {  	v43 =	vor.u32 $0x4, v3;
	[tilespmem:s8+$0xFFFFFFC0] =	vst v42  }
0x3a: {  	v44 =	vor.u32 $0x5, v2;
	[tilespmem:s30+$0xFFFFFFC0] =	vst v43  }
0x3b: {  	v45 =	vor.u32 $0x5, v3;
	[tilespmem:s8+$0xFFFFFFD0] =	vst v44  }
0x3c: {  	v46 =	vor.u32 $0x6, v2;
	[tilespmem:s30+$0xFFFFFFD0] =	vst v45  }
0x3d: {  	v47 =	vor.u32 $0x6, v3;
	[tilespmem:s8+$0xFFFFFFE0] =	vst v46  }
0x3e: {  	v48 =	vor.u32 $0x7, v2;
	[tilespmem:s30+$0xFFFFFFE0] =	vst v47  }
0x3f: {  	v49 =	vor.u32 $0x7, v3;
	[tilespmem:s8+$0xFFFFFFF0] =	vst v48  }
0x40: {  	v50 =	vor.u32 $0x8, v2;
	[tilespmem:s30+$0xFFFFFFF0] =	vst v49  }
0x41: {  	v51 =	vor.u32 $0x8, v3;
	[tilespmem:s8+$0x0] =	vst v50  }
0x42: {  	v52 =	vor.u32 $0x9, v2;
	[tilespmem:s30+$0x0] =	vst v51  }
0x43: {  	v53 =	vor.u32 $0x9, v3;
	[tilespmem:s8+$0x10] =	vst v52  }
0x44: {  	v54 =	vor.u32 $0xA, v2;
	[tilespmem:s30+$0x10] =	vst v53  }
0x45: {  	v55 =	vor.u32 $0xA, v3;
	[tilespmem:s8+$0x20] =	vst v54  }
0x46: {  	v56 =	vor.u32 $0xB, v2;
	[tilespmem:s30+$0x20] =	vst v55  }
0x47: {  	v57 =	vor.u32 $0xB, v3;
	[tilespmem:s8+$0x30] =	vst v56  }
0x48: {  	v58 =	vor.u32 $0xC, v2;
	[tilespmem:s30+$0x30] =	vst v57  }
0x49: {  	v59 =	vor.u32 $0xC, v3;
	[tilespmem:s8+$0x40] =	vst v58  }
0x4a: {  	v60 =	vor.u32 $0xD, v2;
	[tilespmem:s30+$0x40] =	vst v59  }
0x4b: {  	v61 =	vor.u32 $0xD, v3;
	[tilespmem:s8+$0x50] =	vst v60  }
0x4c: {  	v62 =	vor.u32 $0xE, v2;
	[tilespmem:s30+$0x50] =	vst v61  }
0x4d: {  	v63 =	vor.u32 $0xE, v3;
	[tilespmem:s8+$0x60] =	vst v62  }
0x4e: {  	v2 =	vor.u32 $0xF, v2;
	[tilespmem:s30+$0x60] =	vst v63  }
0x4f: {  	s2 =	simm.s32 $0x80;
	s31 =	simm.s32 $0xD80;
	s0 =	simm.s32 $0x40;
	[tilespmem:s8+$0x70] =	vst v2;
	v2 =	vor.u32 $0xF, v3  }
.LBB2_4:
0x50: {  	s16 =	sshra.s32 s0, $0x2  }
0x51: {  	[tilespmem:s30+$0x70] =	vst v2;
	s30 =	sadd.s32 $0x100, s30;
	s0 =	smov.u32 s2;
	s8 =	sadd.s32 $0x40, s2  }
0x52: {  	p0 =	sne.s32 s2, $0x1C0;
	v2 =	vld.idx.msk [tilespmem:v0+s16+$0x0 ss:$0x1], $0xffff  }
0x53: {  	v3 =	vld.idx.msk [tilespmem:v1+s16+$0x0 ss:$0x1], $0xffff;
	_ =	sdelay $0x4  }
0x54: {  	v2 =	vshll.u32 v2, $0x4  }
0x55: {  	v3 =	vshll.u32 v3, $0x4;
	[tilespmem:s31+$0xFFFFFF80] =	vst v2  }
0x56: {  	v4 =	vor.u32 $0x1, v2;
	[tilespmem:s30+$0xFFFFFF80] =	vst v3  }
0x57: {  	[tilespmem:s31+$0xFFFFFF90] =	vst v4;
	v4 =	vor.u32 $0x1, v3  }
0x58: {  	[tilespmem:s30+$0xFFFFFF90] =	vst v4;
	v4 =	vor.u32 $0x2, v2  }
0x59: {  	[tilespmem:s31+$0xFFFFFFA0] =	vst v4;
	v4 =	vor.u32 $0x2, v3  }
0x5a: {  	[tilespmem:s30+$0xFFFFFFA0] =	vst v4;
	v4 =	vor.u32 $0x3, v2  }
0x5b: {  	[tilespmem:s31+$0xFFFFFFB0] =	vst v4;
	v4 =	vor.u32 $0x3, v3  }
0x5c: {  	[tilespmem:s30+$0xFFFFFFB0] =	vst v4;
	v4 =	vor.u32 $0x4, v2  }
0x5d: {  	[tilespmem:s31+$0xFFFFFFC0] =	vst v4;
	v4 =	vor.u32 $0x4, v3  }
0x5e: {  	[tilespmem:s30+$0xFFFFFFC0] =	vst v4;
	v4 =	vor.u32 $0x5, v2  }
0x5f: {  	[tilespmem:s31+$0xFFFFFFD0] =	vst v4;
	v4 =	vor.u32 $0x5, v3  }
0x60: {  	[tilespmem:s30+$0xFFFFFFD0] =	vst v4;
	v4 =	vor.u32 $0x6, v2  }
0x61: {  	[tilespmem:s31+$0xFFFFFFE0] =	vst v4;
	v4 =	vor.u32 $0x6, v3  }
0x62: {  	[tilespmem:s30+$0xFFFFFFE0] =	vst v4;
	v4 =	vor.u32 $0x7, v2  }
0x63: {  	[tilespmem:s31+$0xFFFFFFF0] =	vst v4;
	v4 =	vor.u32 $0x7, v3  }
0x64: {  	[tilespmem:s30+$0xFFFFFFF0] =	vst v4;
	v4 =	vor.u32 $0x8, v2  }
0x65: {  	[tilespmem:s31+$0x0] =	vst v4;
	v4 =	vor.u32 $0x8, v3  }
0x66: {  	[tilespmem:s30+$0x0] =	vst v4;
	v4 =	vor.u32 $0x9, v2  }
0x67: {  	[tilespmem:s31+$0x10] =	vst v4;
	v4 =	vor.u32 $0x9, v3  }
0x68: {  	[tilespmem:s30+$0x10] =	vst v4;
	v4 =	vor.u32 $0xA, v2  }
0x69: {  	[tilespmem:s31+$0x20] =	vst v4;
	v4 =	vor.u32 $0xA, v3  }
0x6a: {  	[tilespmem:s30+$0x20] =	vst v4;
	v4 =	vor.u32 $0xB, v2  }
0x6b: {  	[tilespmem:s31+$0x30] =	vst v4;
	v4 =	vor.u32 $0xB, v3  }
0x6c: {  	[tilespmem:s30+$0x30] =	vst v4;
	v4 =	vor.u32 $0xC, v2  }
0x6d: {  	[tilespmem:s31+$0x40] =	vst v4;
	v4 =	vor.u32 $0xC, v3  }
0x6e: {  	[tilespmem:s30+$0x40] =	vst v4;
	v4 =	vor.u32 $0xD, v2  }
.Ltmp0:
0x6f: {  	[tilespmem:s31+$0x50] =	vst v4;
	v4 =	vor.u32 $0xD, v3;
	(pc) =	sbr.rel @p0 .LBB2_4-.Ltmp0, $4  }
0x70: {  	[tilespmem:s30+$0x50] =	vst v4;
	v4 =	vor.u32 $0xE, v2  }
0x71: {  	[tilespmem:s31+$0x60] =	vst v4;
	v4 =	vor.u32 $0xE, v3  }
0x72: {  	v2 =	vor.u32 $0xF, v2;
	[tilespmem:s30+$0x60] =	vst v4  }
0x73: {  	s2 =	smov.u32 s8;
	[tilespmem:s31+$0x70] =	vst v2;
	v2 =	vor.u32 $0xF, v3;
	s31 =	sadd.s32 $0x100, s31  }
0x74: {  	_ =	sdelay $0x2  }
0x75: {  	s0 =	sshra.s32 s0, $0x2;
	[tilespmem:s30+$0x70] =	vst v2  }
0x76: {  	v0 =	vld.idx.msk [tilespmem:v0+s0+$0x0 ss:$0x1], $0xffff  }
0x77: {  	v1 =	vld.idx.msk [tilespmem:v1+s0+$0x0 ss:$0x1], $0xffff;
	_ =	sdelay $0x3  }
0x78: {  	v0 =	vshll.u32 v0, $0x4  }
0x79: {  	s16 =	sadd.s32 $0x100, s30;
	v1 =	vshll.u32 v1, $0x4;
	[tilespmem:s31+$0xFFFFFF80] =	vst v0  }
0x7a: {  	v2 =	vor.u32 $0x1, v0;
	[tilespmem:s16+$0xFFFFFF80] =	vst v1  }
0x7b: {  	[tilespmem:s31+$0xFFFFFF90] =	vst v2;
	v2 =	vor.u32 $0x1, v1  }
0x7c: {  	[tilespmem:s16+$0xFFFFFF90] =	vst v2;
	v2 =	vor.u32 $0x2, v0  }
0x7d: {  	[tilespmem:s31+$0xFFFFFFA0] =	vst v2;
	v2 =	vor.u32 $0x2, v1  }
0x7e: {  	[tilespmem:s16+$0xFFFFFFA0] =	vst v2;
	v2 =	vor.u32 $0x3, v0  }
0x7f: {  	[tilespmem:s31+$0xFFFFFFB0] =	vst v2;
	v2 =	vor.u32 $0x3, v1  }
0x80: {  	[tilespmem:s16+$0xFFFFFFB0] =	vst v2;
	v2 =	vor.u32 $0x4, v0  }
0x81: {  	[tilespmem:s31+$0xFFFFFFC0] =	vst v2;
	v2 =	vor.u32 $0x4, v1  }
0x82: {  	[tilespmem:s16+$0xFFFFFFC0] =	vst v2;
	v2 =	vor.u32 $0x5, v0  }
0x83: {  	[tilespmem:s31+$0xFFFFFFD0] =	vst v2;
	v2 =	vor.u32 $0x5, v1  }
0x84: {  	[tilespmem:s16+$0xFFFFFFD0] =	vst v2;
	v2 =	vor.u32 $0x6, v0  }
0x85: {  	[tilespmem:s31+$0xFFFFFFE0] =	vst v2;
	v2 =	vor.u32 $0x6, v1  }
0x86: {  	[tilespmem:s16+$0xFFFFFFE0] =	vst v2;
	v2 =	vor.u32 $0x7, v0  }
0x87: {  	[tilespmem:s31+$0xFFFFFFF0] =	vst v2;
	v2 =	vor.u32 $0x7, v1  }
0x88: {  	[tilespmem:s16+$0xFFFFFFF0] =	vst v2;
	v2 =	vor.u32 $0x8, v0  }
0x89: {  	[tilespmem:s31+$0x0] =	vst v2;
	v2 =	vor.u32 $0x8, v1  }
0x8a: {  	[tilespmem:s16+$0x0] =	vst v2;
	v2 =	vor.u32 $0x9, v0  }
0x8b: {  	[tilespmem:s31+$0x10] =	vst v2;
	v2 =	vor.u32 $0x9, v1  }
0x8c: {  	[tilespmem:s16+$0x10] =	vst v2;
	v2 =	vor.u32 $0xA, v0  }
0x8d: {  	[tilespmem:s31+$0x20] =	vst v2;
	v2 =	vor.u32 $0xA, v1  }
0x8e: {  	[tilespmem:s16+$0x20] =	vst v2;
	v2 =	vor.u32 $0xB, v0  }
0x8f: {  	[tilespmem:s31+$0x30] =	vst v2;
	v2 =	vor.u32 $0xB, v1  }
0x90: {  	[tilespmem:s16+$0x30] =	vst v2;
	v2 =	vor.u32 $0xC, v0  }
0x91: {  	[tilespmem:s31+$0x40] =	vst v2;
	v2 =	vor.u32 $0xC, v1  }
0x92: {  	[tilespmem:s16+$0x40] =	vst v2;
	v2 =	vor.u32 $0xD, v0  }
0x93: {  	[tilespmem:s31+$0x50] =	vst v2;
	v2 =	vor.u32 $0xD, v1  }
0x94: {  	[tilespmem:s16+$0x50] =	vst v2;
	v2 =	vor.u32 $0xE, v0  }
0x95: {  	[tilespmem:s31+$0x60] =	vst v2;
	v2 =	vor.u32 $0xE, v1  }
0x96: {  	v0 =	vor.u32 $0xF, v0;
	[tilespmem:s16+$0x60] =	vst v2  }
0x97: {  	[tilespmem:s31+$0x70] =	vst v0;
	v0 =	vor.u32 $0xF, v1  }
0x98: {  	[tilespmem:s16+$0x70] =	vst v0  }
0x99: {  	[tilespmem:s22], [sflag:$0x1] =	stream.indirect.gather [spmem:s1], $0x1, s21, s20, $0xb8;
	[tilespmem:$0x7400] =	vst v63  }
0x9a: {  	_ =	swait.ge [sflag:s15], $0x800  }
0x9b: {  	[sflag:s15] =	ssyncset.done $0x0  }
0x9c: {  	s30 =	simm.s32 $0x1C80;
	[sflag:s15] =	ssyncadd.s32 $0xFFFFF800  }
0x9d: {  	v0 =	vld [tilespmem:s30+$0xFFFFFFF0]  }
0x9e: {  	v13 =	vld [tilespmem:s30+$0x70]  }
0x9f: {  	v1 =	vld [tilespmem:s30+$0x60]  }
0xa0: {  	v2 =	vld [tilespmem:s30+$0x20]  }
0xa1: {  	v3 =	vmov s28;
	v5 =	vld [tilespmem:s30+$0x10]  }
0xa2: {  	v8 =	vld [tilespmem:s30+$0x30]  }
0xa3: {  	v16 =	vld [tilespmem:s30+$0x50]  }
0xa4: {  	v9 =	vld [tilespmem:s30+$0xFFFFFF80]  }
0xa5: {  	s31 =	simm.s32 $0x0;
	v7 =	vld [tilespmem:s30+$0x0]  }
0xa6: {  	v4 =	vld.idx.msk [tilespmem:v3+s31+$0x0 ss:$0x1], $0xffff  }
0xa7: {  	v14 =	vld [tilespmem:s30+$0xFFFFFFA0]  }
0xa8: {  	v6 =	vld [tilespmem:s30+$0xFFFFFFD0]  }
0xa9: {  	v12 =	vld [tilespmem:s30+$0xFFFFFF90]  }
0xaa: {  	v10 =	vld [tilespmem:s30+$0xFFFFFFB0]  }
0xab: {  	v11 =	vld [tilespmem:s30+$0x40]  }
0xac: {  	v15 =	vmul.f32 v9, v4;
	v9 =	vld [tilespmem:s30+$0xFFFFFFC0];
	v17 =	vmul.f32 v13, v4  }
0xad: {  	s2 =	simm.s32 $0x1C80;
	s0 =	simm.s32 $0x40;
	v13 =	vmul.f32 v14, v4;
	v14 =	vld [tilespmem:s30+$0xFFFFFFE0];
	v16 =	vmul.f32 v16, v4  }
.LBB2_6:
0xae: {  	p0 =	sne.s32 s0, $0x1C0  }
0xaf: {  	v12 =	vmul.f32 v12, v4;
	v8 =	vmul.f32 v8, v4;
	[tilespmem:s30+$0x70] =	vst v17;
	s2 =	sadd.s32 $0x100, s2;
	s8 =	smov.u32 s0;
	s0 =	sadd.s32 $0x40, s0  }
0xb0: {  	v5 =	vmul.f32 v5, v4;
	[tilespmem:s30+$0xFFFFFF80] =	vst v15;
	v10 =	vmul.f32 v10, v4  }
0xb1: {  	v7 =	vmul.f32 v7, v4;
	v11 =	vmul.f32 v11, v4;
	[tilespmem:s30+$0x50] =	vst v16  }
0xb2: {  	v6 =	vmul.f32 v6, v4;
	v9 =	vmul.f32 v9, v4;
	[tilespmem:s30+$0x30] =	vst v8  }
0xb3: {  	v8 =	vmul.f32 v14, v4;
	v14 =	vmul.f32 v0, v4;
	[tilespmem:s30+$0x10] =	vst v5  }
0xb4: {  	v2 =	vmul.f32 v2, v4;
	v1 =	vmul.f32 v1, v4;
	[tilespmem:s30+$0xFFFFFFA0] =	vst v13  }
0xb5: {  	[tilespmem:s30+$0x0] =	vst v7  }
0xb6: {  	v0 =	vld [tilespmem:s2+$0xFFFFFFF0];
	[tilespmem:s30+$0xFFFFFFE0] =	vst v8  }
0xb7: {  	v13 =	vld [tilespmem:s2+$0x70];
	[tilespmem:s30+$0x60] =	vst v1  }
0xb8: {  	v1 =	vld [tilespmem:s2+$0x60];
	[tilespmem:s30+$0x20] =	vst v2  }
0xb9: {  	v2 =	vld [tilespmem:s2+$0x20];
	[tilespmem:s30+$0xFFFFFFD0] =	vst v6  }
0xba: {  	v5 =	vld [tilespmem:s2+$0x10];
	[tilespmem:s30+$0xFFFFFF90] =	vst v12  }
0xbb: {  	v8 =	vld [tilespmem:s2+$0x30];
	[tilespmem:s30+$0xFFFFFFF0] =	vst v14  }
0xbc: {  	v16 =	vld [tilespmem:s2+$0x50];
	[tilespmem:s30+$0x40] =	vst v11  }
0xbd: {  	v14 =	vld [tilespmem:s2+$0xFFFFFF80];
	[tilespmem:s30+$0xFFFFFFB0] =	vst v10  }
0xbe: {  	s8 =	sshra.s32 s8, $0x2;
	v7 =	vld [tilespmem:s2+$0x0];
	[tilespmem:s30+$0xFFFFFFC0] =	vst v9;
	s30 =	smov.u32 s2  }
0xbf: {  	v4 =	vld.idx.msk [tilespmem:v3+s8+$0x0 ss:$0x1], $0xffff  }
0xc0: {  	v18 =	vld [tilespmem:s2+$0xFFFFFFA0]  }
0xc1: {  	v6 =	vld [tilespmem:s2+$0xFFFFFFD0]  }
.Ltmp1:
0xc2: {  	v12 =	vld [tilespmem:s2+$0xFFFFFF90];
	(pc) =	sbr.rel @p0 .LBB2_6-.Ltmp1, $4  }
0xc3: {  	v10 =	vld [tilespmem:s2+$0xFFFFFFB0]  }
0xc4: {  	v11 =	vld [tilespmem:s2+$0x40]  }
0xc5: {  	v15 =	vmul.f32 v14, v4;
	v17 =	vmul.f32 v13, v4;
	v9 =	vld [tilespmem:s2+$0xFFFFFFC0]  }
0xc6: {  	v16 =	vmul.f32 v16, v4;
	v13 =	vmul.f32 v18, v4;
	v14 =	vld [tilespmem:s2+$0xFFFFFFE0]  }
0xc7: {  	[tilespmem:s30+$0x70] =	vst v17  }
0xc8: {  	[tilespmem:s30+$0xFFFFFF80] =	vst v15  }
0xc9: {  	v3 =	vmul.f32 v8, v4;
	[tilespmem:s30+$0x50] =	vst v16  }
0xca: {  	v5 =	vmul.f32 v5, v4;
	[tilespmem:s30+$0xFFFFFFA0] =	vst v13  }
0xcb: {  	v57 =	vmul.f32 v7, v4;
	[tilespmem:s30+$0x30] =	vst v3  }
0xcc: {  	v1 =	vmul.f32 v1, v4;
	[tilespmem:s30+$0x10] =	vst v5  }
0xcd: {  	v2 =	vmul.f32 v2, v4;
	[tilespmem:s30+$0x0] =	vst v57  }
0xce: {  	v59 =	vmul.f32 v6, v4;
	[tilespmem:s30+$0x60] =	vst v1  }
0xcf: {  	v60 =	vmul.f32 v12, v4;
	[tilespmem:s30+$0x20] =	vst v2  }
0xd0: {  	v0 =	vmul.f32 v0, v4;
	[tilespmem:s30+$0xFFFFFFD0] =	vst v59  }
0xd1: {  	v62 =	vmul.f32 v10, v4;
	[tilespmem:s30+$0xFFFFFF90] =	vst v60  }
0xd2: {  	v61 =	vmul.f32 v11, v4;
	[tilespmem:s30+$0xFFFFFFF0] =	vst v0  }
0xd3: {  	v63 =	vmul.f32 v9, v4;
	[tilespmem:s30+$0xFFFFFFB0] =	vst v62  }
0xd4: {  	s29 =	sadd.s32 $0x1, s29;
	v58 =	vmul.f32 v14, v4;
	[tilespmem:s30+$0x40] =	vst v61  }
0xd5: {  	p0 =	sne.s32 s29, $0x8;
	[tilespmem:s30+$0xFFFFFFC0] =	vst v63  }
.Ltmp2:
0xd6: {  	[tilespmem:s30+$0xFFFFFFE0] =	vst v58;
	(pc) =	sbr.rel @p0 .LBB2_3-.Ltmp2, $4  }
0xd7: {  	[spmem:s3] =	stream.indirect.scatter.add.f32 [tilespmem:s22], [sflag:$0x2], $0x1, s23, s20, $0xb8;
	[tilespmem:$0x7400] =	vst v63  }
0xd8: {  	_ =	swait.ge [sflag:s18], $0x800  }
0xd9: {  	s25 =	sadd.s32 $0x80, s25;
	[sflag:s18] =	ssyncset.done $0x0  }
0xda: {  	s26 =	sadd.s32 $0x80, s26;
	s28 =	sadd.s32 $0x80, s28;
	[sflag:s18] =	ssyncadd.s32 $0xFFFFF800  }
0xdb: {  	s24 =	sadd.s32 $0x1, s24  }
0xdc: {  	p0 =	sne.s32 s24, $0xA  }
.Ltmp3:
0xdd: {  	_ = 	snop;
	(pc) =	sbr.rel @p0 .LBB2_2-.Ltmp3, $1  }
0xde: {  	_ =	sdelay $0x3  }
0xdf: {  	s4 =	sadd.s32 $0x1, s4  }
0xe0: {  	p0 =	sne.s32 s4, s13  }
.Ltmp4:
0xe1: {  	[bflag:$0x0] =	sbarrier.arrive $0xFFFF;
	s2 =	simm.s32 $0x10;
	(pc) =	sbr.rel @p0 .LBB2_1-.Ltmp4, $4  }
0xe2: {  	[hbm:s12@s17], [sflag:s9] =	dma.strided [spmem:s19@s2], $0x500, s15, $0x10   }
0xe3: {  	_ =	swait.ge [sflag:s18], $0x500  }
0xe4: {  	[sflag:s18] =	ssyncset.done $0x0  }
0xe5: {  	[sflag:s18] =	ssyncadd.s32 $0xFFFFFB00  }
0xe6: {  	_ =	sfence.sel $0x180000  }
0xe7: {  	[bflag:$0x0] =	sbarrier.arrive $0xFFFF  }
0xe8: {  	_ =	strace $0x9000004A  }
0xe9: {  	s0 =	stileid.u32;
	[bflag:$0x2] =	sbarrier.arrive $0xFFFF  }
0xea: {  	p0 =	sne.s32 s0, $0x0;
	s0 =	rddreg [dreg:$0x4]  }
0xeb: {  	s0 =	sadd.s32 @!p0 $0x100000, s0  }
0xec: {  	[sflag:s0] =	ssyncadd.tile.s32 @!p0 $0x1;
	_ =	shalt  }
.Lfunc_end2:
_tile_overlayer_lowered:
.L_overlay_start_2:
0xed: {  	(tag) =	ssettag $0x2  }
0xee: {  	s0 =	rddreg [dreg:$0x0];
	s2 =	stileid.u32  }
0xef: {  	s1 =	rddreg [dreg:$0x1];
	p0 =	sne.s32 s2, $0x0  }
0xf0: {  	s3 =	rddreg [dreg:$0x2];
	[bflag:$0x3] =	sbarrier.arrive $0xFFFF;
	s2 =	simm.s32 @!p0 $0x1C02  }
0xf1: {  	[timem:s3], [sflag:s2] =	dma.local @!p0 [hbm:s0], s1  }
0xf2: {  	s0 =	simm.s32 @!p0 $0x2  }
0xf3: {  	_ =	swait.ge @!p0 [sflag:s0], s1  }
0xf4: {  	s1 =	ssub.s32 @!p0 $0x0, s1;
	[sflag:s0] =	ssyncset.done @!p0 $0x0  }
0xf5: {  	[sflag:s0] =	ssyncadd.s32 @!p0 s1  }
0xf6: {  	[bflag:$0x3] =	sbarrier.arrive $0xFFFF  }
0xf7: {  	_ =	shalt  }

// kernel: kernel.7.cloned.1.call-start
scs
__scs_entry_jumppad:
0x0: {  	(pc) =	sbr.rel $0x88, $3  }
0x1: {  	(tag) =	ssettag $0x0;
	lr =	simm.s32 $0x1  }
0x2: {  	[smem:$0x3F98] =	sst lr;
	_ =	strace $0xD0000000  }
0x3: {  	_ = 	snop  }
0x4: {  	_ = 	snop  }
0x5: {  	_ = 	snop  }
0x6: {  	_ = 	snop  }
0x7: {  	_ = 	snop  }
__scs_overlays_trampoline_lowered:
0x8: {  	[smem:$0x3FA7] =	sst s0  }
0x9: {  	[smem:$0x3FA8] =	sst s1  }
0xa: {  	[smem:$0x3FA9] =	sst s2  }
0xb: {  	[smem:$0x3FAA] =	sst s3  }
0xc: {  	[smem:$0x3FAB] =	sst s4  }
0xd: {  	[smem:$0x3FAC] =	sst s5  }
0xe: {  	[smem:$0x3FAD] =	sst s6  }
0xf: {  	[smem:$0x3FAE] =	sst s7  }
0x10: {  	[smem:$0x3FAF] =	sst s8  }
0x11: {  	[smem:$0x3FB0] =	sst s9;
	s0 =	simm.s32 @!p0 $0x0  }
0x12: {  	s1 =	sld [smem:$0x3F96];
	s0 =	simm.s32 @p0 $0x1  }
0x13: {  	[smem:$0x3FB1] =	sst s0;
	s0 =	simm.s32 @!p1 $0x0  }
0x14: {  	s2 =	sld [smem:$0x3F95];
	s0 =	simm.s32 @p1 $0x1  }
0x15: {  	[smem:$0x3FB2] =	sst s0;
	s0 =	simm.s32 @!p2 $0x0  }
0x16: {  	s3 =	sld [smem:$0x3FDB];
	s0 =	simm.s32 @p2 $0x1  }
0x17: {  	s4 =	simm.s32 $0x1BF5;
	[smem:$0x3FB4] =	sst s0  }
0x18: {  	s0 =	sld [smem:$0x3F97];
	_ =	swait.ge [sflag:s4], $0x0  }
0x19: {  	s7 =	sld [smem:$0x3F98]  }
0x1a: {  	s8 =	sadd.s32 $0xFFFFE003, lr  }
0x1b: {  	s9 =	sadd.s32 $0xFFFFFEF7, lr;
	s5 =	simm.s32 $0xFFFFFFFF;
	p2 =	slt.u32 s8, $0xFFFFF086  }
0x1c: {  	p1 =	slt.u32 s9, $0xF7A;
	s5 =	simm.s32 @!p2 $0x0  }
0x1d: {  	s5 =	simm.s32 @p1 $0x1;
	p0 =	seq.s32 s7, s2  }
0x1e: {  	s7 =	smul.u32 @!p0 $0xF7A, s2;
	p2 =	seq.s32 @!p0 s5, $0x0  }
0x1f: {  	s9 =	smul.u32 $0xF7A, s1;
	s8 =	simm.s32 @!p0 $0x1BF5;
	p2 =	por !p2, p0  }
0x20: {  	[sflag:s8] =	ssyncset.s32 @!p0 $0xFFFFF086;
	s6 =	sadd.s32 @!p0 s3, s7;
	s7 =	simm.s32 @!p0 $0x108  }
0x21: {  	s3 =	sadd.s32 s3, s9;
	s6 =	sadd.s32 @!p0 $0x88, s6;
	s7 =	simm.s32 @p2 $0x1082  }
0x22: {  	[simem:s7], [sflag:s8] =	dma.local @!p0 [hbm:s6], $0xF7A  }
0x23: {  	s9 =	sor.u32 $0xD0000000, s2;
	s6 =	simm.s32 $0x108;
	_ =	swait.ge @!p0 [sflag:s8], $0x0  }
0x24: {  	s3 =	sadd.s32 $0x88, s3;
	s6 =	simm.s32 @!p1 $0x1082;
	[sflag:s4] =	ssyncset.s32 $0xFFFFF086  }
0x25: {  	[simem:s6], [sflag:s4] =	dma.local [hbm:s3], $0xF7A  }
0x26: {  	[smem:$0x3F98] =	sst s1;
	(tag) =	ssettag s2;
	_ =	strace s9  }
0x27: {  	s1 =	sld [smem:$0x3FA8]  }
0x28: {  	s2 =	sld [smem:$0x3FA9]  }
0x29: {  	s4 =	sld [smem:$0x3FAB]  }
0x2a: {  	p0 =	seq.s32 s5, $0x0;
	s5 =	sld [smem:$0x3FAC]  }
0x2b: {  	s6 =	sld [smem:$0x3FAD]  }
0x2c: {  	s7 =	sld [smem:$0x3FAE]  }
0x2d: {  	s3 =	simm.s32 $0x108;
	s8 =	sld [smem:$0x3FAF]  }
0x2e: {  	s3 =	simm.s32 @!p0 $0x1082;
	s9 =	sld [smem:$0x3FB0]  }
0x2f: {  	lr =	sadd.s32 s0, s3;
	s0 =	sld [smem:$0x3FA7]  }
0x30: {  	s3 =	sld [smem:$0x3FAA]  }
0x31: {  	[smem:$0x3FB3] =	sst s10  }
0x32: {  	s10 =	sld [smem:$0x3FB1];
	_ =	sdelay $0x3  }
0x33: {  	p0 =	seq.s32 s10, $0x1;
	s10 =	sld [smem:$0x3FB3];
	_ =	sdelay $0x3  }
0x34: {  	[smem:$0x3FB3] =	sst s10  }
0x35: {  	s10 =	sld [smem:$0x3FB2];
	_ =	sdelay $0x3  }
0x36: {  	p1 =	seq.s32 s10, $0x1;
	s10 =	sld [smem:$0x3FB3];
	_ =	sdelay $0x3  }
0x37: {  	[smem:$0x3FB3] =	sst s10  }
0x38: {  	s10 =	sld [smem:$0x3FB4]  }
0x39: {  	_ = 	snop;
	(pc) =	sbr.ind lr, $3  }
0x3a: {  	_ = 	snop  }
0x3b: {  	_ = 	snop  }
0x3c: {  	p2 =	seq.s32 s10, $0x1;
	s10 =	sld [smem:$0x3FB3]  }
0x3d: {  	_ =	shalt  }
0x3e: {  	_ =	shalt  }
0x3f: {  	_ =	shalt  }
0x40: {  	_ =	shalt  }
0x41: {  	_ =	shalt  }
0x42: {  	_ =	shalt  }
0x43: {  	_ =	shalt  }
0x44: {  	_ =	shalt  }
0x45: {  	_ =	shalt  }
0x46: {  	_ =	shalt  }
0x47: {  	_ =	shalt  }
0x48: {  	_ =	shalt  }
0x49: {  	_ =	shalt  }
0x4a: {  	_ =	shalt  }
0x4b: {  	_ =	shalt  }
0x4c: {  	_ =	shalt  }
0x4d: {  	_ =	shalt  }
0x4e: {  	_ =	shalt  }
0x4f: {  	_ =	shalt  }
0x50: {  	_ =	shalt  }
0x51: {  	_ =	shalt  }
0x52: {  	_ =	shalt  }
0x53: {  	_ =	shalt  }
0x54: {  	_ =	shalt  }
0x55: {  	_ =	shalt  }
0x56: {  	_ =	shalt  }
0x57: {  	_ =	shalt  }
0x58: {  	_ =	shalt  }
0x59: {  	_ =	shalt  }
0x5a: {  	_ =	shalt  }
0x5b: {  	_ =	shalt  }
0x5c: {  	_ =	shalt  }
0x5d: {  	_ =	shalt  }
0x5e: {  	_ =	shalt  }
0x5f: {  	_ =	shalt  }
0x60: {  	_ =	shalt  }
0x61: {  	_ =	shalt  }
0x62: {  	_ =	shalt  }
0x63: {  	_ =	shalt  }
0x64: {  	_ =	shalt  }
0x65: {  	_ =	shalt  }
0x66: {  	_ =	shalt  }
0x67: {  	_ =	shalt  }
0x68: {  	_ =	shalt  }
0x69: {  	_ =	shalt  }
0x6a: {  	_ =	shalt  }
0x6b: {  	_ =	shalt  }
0x6c: {  	_ =	shalt  }
0x6d: {  	_ =	shalt  }
0x6e: {  	_ =	shalt  }
0x6f: {  	_ =	shalt  }
0x70: {  	_ =	shalt  }
0x71: {  	_ =	shalt  }
0x72: {  	_ =	shalt  }
0x73: {  	_ =	shalt  }
0x74: {  	_ =	shalt  }
0x75: {  	_ =	shalt  }
0x76: {  	_ =	shalt  }
0x77: {  	_ =	shalt  }
0x78: {  	_ =	shalt  }
0x79: {  	_ =	shalt  }
0x7a: {  	_ =	shalt  }
0x7b: {  	_ =	shalt  }
0x7c: {  	_ =	shalt  }
0x7d: {  	_ =	shalt  }
0x7e: {  	_ =	shalt  }
0x7f: {  	_ =	shalt  }
0x80: {  	_ =	shalt  }
0x81: {  	_ =	shalt  }
0x82: {  	_ =	shalt  }
0x83: {  	_ =	shalt  }
0x84: {  	_ =	shalt  }
0x85: {  	_ =	shalt  }
0x86: {  	_ =	shalt  }
0x87: {  	_ =	shalt  }
.Lfunc_end0:
.L_simem_size_0:
called_computation_lowered:
.L_overlay_start_0:
0x88: {  	s2 =	sld [smem:$0x3FD9]  }
0x89: {  	s3 =	sld [smem:$0x3FFE];
	_ =	sdelay $0x1  }
0x8a: {  	s1 =	srdreg.scid  }
0x8b: {  	s0 =	sand.u32 $0x1, s1  }
0x8c: {  	s17 =	sshll.u32 s0, $0xA;
	s2 =	sadd.s32 s3, s2  }
0x8d: {  	s2 =	sadd.s32 s2, s17  }
0x8e: {  	[smem:$0x3FBF] =	sst s2  }
0x8f: {  	_ = 	snop  }
0x90: {  	s2 =	sld [smem:$0x3FD0];
	(tm) =	ssettm $0x1  }
0x91: {  	s18 =	sld [smem:$0x3FFB];
	_ =	sdelay $0x3  }
0x92: {  	_ =	strace s18  }
0x93: {  	s3 =	sld [smem:$0x3FFC];
	_ =	sdelay $0x3  }
0x94: {  	_ =	strace s3  }
0x95: {  	s3 =	sld [smem:$0x3FFD];
	_ =	sdelay $0x3  }
0x96: {  	_ =	strace s3  }
0x97: {  	_ =	strace $0x8FFFFFFF  }
0x98: {  	s19 =	sld [smem:$0x3FDB];
	_ =	sdelay $0x1  }
0x99: {  	s4 =	simm.s32 $_scs_section_size  }
0x9a: {  	s5 =	simm.s32 $_size__tile_overlayer_lowered;
	s6 =	simm.s32 $_tile_overlayer_lowered  }
0x9b: {  	s22 =	simm.s32 $0x1BFF;
	s21 =	sshll.u32 s6, $0x1;
	s3 =	sadd.s32 s4, s19  }
0x9c: {  	s7 =	simm.s32 $0x0;
	s20 =	sshll.u32 s5, $0x1;
	s5 =	sadd.s32 s21, s3  }
0x9d: {  	[timem:s7], [sflag:s22] =	dma.local [hbm:s5], s20  }
0x9e: {  	_ =	swait.ge [sflag:s22], s20  }
0x9f: {  	s4 =	ssub.s32 $0x0, s20;
	[sflag:s22] =	ssyncset.done $0x0  }
0xa0: {  	[sflag:s22] =	ssyncadd.s32 s4;
	_ =	sdelay $0x1  }
0xa1: {  	s23 =	simm.s32 $0x1B8B  }
0xa2: {  	_ =	swait.ge [sflag:s23], $0x1  }
0xa3: {  	[sflag:s23] =	ssyncset.done $0x0  }
0xa4: {  	s25 =	simm.s32 $0x1B8E;
	s24 =	sld [smem:$0x3FFE];
	[sflag:s23] =	ssyncadd.s32 $0xFFFFFFFF  }
0xa5: {  	s26 =	simm.s32 $execute0_lowered;
	[smem:$0x3FD2] =	sst s25  }
0xa6: {  	s5 =	sshll.u32 s26, $0x1;
	_ =	strace $0x80000046;
	[dreg:$0x1] =	wrdreg $0xFFFFFFFF  }
0xa7: {  	s28 =	simm.s32 $_size_execute0_lowered;
	s3 =	sadd.s32 s3, s5;
	[dreg:$0x0] =	wrdreg $0x0  }
0xa8: {  	s5 =	sshll.u32 s28, $0x1;
	[dreg:$0x2] =	wrdreg s3  }
0xa9: {  	[dreg:$0x3] =	wrdreg s5  }
0xaa: {  	[dreg:$0x4] =	wrdreg $0xC0  }
0xab: {  	_ =	task [dreg:s7], $0x5FFFF  }
0xac: {  	[dreg:$0x1] =	wrdreg $0xFFFFFFFF  }
0xad: {  	[dreg:$0x0] =	wrdreg $0x60  }
0xae: {  	[dreg:$0x2] =	wrdreg s2  }
0xaf: {  	[dreg:$0x3] =	wrdreg s24  }
0xb0: {  	[dreg:$0x4] =	wrdreg $0x24000  }
0xb1: {  	[dreg:$0x5] =	wrdreg $0x4C000  }
0xb2: {  	[dreg:$0x6] =	wrdreg $0x74000  }
0xb3: {  	[dreg:$0x7] =	wrdreg $0x9  }
0xb4: {  	_ =	task.clear_ibuf [dreg:s7], $0x8FFFF;
	_ =	strace $0x90000046  }
0xb5: {  	s29 =	simm.s32 $0x9;
	_ =	strace $0x80000048  }
0xb6: {  	_ =	swait.ge [sflag:s29], $0x1  }
0xb7: {  	[sflag:s29] =	ssyncadd.s32 $0xFFFFFFFF  }
0xb8: {  	_ =	strace $0x90000048  }
0xb9: {  	_ =	sfence  }
0xba: {  	s30 =	sld [smem:$0x0];
	_ =	sdelay $0x2  }
0xbb: {  	s31 =	sshll.u32 s1, $0xD;
	s1 =	sshrl.u32 s1, $0x2  }
0xbc: {  	s3 =	sand.u32 $0x4000, s31;
	s1 =	sadd.s32 s1, s30  }
0xbd: {  	s0 =	sor.u32 s3, s0;
	s1 =	sshll.u32 s1, $0x11  }
0xbe: {  	s0 =	sor.u32 s1, s0  }
0xbf: {  	s0 =	sadd.s32 $0x8F2B, s0  }
0xc0: {  	[sflag:s0] =	ssyncadd.remote.s32 $0x1  }
0xc1: {  	_ =	sfence.sel $0xFFFF  }
0xc2: {  	[dreg:$0x0] =	wrdreg $0xFFFFFFFF;
	(pc) =	sbr.abs _section_cstart, $3  }
0xc3: {  	[dreg:$0x1] =	wrdreg $0xFFFFFFFF  }
0xc4: {  	_ =	task.clear_ibuf [dreg:s7], $0x2FFFF;
	_ =	strace $0x9FFFFFFF  }
0xc5: {  	(tm) =	ssettm $0x7FFFFFFF  }
tec
execute0_lowered:
.L_overlay_start_1:
0x0: {  	(tag) =	ssettag $0x1  }
0x1: {  	s0 =	rddreg [dreg:$0x0]  }
0x2: {  	s4 =	rddreg [dreg:$0x1]  }
0x3: {  	s1 =	rddreg [dreg:$0x2]  }
0x4: {  	s2 =	rddreg [dreg:$0x3]  }
0x5: {  	s3 =	rddreg [dreg:$0x4]  }
0x6: {  	s5 =	simm.s32 $0x0;
	s18 =	stileid.u32;
	s8 =	srdreg.scid  }
0x7: {  	s28 =	simm.s32 $0x1400;
	s29 =	simm.s32 $0x3;
	s9 =	smul.u32 $0x2800, s18  }
0x8: {  	[smem:$0x7FF] =	sst s5;
	s6 =	sadd.s32 $0xB200, s4;
	s10 =	smul.u32 $0x5000, s18  }
0x9: {  	s7 =	sadd.s32 $0x6200, s4;
	s11 =	sand.u32 $0x1, s8;
	s14 =	smul.u32 $0x280, s18  }
0xa: {  	s8 =	sadd.s32 $0x1200, s4;
	s21 =	sshll.u32 s18, $0x6;
	_ =	strace $0x80000047  }
0xb: {  	s13 =	sshll.u32 s11, $0x7;
	s15 =	ssub.s32 $0x2, s11;
	p0 =	sne.s32 s11, $0x0  }
0xc: {  	s11 =	simm.s32 $0x20;
	s12 =	sshrl.u32 s9, $0x3;
	s10 =	sor.u32 s13, s10  }
0xd: {  	s19 =	sshrl.u32 s14, $0x3;
	s20 =	sshrl.u32 s15, $0x1;
	s17 =	sadd.s32 s9, s1  }
0xe: {  	s22 =	sadd.s32 s9, s2;
	s24 =	sadd.s32 s14, s3;
	s9 =	simm.s32 $0x10  }
0xf: {  	s12 =	sadd.s32 s12, s4;
	s10 =	sshrl.u32 s10, $0x3;
	[dreg:$0x7] =	wrdreg s22  }
0x10: {  	s13 =	ssub.s32 s15, s20;
	[dreg:$0x9] =	wrdreg s24;
	s15 =	smul.u32 $0xA, s18  }
0x11: {  	s20 =	simm.s32 $0x1;
	s24 =	simm.s32 $0x800;
	s0 =	sadd.s32 s0, s10  }
0x12: {  	s16 =	sadd.s32 s10, s4;
	s23 =	sadd.s32 $0x10800, s12;
	[dreg:$0x6] =	wrdreg s0  }
0x13: {  	s4 =	sadd.s32 s19, s4;
	s31 =	smax.u32 s13, $0x1;
	[dreg:$0x8] =	wrdreg s23  }
0x14: {  	s10 =	sor.u32 $0x1C02, s21;
	s25 =	sadd.s32 $0x10200, s4;
	[dreg:$0xd] =	wrdreg s31  }
0x15: {  	s19 =	sshrl.u32 s17, $0x3;
	s26 =	sadd.s32 $0x15E00, s16;
	[dreg:$0xa] =	wrdreg s25  }
0x16: {  	s30 =	sadd.s32 $0x15800, s4;
	s23 =	simm.s32 $0x2;
	[dreg:$0xb] =	wrdreg s26  }
0x17: {  	[dreg:$0xc] =	wrdreg s30;
	s25 =	simm.s32 $0xC00;
	s26 =	simm.s32 $0x1C00  }
.LBB2_1:
0x18: {  	s0 =	rddreg [dreg:$0x6]  }
0x19: {  	[spmem:s19@s9], [sflag:s10] =	dma.strided [hbm:s0@s11], $0x500, s20, $0x10   }
0x1a: {  	_ =	swait.ge [sflag:s23], $0x500  }
0x1b: {  	[sflag:s23] =	ssyncset.done $0x0;
	s21 =	rddreg [dreg:$0x7]  }
0x1c: {  	s22 =	rddreg [dreg:$0x8];
	[sflag:s23] =	ssyncadd.s32 $0xFFFFFB00;
	s30 =	sshrl.u32 s21, $0x3  }
0x1d: {  	[spmem:s30], [sflag:s10] =	dma.local [hbm:s22], $0x500  }
0x1e: {  	_ =	swait.ge [sflag:s23], $0x500  }
0x1f: {  	[sflag:s23] =	ssyncset.done $0x0;
	s0 =	rddreg [dreg:$0x9]  }
0x20: {  	[sflag:s23] =	ssyncadd.s32 $0xFFFFFB00;
	s31 =	sshrl.u32 @!p0 s0, $0x3;
	s0 =	rddreg [dreg:$0xa]  }
0x21: {  	[spmem:s31], [sflag:s10] =	dma.local @!p0 [hbm:s0], $0x50  }
0x22: {  	s0 =	simm.s32 @!p0 $0x2  }
0x23: {  	_ =	swait.ge @!p0 [sflag:s0], $0x50  }
0x24: {  	[sflag:s0] =	ssyncset.done @!p0 $0x0  }
0x25: {  	[sflag:s0] =	ssyncadd.s32 @!p0 $0xFFFFFFB0  }
0x26: {  	s0 =	simm.s32 $0x0;
	[bflag:$0x0] =	sbarrier.arrive $0xFFFF  }
.LBB2_2:
0x27: {  	s4 =	sadd.s32 s15, s0  }
0x28: {  	s11 =	sshll.u32 s4, $0x7  }
0x29: {  	s4 =	simm.s32 $0x0;
	s9 =	sadd.s32 s6, s11  }
0x2a: {  	[tilespmem:s4], [sflag:$0x2] =	stream.linear.gather [hbm4b:s9+s4], $0x400, $0x38;
	[tilespmem:$0x7680] =	vst v63  }
0x2b: {  	_ =	swait.ge [sflag:s23], $0x400  }
0x2c: {  	[sflag:s23] =	ssyncset.done $0x0  }
0x2d: {  	s12 =	sadd.s32 s7, s11;
	s9 =	simm.s32 $0x400;
	[sflag:s23] =	ssyncadd.s32 $0xFFFFFC00  }
0x2e: {  	[tilespmem:s9], [sflag:$0x2] =	stream.linear.gather [hbm4b:s12+s4], $0x400, $0x38;
	[tilespmem:$0x7680] =	vst v63  }
0x2f: {  	_ =	swait.ge [sflag:s23], $0x400  }
0x30: {  	[sflag:s23] =	ssyncset.done $0x0  }
0x31: {  	s22 =	sadd.s32 s8, s11;
	s11 =	simm.s32 $0x800;
	[sflag:s23] =	ssyncadd.s32 $0xFFFFFC00  }
0x32: {  	[tilespmem:s11], [sflag:$0x2] =	stream.linear.gather [hbm4b:s22+s4], $0x400, $0x38;
	[tilespmem:$0x7680] =	vst v63  }
0x33: {  	_ =	swait.ge [sflag:s23], $0x400  }
0x34: {  	[sflag:s23] =	ssyncset.done $0x0  }
0x35: {  	s12 =	simm.s32 $0x0;
	[sflag:s23] =	ssyncadd.s32 $0xFFFFFC00  }
.LBB2_3:
0x36: {  	v0 =	vmov s4  }
0x37: {  	v1 =	vmov s9;
	_ =	sdelay $0x2  }
0x38: {  	s13 =	simm.s32 $0x0  }
0x39: {  	v2 =	vld.idx.msk [tilespmem:v0+s13+$0x0 ss:$0x1], $0xffff  }
0x3a: {  	v3 =	vld.idx.msk [tilespmem:v1+s13+$0x0 ss:$0x1], $0xffff;
	_ =	sdelay $0x3  }
0x3b: {  	s17 =	simm.s32 $0xC80;
	v2 =	vshll.u32 v2, $0x4  }
0x3c: {  	s14 =	simm.s32 $0x1480;
	v3 =	vshll.u32 v3, $0x4;
	[tilespmem:s17+$0xFFFFFF80] =	vst v2  }
0x3d: {  	v4 =	vor.u32 $0x1, v2;
	[tilespmem:s14+$0xFFFFFF80] =	vst v3  }
0x3e: {  	v37 =	vor.u32 $0x1, v3;
	[tilespmem:s17+$0xFFFFFF90] =	vst v4  }
0x3f: {  	v38 =	vor.u32 $0x2, v2;
	[tilespmem:s14+$0xFFFFFF90] =	vst v37  }
0x40: {  	v39 =	vor.u32 $0x2, v3;
	[tilespmem:s17+$0xFFFFFFA0] =	vst v38  }
0x41: {  	v40 =	vor.u32 $0x3, v2;
	[tilespmem:s14+$0xFFFFFFA0] =	vst v39  }
0x42: {  	v41 =	vor.u32 $0x3, v3;
	[tilespmem:s17+$0xFFFFFFB0] =	vst v40  }
0x43: {  	v42 =	vor.u32 $0x4, v2;
	[tilespmem:s14+$0xFFFFFFB0] =	vst v41  }
0x44: {  	v43 =	vor.u32 $0x4, v3;
	[tilespmem:s17+$0xFFFFFFC0] =	vst v42  }
0x45: {  	v44 =	vor.u32 $0x5, v2;
	[tilespmem:s14+$0xFFFFFFC0] =	vst v43  }
0x46: {  	v45 =	vor.u32 $0x5, v3;
	[tilespmem:s17+$0xFFFFFFD0] =	vst v44  }
0x47: {  	v46 =	vor.u32 $0x6, v2;
	[tilespmem:s14+$0xFFFFFFD0] =	vst v45  }
0x48: {  	v47 =	vor.u32 $0x6, v3;
	[tilespmem:s17+$0xFFFFFFE0] =	vst v46  }
0x49: {  	v48 =	vor.u32 $0x7, v2;
	[tilespmem:s14+$0xFFFFFFE0] =	vst v47  }
0x4a: {  	v49 =	vor.u32 $0x7, v3;
	[tilespmem:s17+$0xFFFFFFF0] =	vst v48  }
0x4b: {  	v50 =	vor.u32 $0x8, v2;
	[tilespmem:s14+$0xFFFFFFF0] =	vst v49  }
0x4c: {  	v51 =	vor.u32 $0x8, v3;
	[tilespmem:s17+$0x0] =	vst v50  }
0x4d: {  	v52 =	vor.u32 $0x9, v2;
	[tilespmem:s14+$0x0] =	vst v51  }
0x4e: {  	v53 =	vor.u32 $0x9, v3;
	[tilespmem:s17+$0x10] =	vst v52  }
0x4f: {  	v54 =	vor.u32 $0xA, v2;
	[tilespmem:s14+$0x10] =	vst v53  }
0x50: {  	v55 =	vor.u32 $0xA, v3;
	[tilespmem:s17+$0x20] =	vst v54  }
0x51: {  	v56 =	vor.u32 $0xB, v2;
	[tilespmem:s14+$0x20] =	vst v55  }
0x52: {  	v57 =	vor.u32 $0xB, v3;
	[tilespmem:s17+$0x30] =	vst v56  }
0x53: {  	v58 =	vor.u32 $0xC, v2;
	[tilespmem:s14+$0x30] =	vst v57  }
0x54: {  	v59 =	vor.u32 $0xC, v3;
	[tilespmem:s17+$0x40] =	vst v58  }
0x55: {  	v60 =	vor.u32 $0xD, v2;
	[tilespmem:s14+$0x40] =	vst v59  }
0x56: {  	v61 =	vor.u32 $0xD, v3;
	[tilespmem:s17+$0x50] =	vst v60  }
0x57: {  	v62 =	vor.u32 $0xE, v2;
	[tilespmem:s14+$0x50] =	vst v61  }
0x58: {  	v63 =	vor.u32 $0xE, v3;
	[tilespmem:s17+$0x60] =	vst v62  }
0x59: {  	s22 =	simm.s32 $0x40;
	v2 =	vor.u32 $0xF, v2;
	[tilespmem:s14+$0x60] =	vst v63  }
0x5a: {  	s16 =	simm.s32 $0x80;
	s21 =	simm.s32 $0xD80;
	s13 =	sshll.u32 s12, $0x7;
	[tilespmem:s17+$0x70] =	vst v2;
	v2 =	vor.u32 $0xF, v3  }
.LBB2_4:
0x5b: {  	s18 =	sshra.s32 s22, $0x2  }
0x5c: {  	[tilespmem:s14+$0x70] =	vst v2;
	s14 =	sadd.s32 $0x100, s14;
	s22 =	smov.u32 s16;
	s17 =	sadd.s32 $0x40, s16  }
0x5d: {  	p1 =	sne.s32 s16, $0x1C0;
	v2 =	vld.idx.msk [tilespmem:v0+s18+$0x0 ss:$0x1], $0xffff  }
0x5e: {  	v3 =	vld.idx.msk [tilespmem:v1+s18+$0x0 ss:$0x1], $0xffff;
	_ =	sdelay $0x4  }
0x5f: {  	v2 =	vshll.u32 v2, $0x4  }
0x60: {  	v3 =	vshll.u32 v3, $0x4;
	[tilespmem:s21+$0xFFFFFF80] =	vst v2  }
0x61: {  	v4 =	vor.u32 $0x1, v2;
	[tilespmem:s14+$0xFFFFFF80] =	vst v3  }
0x62: {  	[tilespmem:s21+$0xFFFFFF90] =	vst v4;
	v4 =	vor.u32 $0x1, v3  }
0x63: {  	[tilespmem:s14+$0xFFFFFF90] =	vst v4;
	v4 =	vor.u32 $0x2, v2  }
0x64: {  	[tilespmem:s21+$0xFFFFFFA0] =	vst v4;
	v4 =	vor.u32 $0x2, v3  }
0x65: {  	[tilespmem:s14+$0xFFFFFFA0] =	vst v4;
	v4 =	vor.u32 $0x3, v2  }
0x66: {  	[tilespmem:s21+$0xFFFFFFB0] =	vst v4;
	v4 =	vor.u32 $0x3, v3  }
0x67: {  	[tilespmem:s14+$0xFFFFFFB0] =	vst v4;
	v4 =	vor.u32 $0x4, v2  }
0x68: {  	[tilespmem:s21+$0xFFFFFFC0] =	vst v4;
	v4 =	vor.u32 $0x4, v3  }
0x69: {  	[tilespmem:s14+$0xFFFFFFC0] =	vst v4;
	v4 =	vor.u32 $0x5, v2  }
0x6a: {  	[tilespmem:s21+$0xFFFFFFD0] =	vst v4;
	v4 =	vor.u32 $0x5, v3  }
0x6b: {  	[tilespmem:s14+$0xFFFFFFD0] =	vst v4;
	v4 =	vor.u32 $0x6, v2  }
0x6c: {  	[tilespmem:s21+$0xFFFFFFE0] =	vst v4;
	v4 =	vor.u32 $0x6, v3  }
0x6d: {  	[tilespmem:s14+$0xFFFFFFE0] =	vst v4;
	v4 =	vor.u32 $0x7, v2  }
0x6e: {  	[tilespmem:s21+$0xFFFFFFF0] =	vst v4;
	v4 =	vor.u32 $0x7, v3  }
0x6f: {  	[tilespmem:s14+$0xFFFFFFF0] =	vst v4;
	v4 =	vor.u32 $0x8, v2  }
0x70: {  	[tilespmem:s21+$0x0] =	vst v4;
	v4 =	vor.u32 $0x8, v3  }
0x71: {  	[tilespmem:s14+$0x0] =	vst v4;
	v4 =	vor.u32 $0x9, v2  }
0x72: {  	[tilespmem:s21+$0x10] =	vst v4;
	v4 =	vor.u32 $0x9, v3  }
0x73: {  	[tilespmem:s14+$0x10] =	vst v4;
	v4 =	vor.u32 $0xA, v2  }
0x74: {  	[tilespmem:s21+$0x20] =	vst v4;
	v4 =	vor.u32 $0xA, v3  }
0x75: {  	[tilespmem:s14+$0x20] =	vst v4;
	v4 =	vor.u32 $0xB, v2  }
0x76: {  	[tilespmem:s21+$0x30] =	vst v4;
	v4 =	vor.u32 $0xB, v3  }
0x77: {  	[tilespmem:s14+$0x30] =	vst v4;
	v4 =	vor.u32 $0xC, v2  }
0x78: {  	[tilespmem:s21+$0x40] =	vst v4;
	v4 =	vor.u32 $0xC, v3  }
0x79: {  	[tilespmem:s14+$0x40] =	vst v4;
	v4 =	vor.u32 $0xD, v2  }
.Ltmp0:
0x7a: {  	[tilespmem:s21+$0x50] =	vst v4;
	v4 =	vor.u32 $0xD, v3;
	(pc) =	sbr.rel @p1 .LBB2_4-.Ltmp0, $4  }
0x7b: {  	[tilespmem:s14+$0x50] =	vst v4;
	v4 =	vor.u32 $0xE, v2  }
0x7c: {  	[tilespmem:s21+$0x60] =	vst v4;
	v4 =	vor.u32 $0xE, v3  }
0x7d: {  	v2 =	vor.u32 $0xF, v2;
	[tilespmem:s14+$0x60] =	vst v4  }
0x7e: {  	s16 =	smov.u32 s17;
	[tilespmem:s21+$0x70] =	vst v2;
	v2 =	vor.u32 $0xF, v3;
	s21 =	sadd.s32 $0x100, s21  }
0x7f: {  	_ =	sdelay $0x2  }
0x80: {  	s16 =	sshra.s32 s22, $0x2;
	[tilespmem:s14+$0x70] =	vst v2  }
0x81: {  	v0 =	vld.idx.msk [tilespmem:v0+s16+$0x0 ss:$0x1], $0xffff  }
0x82: {  	v1 =	vld.idx.msk [tilespmem:v1+s16+$0x0 ss:$0x1], $0xffff;
	_ =	sdelay $0x3  }
0x83: {  	v0 =	vshll.u32 v0, $0x4  }
0x84: {  	s18 =	sadd.s32 $0x100, s14;
	v1 =	vshll.u32 v1, $0x4;
	[tilespmem:s21+$0xFFFFFF80] =	vst v0  }
0x85: {  	v2 =	vor.u32 $0x1, v0;
	[tilespmem:s18+$0xFFFFFF80] =	vst v1  }
0x86: {  	[tilespmem:s21+$0xFFFFFF90] =	vst v2;
	v2 =	vor.u32 $0x1, v1  }
0x87: {  	[tilespmem:s18+$0xFFFFFF90] =	vst v2;
	v2 =	vor.u32 $0x2, v0  }
0x88: {  	[tilespmem:s21+$0xFFFFFFA0] =	vst v2;
	v2 =	vor.u32 $0x2, v1  }
0x89: {  	[tilespmem:s18+$0xFFFFFFA0] =	vst v2;
	v2 =	vor.u32 $0x3, v0  }
0x8a: {  	[tilespmem:s21+$0xFFFFFFB0] =	vst v2;
	v2 =	vor.u32 $0x3, v1  }
0x8b: {  	[tilespmem:s18+$0xFFFFFFB0] =	vst v2;
	v2 =	vor.u32 $0x4, v0  }
0x8c: {  	[tilespmem:s21+$0xFFFFFFC0] =	vst v2;
	v2 =	vor.u32 $0x4, v1  }
0x8d: {  	[tilespmem:s18+$0xFFFFFFC0] =	vst v2;
	v2 =	vor.u32 $0x5, v0  }
0x8e: {  	[tilespmem:s21+$0xFFFFFFD0] =	vst v2;
	v2 =	vor.u32 $0x5, v1  }
0x8f: {  	[tilespmem:s18+$0xFFFFFFD0] =	vst v2;
	v2 =	vor.u32 $0x6, v0  }
0x90: {  	[tilespmem:s21+$0xFFFFFFE0] =	vst v2;
	v2 =	vor.u32 $0x6, v1  }
0x91: {  	[tilespmem:s18+$0xFFFFFFE0] =	vst v2;
	v2 =	vor.u32 $0x7, v0  }
0x92: {  	[tilespmem:s21+$0xFFFFFFF0] =	vst v2;
	v2 =	vor.u32 $0x7, v1  }
0x93: {  	[tilespmem:s18+$0xFFFFFFF0] =	vst v2;
	v2 =	vor.u32 $0x8, v0  }
0x94: {  	[tilespmem:s21+$0x0] =	vst v2;
	v2 =	vor.u32 $0x8, v1  }
0x95: {  	[tilespmem:s18+$0x0] =	vst v2;
	v2 =	vor.u32 $0x9, v0  }
0x96: {  	[tilespmem:s21+$0x10] =	vst v2;
	v2 =	vor.u32 $0x9, v1  }
0x97: {  	[tilespmem:s18+$0x10] =	vst v2;
	v2 =	vor.u32 $0xA, v0  }
0x98: {  	[tilespmem:s21+$0x20] =	vst v2;
	v2 =	vor.u32 $0xA, v1  }
0x99: {  	[tilespmem:s18+$0x20] =	vst v2;
	v2 =	vor.u32 $0xB, v0  }
0x9a: {  	[tilespmem:s21+$0x30] =	vst v2;
	v2 =	vor.u32 $0xB, v1  }
0x9b: {  	[tilespmem:s18+$0x30] =	vst v2;
	v2 =	vor.u32 $0xC, v0  }
0x9c: {  	[tilespmem:s21+$0x40] =	vst v2;
	v2 =	vor.u32 $0xC, v1  }
0x9d: {  	[tilespmem:s18+$0x40] =	vst v2;
	v2 =	vor.u32 $0xD, v0  }
0x9e: {  	[tilespmem:s21+$0x50] =	vst v2;
	v2 =	vor.u32 $0xD, v1  }
0x9f: {  	[tilespmem:s18+$0x50] =	vst v2;
	v2 =	vor.u32 $0xE, v0  }
0xa0: {  	[tilespmem:s21+$0x60] =	vst v2;
	v2 =	vor.u32 $0xE, v1  }
0xa1: {  	v0 =	vor.u32 $0xF, v0;
	[tilespmem:s18+$0x60] =	vst v2  }
0xa2: {  	[tilespmem:s21+$0x70] =	vst v0;
	v0 =	vor.u32 $0xF, v1  }
0xa3: {  	[tilespmem:s18+$0x70] =	vst v0  }
0xa4: {  	[tilespmem:s26], [sflag:$0x1] =	stream.indirect.gather [spmem:s1], $0x1, s25, s24, $0xb8;
	[tilespmem:$0x7680] =	vst v63  }
0xa5: {  	_ =	swait.ge [sflag:s20], $0x800  }
0xa6: {  	[sflag:s20] =	ssyncset.done $0x0  }
0xa7: {  	s14 =	simm.s32 $0x1C80;
	[sflag:s20] =	ssyncadd.s32 $0xFFFFF800  }
0xa8: {  	v0 =	vld [tilespmem:s14+$0xFFFFFFF0]  }
0xa9: {  	v13 =	vld [tilespmem:s14+$0x70]  }
0xaa: {  	v1 =	vld [tilespmem:s14+$0x60]  }
0xab: {  	v2 =	vld [tilespmem:s14+$0x20]  }
0xac: {  	v3 =	vmov s11;
	v5 =	vld [tilespmem:s14+$0x10]  }
0xad: {  	v8 =	vld [tilespmem:s14+$0x30]  }
0xae: {  	v16 =	vld [tilespmem:s14+$0x50]  }
0xaf: {  	v9 =	vld [tilespmem:s14+$0xFFFFFF80]  }
0xb0: {  	s22 =	simm.s32 $0x0;
	v7 =	vld [tilespmem:s14+$0x0]  }
0xb1: {  	v4 =	vld.idx.msk [tilespmem:v3+s22+$0x0 ss:$0x1], $0xffff  }
0xb2: {  	v14 =	vld [tilespmem:s14+$0xFFFFFFA0]  }
0xb3: {  	v6 =	vld [tilespmem:s14+$0xFFFFFFD0]  }
0xb4: {  	v12 =	vld [tilespmem:s14+$0xFFFFFF90]  }
0xb5: {  	v10 =	vld [tilespmem:s14+$0xFFFFFFB0]  }
0xb6: {  	v11 =	vld [tilespmem:s14+$0x40]  }
0xb7: {  	v15 =	vmul.f32 v9, v4;
	v9 =	vld [tilespmem:s14+$0xFFFFFFC0];
	v17 =	vmul.f32 v13, v4  }
0xb8: {  	s16 =	simm.s32 $0x40;
	s21 =	simm.s32 $0x1C80;
	v13 =	vmul.f32 v14, v4;
	v14 =	vld [tilespmem:s14+$0xFFFFFFE0];
	v16 =	vmul.f32 v16, v4  }
.LBB2_6:
0xb9: {  	p1 =	sne.s32 s16, $0x1C0  }
0xba: {  	v12 =	vmul.f32 v12, v4;
	v8 =	vmul.f32 v8, v4;
	[tilespmem:s14+$0x70] =	vst v17;
	s21 =	sadd.s32 $0x100, s21;
	s17 =	smov.u32 s16;
	s16 =	sadd.s32 $0x40, s16  }
0xbb: {  	v5 =	vmul.f32 v5, v4;
	[tilespmem:s14+$0xFFFFFF80] =	vst v15;
	v10 =	vmul.f32 v10, v4  }
0xbc: {  	v7 =	vmul.f32 v7, v4;
	v11 =	vmul.f32 v11, v4;
	[tilespmem:s14+$0x50] =	vst v16  }
0xbd: {  	v6 =	vmul.f32 v6, v4;
	v9 =	vmul.f32 v9, v4;
	[tilespmem:s14+$0x30] =	vst v8  }
0xbe: {  	v8 =	vmul.f32 v14, v4;
	v14 =	vmul.f32 v0, v4;
	[tilespmem:s14+$0x10] =	vst v5  }
0xbf: {  	v2 =	vmul.f32 v2, v4;
	v1 =	vmul.f32 v1, v4;
	[tilespmem:s14+$0xFFFFFFA0] =	vst v13  }
0xc0: {  	[tilespmem:s14+$0x0] =	vst v7  }
0xc1: {  	v0 =	vld [tilespmem:s21+$0xFFFFFFF0];
	[tilespmem:s14+$0xFFFFFFE0] =	vst v8  }
0xc2: {  	v13 =	vld [tilespmem:s21+$0x70];
	[tilespmem:s14+$0x60] =	vst v1  }
0xc3: {  	v1 =	vld [tilespmem:s21+$0x60];
	[tilespmem:s14+$0x20] =	vst v2  }
0xc4: {  	v2 =	vld [tilespmem:s21+$0x20];
	[tilespmem:s14+$0xFFFFFFD0] =	vst v6  }
0xc5: {  	v5 =	vld [tilespmem:s21+$0x10];
	[tilespmem:s14+$0xFFFFFF90] =	vst v12  }
0xc6: {  	v8 =	vld [tilespmem:s21+$0x30];
	[tilespmem:s14+$0xFFFFFFF0] =	vst v14  }
0xc7: {  	v16 =	vld [tilespmem:s21+$0x50];
	[tilespmem:s14+$0x40] =	vst v11  }
0xc8: {  	v14 =	vld [tilespmem:s21+$0xFFFFFF80];
	[tilespmem:s14+$0xFFFFFFB0] =	vst v10  }
0xc9: {  	s17 =	sshra.s32 s17, $0x2;
	v7 =	vld [tilespmem:s21+$0x0];
	[tilespmem:s14+$0xFFFFFFC0] =	vst v9;
	s14 =	smov.u32 s21  }
0xca: {  	v4 =	vld.idx.msk [tilespmem:v3+s17+$0x0 ss:$0x1], $0xffff  }
0xcb: {  	v18 =	vld [tilespmem:s21+$0xFFFFFFA0]  }
0xcc: {  	v6 =	vld [tilespmem:s21+$0xFFFFFFD0]  }
.Ltmp1:
0xcd: {  	v12 =	vld [tilespmem:s21+$0xFFFFFF90];
	(pc) =	sbr.rel @p1 .LBB2_6-.Ltmp1, $4  }
0xce: {  	v10 =	vld [tilespmem:s21+$0xFFFFFFB0]  }
0xcf: {  	v11 =	vld [tilespmem:s21+$0x40]  }
0xd0: {  	v15 =	vmul.f32 v14, v4;
	v17 =	vmul.f32 v13, v4;
	v9 =	vld [tilespmem:s21+$0xFFFFFFC0]  }
0xd1: {  	v16 =	vmul.f32 v16, v4;
	v13 =	vmul.f32 v18, v4;
	v14 =	vld [tilespmem:s21+$0xFFFFFFE0]  }
0xd2: {  	[tilespmem:s14+$0x70] =	vst v17  }
0xd3: {  	[tilespmem:s14+$0xFFFFFF80] =	vst v15  }
0xd4: {  	v3 =	vmul.f32 v8, v4;
	[tilespmem:s14+$0x50] =	vst v16  }
0xd5: {  	v5 =	vmul.f32 v5, v4;
	[tilespmem:s14+$0xFFFFFFA0] =	vst v13  }
0xd6: {  	v57 =	vmul.f32 v7, v4;
	[tilespmem:s14+$0x30] =	vst v3  }
0xd7: {  	v1 =	vmul.f32 v1, v4;
	[tilespmem:s14+$0x10] =	vst v5  }
0xd8: {  	v2 =	vmul.f32 v2, v4;
	[tilespmem:s14+$0x0] =	vst v57  }
0xd9: {  	v59 =	vmul.f32 v6, v4;
	[tilespmem:s14+$0x60] =	vst v1  }
0xda: {  	v60 =	vmul.f32 v12, v4;
	[tilespmem:s14+$0x20] =	vst v2  }
0xdb: {  	v0 =	vmul.f32 v0, v4;
	[tilespmem:s14+$0xFFFFFFD0] =	vst v59  }
0xdc: {  	v62 =	vmul.f32 v10, v4;
	[tilespmem:s14+$0xFFFFFF90] =	vst v60  }
0xdd: {  	v61 =	vmul.f32 v11, v4;
	[tilespmem:s14+$0xFFFFFFF0] =	vst v0  }
0xde: {  	v63 =	vmul.f32 v9, v4;
	[tilespmem:s14+$0xFFFFFFB0] =	vst v62  }
0xdf: {  	v58 =	vmul.f32 v14, v4;
	[tilespmem:s14+$0x40] =	vst v61  }
0xe0: {  	[tilespmem:s14+$0xFFFFFFC0] =	vst v63  }
0xe1: {  	[tilespmem:s14+$0xFFFFFFE0] =	vst v58  }
0xe2: {  	[spmem:s2] =	stream.indirect.scatter.add.f32 [tilespmem:s26], [sflag:$0x3], $0x1, s28, s24, $0xb8;
	[tilespmem:$0x7680] =	vst v63  }
0xe3: {  	s12 =	sadd.s32 $0x1, s12;
	_ =	swait.ge [sflag:s29], $0x800  }
0xe4: {  	s16 =	simm.s32 @!p0 $0x80;
	p1 =	sne.s32 s12, $0x8;
	[sflag:s29] =	ssyncset.done $0x0  }
0xe5: {  	s14 =	sadd.s32 @!p0 $0x800, s13;
	s13 =	sadd.s32 @!p0 $0x400, s13;
	[sflag:s29] =	ssyncadd.s32 $0xFFFFF800  }
0xe6: {  	[spmem:s3] =	stream.indirect.scatter.add.f32 @!p0 [tilespmem:s14], [sflag:$0x2], $0x1, s13, s16, $0xb8;
	[tilespmem:$0x7680] =	vst v63  }
.Ltmp2:
0xe7: {  	_ = 	snop;
	(pc) =	sbr.rel @p1 .LBB2_3-.Ltmp2, $4  }
0xe8: {  	s13 =	simm.s32 @!p0 $0x2  }
0xe9: {  	_ =	swait.ge @!p0 [sflag:s13], $0x80  }
0xea: {  	s4 =	sadd.s32 $0x80, s4;
	[sflag:s13] =	ssyncset.done @!p0 $0x0  }
0xeb: {  	s9 =	sadd.s32 $0x80, s9;
	s11 =	sadd.s32 $0x80, s11;
	[sflag:s13] =	ssyncadd.s32 @!p0 $0xFFFFFF80  }
0xec: {  	s0 =	sadd.s32 $0x1, s0  }
0xed: {  	p1 =	sne.s32 s0, $0xA  }
.Ltmp3:
0xee: {  	_ = 	snop;
	(pc) =	sbr.rel @p1 .LBB2_2-.Ltmp3, $1  }
0xef: {  	_ =	sdelay $0x3  }
0xf0: {  	[bflag:$0x0] =	sbarrier.arrive $0xFFFF  }
0xf1: {  	s9 =	simm.s32 $0x10;
	s11 =	simm.s32 $0x20;
	s0 =	rddreg [dreg:$0xb]  }
0xf2: {  	[hbm:s0@s11], [sflag:s10] =	dma.strided [spmem:s30@s9], $0x500, s20, $0x10   }
0xf3: {  	_ =	swait.ge [sflag:s23], $0x500  }
0xf4: {  	[sflag:s23] =	ssyncset.done $0x0  }
0xf5: {  	s0 =	rddreg [dreg:$0xc];
	[sflag:s23] =	ssyncadd.s32 $0xFFFFFB00  }
0xf6: {  	[hbm:s0], [sflag:s10] =	dma.local @!p0 [spmem:s31], $0x50  }
0xf7: {  	s0 =	simm.s32 @!p0 $0x2  }
0xf8: {  	_ =	swait.ge @!p0 [sflag:s0], $0x50  }
0xf9: {  	s5 =	sadd.s32 $0x1, s5;
	s4 =	rddreg [dreg:$0xd]  }
0xfa: {  	p1 =	sne.s32 s5, s4  }
.Ltmp4:
0xfb: {  	_ = 	snop;
	(pc) =	sbr.rel @p1 .LBB2_1-.Ltmp4, $3  }
0xfc: {  	_ =	sdelay $0x1  }
0xfd: {  	[sflag:s0] =	ssyncset.done @!p0 $0x0  }
0xfe: {  	[sflag:s0] =	ssyncadd.s32 @!p0 $0xFFFFFFB0  }
0xff: {  	_ =	sfence.sel $0x180000  }
0x100: {  	[bflag:$0x0] =	sbarrier.arrive $0xFFFF  }
0x101: {  	_ =	strace $0x90000047  }
0x102: {  	s0 =	stileid.u32;
	[bflag:$0x2] =	sbarrier.arrive $0xFFFF  }
0x103: {  	p0 =	sne.s32 s0, $0x0;
	s0 =	rddreg [dreg:$0x5]  }
0x104: {  	s0 =	sadd.s32 @!p0 $0x100000, s0  }
0x105: {  	[sflag:s0] =	ssyncadd.tile.s32 @!p0 $0x1;
	_ =	shalt  }
.Lfunc_end2:
_tile_overlayer_lowered:
.L_overlay_start_2:
0x106: {  	(tag) =	ssettag $0x2  }
0x107: {  	s0 =	rddreg [dreg:$0x0];
	s2 =	stileid.u32  }
0x108: {  	s1 =	rddreg [dreg:$0x1];
	p0 =	sne.s32 s2, $0x0  }
0x109: {  	s3 =	rddreg [dreg:$0x2];
	[bflag:$0x3] =	sbarrier.arrive $0xFFFF;
	s2 =	simm.s32 @!p0 $0x1C02  }
0x10a: {  	[timem:s3], [sflag:s2] =	dma.local @!p0 [hbm:s0], s1  }
0x10b: {  	s0 =	simm.s32 @!p0 $0x2  }
0x10c: {  	_ =	swait.ge @!p0 [sflag:s0], s1  }
0x10d: {  	s1 =	ssub.s32 @!p0 $0x0, s1;
	[sflag:s0] =	ssyncset.done @!p0 $0x0  }
0x10e: {  	[sflag:s0] =	ssyncadd.s32 @!p0 s1  }
0x10f: {  	[bflag:$0x3] =	sbarrier.arrive $0xFFFF  }
0x110: {  	_ =	shalt  }

</sc_bundles>
